<compile_context>
chip_gen: v7x
topology: tpu7x:2x2x1
jax: 0.10.2.dev20260603
libtpu: 0.0.44.dev20260713+nightly
codegen_flags: <defaults>
</compile_context>

<pallas_src>
import functools

import jax
import jax.numpy as jnp
from jax import lax
from jax.experimental import pallas as pl
from jax.experimental.pallas import tpu as pltpu
from jax.experimental.pallas import tpu_sc as plsc

V = 100000
E = 768
H = 50
S = 30
C = 10
B = 16384
DP = 64
CP = 128

NIDX = B * S
NC, NS = 2, 16
NW = NC * NS
GSIZE = 128

NSPLIT = 2
BCH = B // NSPLIT
NIDXC = BCH * S
ROWS_PER_W = NIDXC // NW
GPC = 10
CHUNK = GSIZE * GPC
NCHUNK = ROWS_PER_W // CHUNK
DPH = DP // 2



_PROJ_RB = 4000


def _proj_body(emb_ref, w1t_ref, b1_ref, out_ref):
    y = (
        jnp.dot(emb_ref[...], w1t_ref[...], preferred_element_type=jnp.float32)
        + b1_ref[...]
    ).astype(jnp.bfloat16)
    lo = jax.lax.convert_element_type(
        jax.lax.bitcast_convert_type(y[:, :DPH], jnp.uint16), jnp.uint32
    )
    hi = jax.lax.convert_element_type(
        jax.lax.bitcast_convert_type(y[:, DPH:], jnp.uint16), jnp.uint32
    )
    out_ref[...] = lo | (hi << 16)


def _project_table(emb, w1t, b1p):
    return pl.pallas_call(
        _proj_body,
        grid=(V // _PROJ_RB,),
        in_specs=[
            pl.BlockSpec((_PROJ_RB, E), lambda i: (i, 0)),
            pl.BlockSpec((E, DP), lambda i: (0, 0)),
            pl.BlockSpec((1, DP), lambda i: (0, 0)),
        ],
        out_specs=pl.BlockSpec((_PROJ_RB, DPH), lambda i: (i, 0)),
        out_shape=jax.ShapeDtypeStruct((V, DPH), jnp.uint32),
    )(emb, w1t, b1p)



_sc_mesh = plsc.VectorSubcoreMesh(core_axis_name="c", subcore_axis_name="s")


@functools.partial(
    pl.kernel,
    out_type=jax.ShapeDtypeStruct((NIDXC, DPH), jnp.uint32),
    mesh=_sc_mesh,
    scratch_types=[
        pltpu.VMEM((ROWS_PER_W // GSIZE, GSIZE), jnp.int32),
        pltpu.VMEM((2, CHUNK, DPH), jnp.uint32),
        pltpu.SemaphoreType.DMA,
        pltpu.SemaphoreType.DMA,
        pltpu.SemaphoreType.DMA,
    ],
    compiler_params=pltpu.CompilerParams(use_tc_tiling_on_sc=False),
)
def _sc_gather(p_hbm, x_hbm, out_hbm, idx_v, rows_v, gsem, osem0, osem1):
    wid = lax.axis_index("s") * NC + lax.axis_index("c")
    g_per_w = ROWS_PER_W // GSIZE
    base = wid * ROWS_PER_W
    osems = (osem0, osem1)
    pltpu.sync_copy(x_hbm.at[pl.ds(wid * g_per_w, g_per_w)], idx_v)

    def pair_body(jj, carry):
        for b in range(2):
            j = jj * 2 + b
            buf = rows_v.at[b]
            dst = out_hbm.at[pl.ds(base + j * CHUNK, CHUNK)]

            @pl.when(jj > 0)
            def _():
                pltpu.make_async_copy(buf, dst, osems[b]).wait()

            copies = []
            for t in range(GPC):
                copies.append(
                    pltpu.async_copy(
                        p_hbm.at[idx_v.at[j * GPC + t]],
                        buf.at[pl.ds(t * GSIZE, GSIZE)],
                        gsem,
                    )
                )
            for cp in copies:
                cp.wait()
            pltpu.async_copy(buf, dst, osems[b])
        return carry

    lax.fori_loop(0, NCHUNK // 2, pair_body, 0)
    for b in range(2):
        j = NCHUNK - 2 + b
        pltpu.make_async_copy(
            rows_v.at[b], out_hbm.at[pl.ds(base + j * CHUNK, CHUNK)], osems[b]
        ).wait()



_OUT_RB = 1024


def _out_body(g_ref, w2lo_ref, w2hi_ref, b2p_ref, out_ref):
    gp = g_ref[...]
    glo = jax.lax.bitcast_convert_type(
        jax.lax.convert_element_type(gp & jnp.uint32(0xFFFF), jnp.uint16),
        jnp.bfloat16,
    )
    ghi = jax.lax.bitcast_convert_type(
        jax.lax.convert_element_type(gp >> 16, jnp.uint16), jnp.bfloat16
    )
    acc = (
        jnp.dot(glo, w2lo_ref[...], preferred_element_type=jnp.float32)
        + jnp.dot(ghi, w2hi_ref[...], preferred_element_type=jnp.float32)
        + b2p_ref[...]
    )
    out_ref[...] = acc[:, :C]


def _final_matmul(g2d, w2lo, w2hi, b2p):
    return pl.pallas_call(
        _out_body,
        grid=(BCH // _OUT_RB,),
        in_specs=[
            pl.BlockSpec((_OUT_RB, S * DPH), lambda i: (i, 0)),
            pl.BlockSpec((S * DPH, CP), lambda i: (0, 0)),
            pl.BlockSpec((S * DPH, CP), lambda i: (0, 0)),
            pl.BlockSpec((1, CP), lambda i: (0, 0)),
        ],
        out_specs=pl.BlockSpec((_OUT_RB, C), lambda i: (i, 0)),
        out_shape=jax.ShapeDtypeStruct((BCH, C), jnp.float32),
    )(g2d, w2lo, w2hi, b2p)




def kernel(x, emb, W1, b1, W2, b2):
    w1t = jnp.zeros((E, DP), jnp.float32).at[:, :H].set(W1.T)
    b1p = jnp.zeros((1, DP), jnp.float32).at[0, :H].set(b1)
    w2r = jnp.zeros((C, S, DP), jnp.float32).at[:, :, :H].set(
        W2.reshape(C, S, H)
    )
    w2lo = jnp.zeros((S * DPH, CP), jnp.float32).at[:, :C].set(
        w2r[:, :, :DPH].reshape(C, S * DPH).T
    ).astype(jnp.bfloat16)
    w2hi = jnp.zeros((S * DPH, CP), jnp.float32).at[:, :C].set(
        w2r[:, :, DPH:].reshape(C, S * DPH).T
    ).astype(jnp.bfloat16)
    b2p = jnp.zeros((1, CP), jnp.float32).at[0, :C].set(b2)

    p_pad = _project_table(emb, w1t, b1p)

    x2 = x.astype(jnp.int32).reshape(NSPLIT, NIDXC // GSIZE, GSIZE)
    outs = []
    for i in range(NSPLIT):
        g = _sc_gather(p_pad, x2[i])
        outs.append(_final_matmul(g.reshape(BCH, S * DPH), w2lo, w2hi, b2p))
    return jnp.concatenate(outs, axis=0)

# --- scband reference (transcript-rebuilt; emitter-appended) ---
"""Pipeline reference for scband-model-26302379720922 (READ-ONLY COPY).

The authoritative reference and input builder live on the scoring server;
editing this copy changes nothing except your own understanding.
"""

import jax, jax.numpy as jnp
import numpy as np

WORD_SIZE = 100000
EMB = 768
HIDD = 50
SEQ = 30
CLASS_NUM = 10
BATCH = 16384


def setup_inputs(seed: int = 0) -> dict:
    key = jax.random.key(seed)
    k1, k2, k3, k4, k5, k6 = jax.random.split(key, 6)
    x = jax.random.randint(k1, (BATCH, SEQ), 0, WORD_SIZE, dtype=jnp.int64 if jax.config.jax_enable_x64 else jnp.int32)
    emb = jax.random.normal(k2, (WORD_SIZE, EMB), dtype=jnp.float32) * 0.02
    W1 = jax.random.normal(k3, (HIDD, EMB), dtype=jnp.float32) * (1.0 / np.sqrt(EMB))
    b1 = jax.random.normal(k4, (HIDD,), dtype=jnp.float32) * 0.01
    W2 = jax.random.normal(k5, (CLASS_NUM, SEQ * HIDD), dtype=jnp.float32) * (1.0 / np.sqrt(SEQ * HIDD))
    b2 = jax.random.normal(k6, (CLASS_NUM,), dtype=jnp.float32) * 0.01
    return {"x": x, "emb": emb, "W1": W1, "b1": b1, "W2": W2, "b2": b2}


def reference(x, emb, W1, b1, W2, b2):
    # nn.Embedding lookup (gather)
    h = jnp.take(emb, x, axis=0)              # [B, 30, 768]
    # layer1: Linear(768 -> 50), torch convention y = h @ W^T + b
    h = jnp.einsum('bse,he->bsh', h, W1) + b1  # [B, 30, 50]
    # view(-1, 30*50)
    h = h.reshape(-1, SEQ * HIDD)              # [B, 1500]
    # layer2: Linear(1500 -> 10)
    out = h @ W2.T + b2                        # [B, 10]
    return out

if __name__ == "__main__":
    import jax
    _d = setup_inputs()
    print(jax.jit(kernel)(*tuple(_d.values())))

</pallas_src>

<mosaic_0001>
#map = affine_map<(d0, d1) -> (0, 0)>
module attributes {stable_mosaic.version = 14 : i64} {
  func.func @_sc_gather(%arg0: i32, %arg1: i32, %arg2: memref<100000x32xi32, #tpu.memory_space<hbm>>, %arg3: memref<1920x128xi32, #tpu.memory_space<hbm>>, %arg4: memref<245760x32xi32, #tpu.memory_space<hbm>>, %arg5: memref<60x128xi32, #tpu.memory_space<vmem>>, %arg6: memref<2x1280x32xi32, #tpu.memory_space<vmem>>, %arg7: memref<!tpu.dma_semaphore, #tpu.memory_space<semaphore_mem>>, %arg8: memref<!tpu.dma_semaphore, #tpu.memory_space<semaphore_mem>>, %arg9: memref<!tpu.dma_semaphore, #tpu.memory_space<semaphore_mem>>) attributes {dimension_semantics = [#tpu.dimension_semantics<core_parallel>, #tpu.dimension_semantics<subcore_parallel>], iteration_bounds = array<i64: 2, 16>, scalar_prefetch = 0 : i64, scratch_operands = 5 : i64, tpu.core_type = #tpu.core_type<sc_vector_subcore>, window_params = [{transform_indices = #map}, {transform_indices = #map}, {transform_indices = #map}]} {
    %mul3A = arith.constant 2 : i32
    %mul3A_0 = arith.muli %arg1, %mul3A : i32
    %add3A = arith.addi %mul3A_0, %arg0 : i32
    %mul3A_1 = arith.constant 7680 : i32
    %mul3A_2 = arith.muli %add3A, %mul3A_1 : i32
    %mul3A_3 = arith.constant 60 : i32
    %mul3A_4 = arith.muli %add3A, %mul3A_3 : i32
    "tpu.region"() ({
      %run_scoped3A = tpu.sem_alloc : memref<!tpu.dma_semaphore, #tpu.memory_space<semaphore_mem>>
      %dma_start3A = arith.constant 0 : i32
      %dma_start3A_39 = tpu.memref_slice %arg3[%mul3A_4, %dma_start3A] : memref<1920x128xi32, #tpu.memory_space<hbm>> -> memref<60x128xi32, #tpu.memory_space<hbm>>
      %dma_start3A_40 = arith.constant 0 : i32
      %dma_start3A_41 = tpu.memref_slice %arg3[%mul3A_4, %dma_start3A_40] : memref<1920x128xi32, #tpu.memory_space<hbm>> -> memref<60x128xi32, #tpu.memory_space<hbm>>
      tpu.enqueue_dma source(%dma_start3A_41 : memref<60x128xi32, #tpu.memory_space<hbm>>) target(%arg5 : memref<60x128xi32, #tpu.memory_space<vmem>>) target_semaphore(%run_scoped3A : memref<!tpu.dma_semaphore, #tpu.memory_space<semaphore_mem>>)
      %dma_wait3A_42 = arith.constant 0 : i32
      %dma_wait3A_43 = tpu.memref_slice %arg3[%mul3A_4, %dma_wait3A_42] : memref<1920x128xi32, #tpu.memory_space<hbm>> -> memref<60x128xi32, #tpu.memory_space<hbm>>
      %dma_wait3A_44 = arith.constant 0 : i32
      %dma_wait3A_45 = tpu.memref_slice %arg3[%mul3A_4, %dma_wait3A_44] : memref<1920x128xi32, #tpu.memory_space<hbm>> -> memref<60x128xi32, #tpu.memory_space<hbm>>
      tpu.wait_dma2 semaphore(%run_scoped3A : memref<!tpu.dma_semaphore, #tpu.memory_space<semaphore_mem>>) src(%dma_wait3A_45 : memref<60x128xi32, #tpu.memory_space<hbm>>) dst(%arg5 : memref<60x128xi32, #tpu.memory_space<vmem>>)
      tpu.yield
    }) : () -> ()
    %scan3A = arith.constant 0 : i32
    %scan3A_5 = arith.constant 0 : i32
    %scan3A_6 = arith.constant 3 : i32
    %scan3A_7 = arith.addi %scan3A_5, %scan3A_6 : i32
    %scan3A_8 = arith.constant 1 : i32
    scf.for %scan3A_39 = %scan3A_5 to %scan3A_7 step %scan3A_8  : i32 {
      %mul3A_40 = arith.constant 2 : i32
      %mul3A_41 = arith.muli %scan3A_39, %mul3A_40 : i32
      %add3A_42 = arith.constant 0 : i32
      %add3A_43 = arith.addi %mul3A_41, %add3A_42 : i32
      %mul3A_44 = arith.constant 1280 : i32
      %mul3A_45 = arith.muli %add3A_43, %mul3A_44 : i32
      %add3A_46 = arith.addi %mul3A_2, %mul3A_45 : i32
      %gt3A = arith.constant 0 : i32
      %gt3A_47 = arith.cmpi sgt, %scan3A_39, %gt3A : i32
      %convert_element_type3A = arith.extui %gt3A_47 : i1 to i32
      %cond3A = arith.constant 0 : i32
      %cond3A_48 = arith.constant 0 : i32
      %cond3A_49 = arith.cmpi ne, %convert_element_type3A, %cond3A_48 : i32
      scf.if %cond3A_49 {
        %dma_wait3A_728 = arith.constant 0 : i32
        %dma_wait3A_729 = arith.constant 0 : i32
        %dma_wait3A_730 = tpu.memref_slice %arg6[%cond3A, %dma_wait3A_728, %dma_wait3A_729] : memref<2x1280x32xi32, #tpu.memory_space<vmem>> -> memref<1x1280x32xi32, #tpu.memory_space<vmem>>
        %dma_wait3A_731 = tpu.memref_squeeze %dma_wait3A_730 : memref<1x1280x32xi32, #tpu.memory_space<vmem>> -> memref<1280x32xi32, #tpu.memory_space<vmem>>
        %dma_wait3A_732 = arith.constant 0 : i32
        %dma_wait3A_733 = tpu.memref_slice %arg4[%add3A_46, %dma_wait3A_732] : memref<245760x32xi32, #tpu.memory_space<hbm>> -> memref<1280x32xi32, #tpu.memory_space<hbm>>
        %dma_wait3A_734 = arith.constant 0 : i32
        %dma_wait3A_735 = tpu.memref_slice %arg4[%add3A_46, %dma_wait3A_734] : memref<245760x32xi32, #tpu.memory_space<hbm>> -> memref<1280x32xi32, #tpu.memory_space<hbm>>
        %dma_wait3A_736 = arith.constant 0 : i32
        %dma_wait3A_737 = arith.constant 0 : i32
        %dma_wait3A_738 = tpu.memref_slice %arg6[%cond3A, %dma_wait3A_736, %dma_wait3A_737] : memref<2x1280x32xi32, #tpu.memory_space<vmem>> -> memref<1x1280x32xi32, #tpu.memory_space<vmem>>
        %dma_wait3A_739 = tpu.memref_squeeze %dma_wait3A_738 : memref<1x1280x32xi32, #tpu.memory_space<vmem>> -> memref<1280x32xi32, #tpu.memory_space<vmem>>
        tpu.wait_dma2 semaphore(%arg8 : memref<!tpu.dma_semaphore, #tpu.memory_space<semaphore_mem>>) src(%dma_wait3A_739 : memref<1280x32xi32, #tpu.memory_space<vmem>>) dst(%dma_wait3A_735 : memref<1280x32xi32, #tpu.memory_space<hbm>>)
      } else {
      }
      %mul3A_50 = arith.constant 10 : i32
      %mul3A_51 = arith.muli %add3A_43, %mul3A_50 : i32
      %add3A_52 = arith.constant 0 : i32
      %add3A_53 = arith.addi %mul3A_51, %add3A_52 : i32
      %dma_start3A = arith.constant 0 : i32
      %dma_start3A_54 = arith.constant 0 : i32
      %dma_start3A_55 = arith.constant 0 : i32
      %dma_start3A_56 = tpu.memref_slice %arg6[%dma_start3A, %dma_start3A_54, %dma_start3A_55] : memref<2x1280x32xi32, #tpu.memory_space<vmem>> -> memref<1x1280x32xi32, #tpu.memory_space<vmem>>
      %dma_start3A_57 = tpu.memref_squeeze %dma_start3A_56 : memref<1x1280x32xi32, #tpu.memory_space<vmem>> -> memref<1280x32xi32, #tpu.memory_space<vmem>>
      %dma_start3A_58 = arith.constant 0 : i32
      %dma_start3A_59 = arith.constant 0 : i32
      %dma_start3A_60 = tpu.memref_slice %dma_start3A_57[%dma_start3A_58, %dma_start3A_59] : memref<1280x32xi32, #tpu.memory_space<vmem>> -> memref<128x32xi32, #tpu.memory_space<vmem>>
      %dma_start3A_61 = arith.constant 0 : i32
      %dma_start3A_62 = tpu.memref_slice %arg5[%add3A_53, %dma_start3A_61] : memref<60x128xi32, #tpu.memory_space<vmem>> -> memref<1x128xi32, #tpu.memory_space<vmem>>
      %dma_start3A_63 = tpu.memref_squeeze %dma_start3A_62 : memref<1x128xi32, #tpu.memory_space<vmem>> -> memref<128xi32, #tpu.memory_space<vmem>>
      %dma_start3A_64 = arith.constant 0 : i32
      %dma_start3A_65 = arith.constant 0 : i32
      %dma_start3A_66 = tpu.memref_slice %arg2[%dma_start3A_64, %dma_start3A_65] : memref<100000x32xi32, #tpu.memory_space<hbm>> -> memref<100000x32xi32, #tpu.memory_space<hbm>>
      tpu.enqueue_indirect_dma source(%dma_start3A_66 : memref<100000x32xi32, #tpu.memory_space<hbm>>) target(%dma_start3A_60 : memref<128x32xi32, #tpu.memory_space<vmem>>) offsets(%dma_start3A_63 : memref<128xi32, #tpu.memory_space<vmem>>) semaphore(%arg7 : memref<!tpu.dma_semaphore, #tpu.memory_space<semaphore_mem>>)
      %mul3A_67 = arith.constant 10 : i32
      %mul3A_68 = arith.muli %add3A_43, %mul3A_67 : i32
      %add3A_69 = arith.constant 1 : i32
      %add3A_70 = arith.addi %mul3A_68, %add3A_69 : i32
      %dma_start3A_71 = arith.constant 0 : i32
      %dma_start3A_72 = arith.constant 0 : i32
      %dma_start3A_73 = arith.constant 0 : i32
      %dma_start3A_74 = tpu.memref_slice %arg6[%dma_start3A_71, %dma_start3A_72, %dma_start3A_73] : memref<2x1280x32xi32, #tpu.memory_space<vmem>> -> memref<1x1280x32xi32, #tpu.memory_space<vmem>>
      %dma_start3A_75 = tpu.memref_squeeze %dma_start3A_74 : memref<1x1280x32xi32, #tpu.memory_space<vmem>> -> memref<1280x32xi32, #tpu.memory_space<vmem>>
      %dma_start3A_76 = arith.constant 128 : i32
      %dma_start3A_77 = arith.constant 0 : i32
      %dma_start3A_78 = tpu.memref_slice %dma_start3A_75[%dma_start3A_76, %dma_start3A_77] : memref<1280x32xi32, #tpu.memory_space<vmem>> -> memref<128x32xi32, #tpu.memory_space<vmem>>
      %dma_start3A_79 = arith.constant 0 : i32
      %dma_start3A_80 = tpu.memref_slice %arg5[%add3A_70, %dma_start3A_79] : memref<60x128xi32, #tpu.memory_space<vmem>> -> memref<1x128xi32, #tpu.memory_space<vmem>>
      %dma_start3A_81 = tpu.memref_squeeze %dma_start3A_80 : memref<1x128xi32, #tpu.memory_space<vmem>> -> memref<128xi32, #tpu.memory_space<vmem>>
      %dma_start3A_82 = arith.constant 0 : i32
      %dma_start3A_83 = arith.constant 0 : i32
      %dma_start3A_84 = tpu.memref_slice %arg2[%dma_start3A_82, %dma_start3A_83] : memref<100000x32xi32, #tpu.memory_space<hbm>> -> memref<100000x32xi32, #tpu.memory_space<hbm>>
      tpu.enqueue_indirect_dma source(%dma_start3A_84 : memref<100000x32xi32, #tpu.memory_space<hbm>>) target(%dma_start3A_78 : memref<128x32xi32, #tpu.memory_space<vmem>>) offsets(%dma_start3A_81 : memref<128xi32, #tpu.memory_space<vmem>>) semaphore(%arg7 : memref<!tpu.dma_semaphore, #tpu.memory_space<semaphore_mem>>)
      %mul3A_85 = arith.constant 10 : i32
      %mul3A_86 = arith.muli %add3A_43, %mul3A_85 : i32
      %add3A_87 = arith.constant 2 : i32
      %add3A_88 = arith.addi %mul3A_86, %add3A_87 : i32
      %dma_start3A_89 = arith.constant 0 : i32
      %dma_start3A_90 = arith.constant 0 : i32
      %dma_start3A_91 = arith.constant 0 : i32
      %dma_start3A_92 = tpu.memref_slice %arg6[%dma_start3A_89, %dma_start3A_90, %dma_start3A_91] : memref<2x1280x32xi32, #tpu.memory_space<vmem>> -> memref<1x1280x32xi32, #tpu.memory_space<vmem>>
      %dma_start3A_93 = tpu.memref_squeeze %dma_start3A_92 : memref<1x1280x32xi32, #tpu.memory_space<vmem>> -> memref<1280x32xi32, #tpu.memory_space<vmem>>
      %dma_start3A_94 = arith.constant 256 : i32
      %dma_start3A_95 = arith.constant 0 : i32
      %dma_start3A_96 = tpu.memref_slice %dma_start3A_93[%dma_start3A_94, %dma_start3A_95] : memref<1280x32xi32, #tpu.memory_space<vmem>> -> memref<128x32xi32, #tpu.memory_space<vmem>>
      %dma_start3A_97 = arith.constant 0 : i32
      %dma_start3A_98 = tpu.memref_slice %arg5[%add3A_88, %dma_start3A_97] : memref<60x128xi32, #tpu.memory_space<vmem>> -> memref<1x128xi32, #tpu.memory_space<vmem>>
      %dma_start3A_99 = tpu.memref_squeeze %dma_start3A_98 : memref<1x128xi32, #tpu.memory_space<vmem>> -> memref<128xi32, #tpu.memory_space<vmem>>
      %dma_start3A_100 = arith.constant 0 : i32
      %dma_start3A_101 = arith.constant 0 : i32
      %dma_start3A_102 = tpu.memref_slice %arg2[%dma_start3A_100, %dma_start3A_101] : memref<100000x32xi32, #tpu.memory_space<hbm>> -> memref<100000x32xi32, #tpu.memory_space<hbm>>
      tpu.enqueue_indirect_dma source(%dma_start3A_102 : memref<100000x32xi32, #tpu.memory_space<hbm>>) target(%dma_start3A_96 : memref<128x32xi32, #tpu.memory_space<vmem>>) offsets(%dma_start3A_99 : memref<128xi32, #tpu.memory_space<vmem>>) semaphore(%arg7 : memref<!tpu.dma_semaphore, #tpu.memory_space<semaphore_mem>>)
      %mul3A_103 = arith.constant 10 : i32
      %mul3A_104 = arith.muli %add3A_43, %mul3A_103 : i32
      %add3A_105 = arith.constant 3 : i32
      %add3A_106 = arith.addi %mul3A_104, %add3A_105 : i32
      %dma_start3A_107 = arith.constant 0 : i32
      %dma_start3A_108 = arith.constant 0 : i32
      %dma_start3A_109 = arith.constant 0 : i32
      %dma_start3A_110 = tpu.memref_slice %arg6[%dma_start3A_107, %dma_start3A_108, %dma_start3A_109] : memref<2x1280x32xi32, #tpu.memory_space<vmem>> -> memref<1x1280x32xi32, #tpu.memory_space<vmem>>
      %dma_start3A_111 = tpu.memref_squeeze %dma_start3A_110 : memref<1x1280x32xi32, #tpu.memory_space<vmem>> -> memref<1280x32xi32, #tpu.memory_space<vmem>>
      %dma_start3A_112 = arith.constant 384 : i32
      %dma_start3A_113 = arith.constant 0 : i32
      %dma_start3A_114 = tpu.memref_slice %dma_start3A_111[%dma_start3A_112, %dma_start3A_113] : memref<1280x32xi32, #tpu.memory_space<vmem>> -> memref<128x32xi32, #tpu.memory_space<vmem>>
      %dma_start3A_115 = arith.constant 0 : i32
      %dma_start3A_116 = tpu.memref_slice %arg5[%add3A_106, %dma_start3A_115] : memref<60x128xi32, #tpu.memory_space<vmem>> -> memref<1x128xi32, #tpu.memory_space<vmem>>
      %dma_start3A_117 = tpu.memref_squeeze %dma_start3A_116 : memref<1x128xi32, #tpu.memory_space<vmem>> -> memref<128xi32, #tpu.memory_space<vmem>>
      %dma_start3A_118 = arith.constant 0 : i32
      %dma_start3A_119 = arith.constant 0 : i32
      %dma_start3A_120 = tpu.memref_slice %arg2[%dma_start3A_118, %dma_start3A_119] : memref<100000x32xi32, #tpu.memory_space<hbm>> -> memref<100000x32xi32, #tpu.memory_space<hbm>>
      tpu.enqueue_indirect_dma source(%dma_start3A_120 : memref<100000x32xi32, #tpu.memory_space<hbm>>) target(%dma_start3A_114 : memref<128x32xi32, #tpu.memory_space<vmem>>) offsets(%dma_start3A_117 : memref<128xi32, #tpu.memory_space<vmem>>) semaphore(%arg7 : memref<!tpu.dma_semaphore, #tpu.memory_space<semaphore_mem>>)
      %mul3A_121 = arith.constant 10 : i32
      %mul3A_122 = arith.muli %add3A_43, %mul3A_121 : i32
      %add3A_123 = arith.constant 4 : i32
      %add3A_124 = arith.addi %mul3A_122, %add3A_123 : i32
      %dma_start3A_125 = arith.constant 0 : i32
      %dma_start3A_126 = arith.constant 0 : i32
      %dma_start3A_127 = arith.constant 0 : i32
      %dma_start3A_128 = tpu.memref_slice %arg6[%dma_start3A_125, %dma_start3A_126, %dma_start3A_127] : memref<2x1280x32xi32, #tpu.memory_space<vmem>> -> memref<1x1280x32xi32, #tpu.memory_space<vmem>>
      %dma_start3A_129 = tpu.memref_squeeze %dma_start3A_128 : memref<1x1280x32xi32, #tpu.memory_space<vmem>> -> memref<1280x32xi32, #tpu.memory_space<vmem>>
      %dma_start3A_130 = arith.constant 512 : i32
      %dma_start3A_131 = arith.constant 0 : i32
      %dma_start3A_132 = tpu.memref_slice %dma_start3A_129[%dma_start3A_130, %dma_start3A_131] : memref<1280x32xi32, #tpu.memory_space<vmem>> -> memref<128x32xi32, #tpu.memory_space<vmem>>
      %dma_start3A_133 = arith.constant 0 : i32
      %dma_start3A_134 = tpu.memref_slice %arg5[%add3A_124, %dma_start3A_133] : memref<60x128xi32, #tpu.memory_space<vmem>> -> memref<1x128xi32, #tpu.memory_space<vmem>>
      %dma_start3A_135 = tpu.memref_squeeze %dma_start3A_134 : memref<1x128xi32, #tpu.memory_space<vmem>> -> memref<128xi32, #tpu.memory_space<vmem>>
      %dma_start3A_136 = arith.constant 0 : i32
      %dma_start3A_137 = arith.constant 0 : i32
      %dma_start3A_138 = tpu.memref_slice %arg2[%dma_start3A_136, %dma_start3A_137] : memref<100000x32xi32, #tpu.memory_space<hbm>> -> memref<100000x32xi32, #tpu.memory_space<hbm>>
      tpu.enqueue_indirect_dma source(%dma_start3A_138 : memref<100000x32xi32, #tpu.memory_space<hbm>>) target(%dma_start3A_132 : memref<128x32xi32, #tpu.memory_space<vmem>>) offsets(%dma_start3A_135 : memref<128xi32, #tpu.memory_space<vmem>>) semaphore(%arg7 : memref<!tpu.dma_semaphore, #tpu.memory_space<semaphore_mem>>)
      %mul3A_139 = arith.constant 10 : i32
      %mul3A_140 = arith.muli %add3A_43, %mul3A_139 : i32
      %add3A_141 = arith.constant 5 : i32
      %add3A_142 = arith.addi %mul3A_140, %add3A_141 : i32
      %dma_start3A_143 = arith.constant 0 : i32
      %dma_start3A_144 = arith.constant 0 : i32
      %dma_start3A_145 = arith.constant 0 : i32
      %dma_start3A_146 = tpu.memref_slice %arg6[%dma_start3A_143, %dma_start3A_144, %dma_start3A_145] : memref<2x1280x32xi32, #tpu.memory_space<vmem>> -> memref<1x1280x32xi32, #tpu.memory_space<vmem>>
      %dma_start3A_147 = tpu.memref_squeeze %dma_start3A_146 : memref<1x1280x32xi32, #tpu.memory_space<vmem>> -> memref<1280x32xi32, #tpu.memory_space<vmem>>
      %dma_start3A_148 = arith.constant 640 : i32
      %dma_start3A_149 = arith.constant 0 : i32
      %dma_start3A_150 = tpu.memref_slice %dma_start3A_147[%dma_start3A_148, %dma_start3A_149] : memref<1280x32xi32, #tpu.memory_space<vmem>> -> memref<128x32xi32, #tpu.memory_space<vmem>>
      %dma_start3A_151 = arith.constant 0 : i32
      %dma_start3A_152 = tpu.memref_slice %arg5[%add3A_142, %dma_start3A_151] : memref<60x128xi32, #tpu.memory_space<vmem>> -> memref<1x128xi32, #tpu.memory_space<vmem>>
      %dma_start3A_153 = tpu.memref_squeeze %dma_start3A_152 : memref<1x128xi32, #tpu.memory_space<vmem>> -> memref<128xi32, #tpu.memory_space<vmem>>
      %dma_start3A_154 = arith.constant 0 : i32
      %dma_start3A_155 = arith.constant 0 : i32
      %dma_start3A_156 = tpu.memref_slice %arg2[%dma_start3A_154, %dma_start3A_155] : memref<100000x32xi32, #tpu.memory_space<hbm>> -> memref<100000x32xi32, #tpu.memory_space<hbm>>
      tpu.enqueue_indirect_dma source(%dma_start3A_156 : memref<100000x32xi32, #tpu.memory_space<hbm>>) target(%dma_start3A_150 : memref<128x32xi32, #tpu.memory_space<vmem>>) offsets(%dma_start3A_153 : memref<128xi32, #tpu.memory_space<vmem>>) semaphore(%arg7 : memref<!tpu.dma_semaphore, #tpu.memory_space<semaphore_mem>>)
      %mul3A_157 = arith.constant 10 : i32
      %mul3A_158 = arith.muli %add3A_43, %mul3A_157 : i32
      %add3A_159 = arith.constant 6 : i32
      %add3A_160 = arith.addi %mul3A_158, %add3A_159 : i32
      %dma_start3A_161 = arith.constant 0 : i32
      %dma_start3A_162 = arith.constant 0 : i32
      %dma_start3A_163 = arith.constant 0 : i32
      %dma_start3A_164 = tpu.memref_slice %arg6[%dma_start3A_161, %dma_start3A_162, %dma_start3A_163] : memref<2x1280x32xi32, #tpu.memory_space<vmem>> -> memref<1x1280x32xi32, #tpu.memory_space<vmem>>
      %dma_start3A_165 = tpu.memref_squeeze %dma_start3A_164 : memref<1x1280x32xi32, #tpu.memory_space<vmem>> -> memref<1280x32xi32, #tpu.memory_space<vmem>>
      %dma_start3A_166 = arith.constant 768 : i32
      %dma_start3A_167 = arith.constant 0 : i32
      %dma_start3A_168 = tpu.memref_slice %dma_start3A_165[%dma_start3A_166, %dma_start3A_167] : memref<1280x32xi32, #tpu.memory_space<vmem>> -> memref<128x32xi32, #tpu.memory_space<vmem>>
      %dma_start3A_169 = arith.constant 0 : i32
      %dma_start3A_170 = tpu.memref_slice %arg5[%add3A_160, %dma_start3A_169] : memref<60x128xi32, #tpu.memory_space<vmem>> -> memref<1x128xi32, #tpu.memory_space<vmem>>
      %dma_start3A_171 = tpu.memref_squeeze %dma_start3A_170 : memref<1x128xi32, #tpu.memory_space<vmem>> -> memref<128xi32, #tpu.memory_space<vmem>>
      %dma_start3A_172 = arith.constant 0 : i32
      %dma_start3A_173 = arith.constant 0 : i32
      %dma_start3A_174 = tpu.memref_slice %arg2[%dma_start3A_172, %dma_start3A_173] : memref<100000x32xi32, #tpu.memory_space<hbm>> -> memref<100000x32xi32, #tpu.memory_space<hbm>>
      tpu.enqueue_indirect_dma source(%dma_start3A_174 : memref<100000x32xi32, #tpu.memory_space<hbm>>) target(%dma_start3A_168 : memref<128x32xi32, #tpu.memory_space<vmem>>) offsets(%dma_start3A_171 : memref<128xi32, #tpu.memory_space<vmem>>) semaphore(%arg7 : memref<!tpu.dma_semaphore, #tpu.memory_space<semaphore_mem>>)
      %mul3A_175 = arith.constant 10 : i32
      %mul3A_176 = arith.muli %add3A_43, %mul3A_175 : i32
      %add3A_177 = arith.constant 7 : i32
      %add3A_178 = arith.addi %mul3A_176, %add3A_177 : i32
      %dma_start3A_179 = arith.constant 0 : i32
      %dma_start3A_180 = arith.constant 0 : i32
      %dma_start3A_181 = arith.constant 0 : i32
      %dma_start3A_182 = tpu.memref_slice %arg6[%dma_start3A_179, %dma_start3A_180, %dma_start3A_181] : memref<2x1280x32xi32, #tpu.memory_space<vmem>> -> memref<1x1280x32xi32, #tpu.memory_space<vmem>>
      %dma_start3A_183 = tpu.memref_squeeze %dma_start3A_182 : memref<1x1280x32xi32, #tpu.memory_space<vmem>> -> memref<1280x32xi32, #tpu.memory_space<vmem>>
      %dma_start3A_184 = arith.constant 896 : i32
      %dma_start3A_185 = arith.constant 0 : i32
      %dma_start3A_186 = tpu.memref_slice %dma_start3A_183[%dma_start3A_184, %dma_start3A_185] : memref<1280x32xi32, #tpu.memory_space<vmem>> -> memref<128x32xi32, #tpu.memory_space<vmem>>
      %dma_start3A_187 = arith.constant 0 : i32
      %dma_start3A_188 = tpu.memref_slice %arg5[%add3A_178, %dma_start3A_187] : memref<60x128xi32, #tpu.memory_space<vmem>> -> memref<1x128xi32, #tpu.memory_space<vmem>>
      %dma_start3A_189 = tpu.memref_squeeze %dma_start3A_188 : memref<1x128xi32, #tpu.memory_space<vmem>> -> memref<128xi32, #tpu.memory_space<vmem>>
      %dma_start3A_190 = arith.constant 0 : i32
      %dma_start3A_191 = arith.constant 0 : i32
      %dma_start3A_192 = tpu.memref_slice %arg2[%dma_start3A_190, %dma_start3A_191] : memref<100000x32xi32, #tpu.memory_space<hbm>> -> memref<100000x32xi32, #tpu.memory_space<hbm>>
      tpu.enqueue_indirect_dma source(%dma_start3A_192 : memref<100000x32xi32, #tpu.memory_space<hbm>>) target(%dma_start3A_186 : memref<128x32xi32, #tpu.memory_space<vmem>>) offsets(%dma_start3A_189 : memref<128xi32, #tpu.memory_space<vmem>>) semaphore(%arg7 : memref<!tpu.dma_semaphore, #tpu.memory_space<semaphore_mem>>)
      %mul3A_193 = arith.constant 10 : i32
      %mul3A_194 = arith.muli %add3A_43, %mul3A_193 : i32
      %add3A_195 = arith.constant 8 : i32
      %add3A_196 = arith.addi %mul3A_194, %add3A_195 : i32
      %dma_start3A_197 = arith.constant 0 : i32
      %dma_start3A_198 = arith.constant 0 : i32
      %dma_start3A_199 = arith.constant 0 : i32
      %dma_start3A_200 = tpu.memref_slice %arg6[%dma_start3A_197, %dma_start3A_198, %dma_start3A_199] : memref<2x1280x32xi32, #tpu.memory_space<vmem>> -> memref<1x1280x32xi32, #tpu.memory_space<vmem>>
      %dma_start3A_201 = tpu.memref_squeeze %dma_start3A_200 : memref<1x1280x32xi32, #tpu.memory_space<vmem>> -> memref<1280x32xi32, #tpu.memory_space<vmem>>
      %dma_start3A_202 = arith.constant 1024 : i32
      %dma_start3A_203 = arith.constant 0 : i32
      %dma_start3A_204 = tpu.memref_slice %dma_start3A_201[%dma_start3A_202, %dma_start3A_203] : memref<1280x32xi32, #tpu.memory_space<vmem>> -> memref<128x32xi32, #tpu.memory_space<vmem>>
      %dma_start3A_205 = arith.constant 0 : i32
      %dma_start3A_206 = tpu.memref_slice %arg5[%add3A_196, %dma_start3A_205] : memref<60x128xi32, #tpu.memory_space<vmem>> -> memref<1x128xi32, #tpu.memory_space<vmem>>
      %dma_start3A_207 = tpu.memref_squeeze %dma_start3A_206 : memref<1x128xi32, #tpu.memory_space<vmem>> -> memref<128xi32, #tpu.memory_space<vmem>>
      %dma_start3A_208 = arith.constant 0 : i32
      %dma_start3A_209 = arith.constant 0 : i32
      %dma_start3A_210 = tpu.memref_slice %arg2[%dma_start3A_208, %dma_start3A_209] : memref<100000x32xi32, #tpu.memory_space<hbm>> -> memref<100000x32xi32, #tpu.memory_space<hbm>>
      tpu.enqueue_indirect_dma source(%dma_start3A_210 : memref<100000x32xi32, #tpu.memory_space<hbm>>) target(%dma_start3A_204 : memref<128x32xi32, #tpu.memory_space<vmem>>) offsets(%dma_start3A_207 : memref<128xi32, #tpu.memory_space<vmem>>) semaphore(%arg7 : memref<!tpu.dma_semaphore, #tpu.memory_space<semaphore_mem>>)
      %mul3A_211 = arith.constant 10 : i32
      %mul3A_212 = arith.muli %add3A_43, %mul3A_211 : i32
      %add3A_213 = arith.constant 9 : i32
      %add3A_214 = arith.addi %mul3A_212, %add3A_213 : i32
      %dma_start3A_215 = arith.constant 0 : i32
      %dma_start3A_216 = arith.constant 0 : i32
      %dma_start3A_217 = arith.constant 0 : i32
      %dma_start3A_218 = tpu.memref_slice %arg6[%dma_start3A_215, %dma_start3A_216, %dma_start3A_217] : memref<2x1280x32xi32, #tpu.memory_space<vmem>> -> memref<1x1280x32xi32, #tpu.memory_space<vmem>>
      %dma_start3A_219 = tpu.memref_squeeze %dma_start3A_218 : memref<1x1280x32xi32, #tpu.memory_space<vmem>> -> memref<1280x32xi32, #tpu.memory_space<vmem>>
      %dma_start3A_220 = arith.constant 1152 : i32
      %dma_start3A_221 = arith.constant 0 : i32
      %dma_start3A_222 = tpu.memref_slice %dma_start3A_219[%dma_start3A_220, %dma_start3A_221] : memref<1280x32xi32, #tpu.memory_space<vmem>> -> memref<128x32xi32, #tpu.memory_space<vmem>>
      %dma_start3A_223 = arith.constant 0 : i32
      %dma_start3A_224 = tpu.memref_slice %arg5[%add3A_214, %dma_start3A_223] : memref<60x128xi32, #tpu.memory_space<vmem>> -> memref<1x128xi32, #tpu.memory_space<vmem>>
      %dma_start3A_225 = tpu.memref_squeeze %dma_start3A_224 : memref<1x128xi32, #tpu.memory_space<vmem>> -> memref<128xi32, #tpu.memory_space<vmem>>
      %dma_start3A_226 = arith.constant 0 : i32
      %dma_start3A_227 = arith.constant 0 : i32
      %dma_start3A_228 = tpu.memref_slice %arg2[%dma_start3A_226, %dma_start3A_227] : memref<100000x32xi32, #tpu.memory_space<hbm>> -> memref<100000x32xi32, #tpu.memory_space<hbm>>
      tpu.enqueue_indirect_dma source(%dma_start3A_228 : memref<100000x32xi32, #tpu.memory_space<hbm>>) target(%dma_start3A_222 : memref<128x32xi32, #tpu.memory_space<vmem>>) offsets(%dma_start3A_225 : memref<128xi32, #tpu.memory_space<vmem>>) semaphore(%arg7 : memref<!tpu.dma_semaphore, #tpu.memory_space<semaphore_mem>>)
      %dma_wait3A_229 = arith.constant 0 : i32
      %dma_wait3A_230 = arith.constant 0 : i32
      %dma_wait3A_231 = arith.constant 0 : i32
      %dma_wait3A_232 = tpu.memref_slice %arg6[%dma_wait3A_229, %dma_wait3A_230, %dma_wait3A_231] : memref<2x1280x32xi32, #tpu.memory_space<vmem>> -> memref<1x1280x32xi32, #tpu.memory_space<vmem>>
      %dma_wait3A_233 = tpu.memref_squeeze %dma_wait3A_232 : memref<1x1280x32xi32, #tpu.memory_space<vmem>> -> memref<1280x32xi32, #tpu.memory_space<vmem>>
      %dma_wait3A_234 = arith.constant 0 : i32
      %dma_wait3A_235 = arith.constant 0 : i32
      %dma_wait3A_236 = tpu.memref_slice %dma_wait3A_233[%dma_wait3A_234, %dma_wait3A_235] : memref<1280x32xi32, #tpu.memory_space<vmem>> -> memref<128x32xi32, #tpu.memory_space<vmem>>
      %dma_wait3A_237 = arith.constant 0 : i32
      %dma_wait3A_238 = tpu.memref_slice %arg5[%add3A_53, %dma_wait3A_237] : memref<60x128xi32, #tpu.memory_space<vmem>> -> memref<1x128xi32, #tpu.memory_space<vmem>>
      %dma_wait3A_239 = tpu.memref_squeeze %dma_wait3A_238 : memref<1x128xi32, #tpu.memory_space<vmem>> -> memref<128xi32, #tpu.memory_space<vmem>>
      %dma_wait3A_240 = arith.constant 0 : i32
      %dma_wait3A_241 = arith.constant 0 : i32
      %dma_wait3A_242 = tpu.memref_slice %arg2[%dma_wait3A_240, %dma_wait3A_241] : memref<100000x32xi32, #tpu.memory_space<hbm>> -> memref<100000x32xi32, #tpu.memory_space<hbm>>
      tpu.wait_indirect_dma semaphore(%arg7 : memref<!tpu.dma_semaphore, #tpu.memory_space<semaphore_mem>>) src(%dma_wait3A_242 : memref<100000x32xi32, #tpu.memory_space<hbm>>) dst(%dma_wait3A_236 : memref<128x32xi32, #tpu.memory_space<vmem>>)
      %dma_wait3A_243 = arith.constant 0 : i32
      %dma_wait3A_244 = arith.constant 0 : i32
      %dma_wait3A_245 = arith.constant 0 : i32
      %dma_wait3A_246 = tpu.memref_slice %arg6[%dma_wait3A_243, %dma_wait3A_244, %dma_wait3A_245] : memref<2x1280x32xi32, #tpu.memory_space<vmem>> -> memref<1x1280x32xi32, #tpu.memory_space<vmem>>
      %dma_wait3A_247 = tpu.memref_squeeze %dma_wait3A_246 : memref<1x1280x32xi32, #tpu.memory_space<vmem>> -> memref<1280x32xi32, #tpu.memory_space<vmem>>
      %dma_wait3A_248 = arith.constant 128 : i32
      %dma_wait3A_249 = arith.constant 0 : i32
      %dma_wait3A_250 = tpu.memref_slice %dma_wait3A_247[%dma_wait3A_248, %dma_wait3A_249] : memref<1280x32xi32, #tpu.memory_space<vmem>> -> memref<128x32xi32, #tpu.memory_space<vmem>>
      %dma_wait3A_251 = arith.constant 0 : i32
      %dma_wait3A_252 = tpu.memref_slice %arg5[%add3A_70, %dma_wait3A_251] : memref<60x128xi32, #tpu.memory_space<vmem>> -> memref<1x128xi32, #tpu.memory_space<vmem>>
      %dma_wait3A_253 = tpu.memref_squeeze %dma_wait3A_252 : memref<1x128xi32, #tpu.memory_space<vmem>> -> memref<128xi32, #tpu.memory_space<vmem>>
      %dma_wait3A_254 = arith.constant 0 : i32
      %dma_wait3A_255 = arith.constant 0 : i32
      %dma_wait3A_256 = tpu.memref_slice %arg2[%dma_wait3A_254, %dma_wait3A_255] : memref<100000x32xi32, #tpu.memory_space<hbm>> -> memref<100000x32xi32, #tpu.memory_space<hbm>>
      tpu.wait_indirect_dma semaphore(%arg7 : memref<!tpu.dma_semaphore, #tpu.memory_space<semaphore_mem>>) src(%dma_wait3A_256 : memref<100000x32xi32, #tpu.memory_space<hbm>>) dst(%dma_wait3A_250 : memref<128x32xi32, #tpu.memory_space<vmem>>)
      %dma_wait3A_257 = arith.constant 0 : i32
      %dma_wait3A_258 = arith.constant 0 : i32
      %dma_wait3A_259 = arith.constant 0 : i32
      %dma_wait3A_260 = tpu.memref_slice %arg6[%dma_wait3A_257, %dma_wait3A_258, %dma_wait3A_259] : memref<2x1280x32xi32, #tpu.memory_space<vmem>> -> memref<1x1280x32xi32, #tpu.memory_space<vmem>>
      %dma_wait3A_261 = tpu.memref_squeeze %dma_wait3A_260 : memref<1x1280x32xi32, #tpu.memory_space<vmem>> -> memref<1280x32xi32, #tpu.memory_space<vmem>>
      %dma_wait3A_262 = arith.constant 256 : i32
      %dma_wait3A_263 = arith.constant 0 : i32
      %dma_wait3A_264 = tpu.memref_slice %dma_wait3A_261[%dma_wait3A_262, %dma_wait3A_263] : memref<1280x32xi32, #tpu.memory_space<vmem>> -> memref<128x32xi32, #tpu.memory_space<vmem>>
      %dma_wait3A_265 = arith.constant 0 : i32
      %dma_wait3A_266 = tpu.memref_slice %arg5[%add3A_88, %dma_wait3A_265] : memref<60x128xi32, #tpu.memory_space<vmem>> -> memref<1x128xi32, #tpu.memory_space<vmem>>
      %dma_wait3A_267 = tpu.memref_squeeze %dma_wait3A_266 : memref<1x128xi32, #tpu.memory_space<vmem>> -> memref<128xi32, #tpu.memory_space<vmem>>
      %dma_wait3A_268 = arith.constant 0 : i32
      %dma_wait3A_269 = arith.constant 0 : i32
      %dma_wait3A_270 = tpu.memref_slice %arg2[%dma_wait3A_268, %dma_wait3A_269] : memref<100000x32xi32, #tpu.memory_space<hbm>> -> memref<100000x32xi32, #tpu.memory_space<hbm>>
      tpu.wait_indirect_dma semaphore(%arg7 : memref<!tpu.dma_semaphore, #tpu.memory_space<semaphore_mem>>) src(%dma_wait3A_270 : memref<100000x32xi32, #tpu.memory_space<hbm>>) dst(%dma_wait3A_264 : memref<128x32xi32, #tpu.memory_space<vmem>>)
      %dma_wait3A_271 = arith.constant 0 : i32
      %dma_wait3A_272 = arith.constant 0 : i32
      %dma_wait3A_273 = arith.constant 0 : i32
      %dma_wait3A_274 = tpu.memref_slice %arg6[%dma_wait3A_271, %dma_wait3A_272, %dma_wait3A_273] : memref<2x1280x32xi32, #tpu.memory_space<vmem>> -> memref<1x1280x32xi32, #tpu.memory_space<vmem>>
      %dma_wait3A_275 = tpu.memref_squeeze %dma_wait3A_274 : memref<1x1280x32xi32, #tpu.memory_space<vmem>> -> memref<1280x32xi32, #tpu.memory_space<vmem>>
      %dma_wait3A_276 = arith.constant 384 : i32
      %dma_wait3A_277 = arith.constant 0 : i32
      %dma_wait3A_278 = tpu.memref_slice %dma_wait3A_275[%dma_wait3A_276, %dma_wait3A_277] : memref<1280x32xi32, #tpu.memory_space<vmem>> -> memref<128x32xi32, #tpu.memory_space<vmem>>
      %dma_wait3A_279 = arith.constant 0 : i32
      %dma_wait3A_280 = tpu.memref_slice %arg5[%add3A_106, %dma_wait3A_279] : memref<60x128xi32, #tpu.memory_space<vmem>> -> memref<1x128xi32, #tpu.memory_space<vmem>>
      %dma_wait3A_281 = tpu.memref_squeeze %dma_wait3A_280 : memref<1x128xi32, #tpu.memory_space<vmem>> -> memref<128xi32, #tpu.memory_space<vmem>>
      %dma_wait3A_282 = arith.constant 0 : i32
      %dma_wait3A_283 = arith.constant 0 : i32
      %dma_wait3A_284 = tpu.memref_slice %arg2[%dma_wait3A_282, %dma_wait3A_283] : memref<100000x32xi32, #tpu.memory_space<hbm>> -> memref<100000x32xi32, #tpu.memory_space<hbm>>
      tpu.wait_indirect_dma semaphore(%arg7 : memref<!tpu.dma_semaphore, #tpu.memory_space<semaphore_mem>>) src(%dma_wait3A_284 : memref<100000x32xi32, #tpu.memory_space<hbm>>) dst(%dma_wait3A_278 : memref<128x32xi32, #tpu.memory_space<vmem>>)
      %dma_wait3A_285 = arith.constant 0 : i32
      %dma_wait3A_286 = arith.constant 0 : i32
      %dma_wait3A_287 = arith.constant 0 : i32
      %dma_wait3A_288 = tpu.memref_slice %arg6[%dma_wait3A_285, %dma_wait3A_286, %dma_wait3A_287] : memref<2x1280x32xi32, #tpu.memory_space<vmem>> -> memref<1x1280x32xi32, #tpu.memory_space<vmem>>
      %dma_wait3A_289 = tpu.memref_squeeze %dma_wait3A_288 : memref<1x1280x32xi32, #tpu.memory_space<vmem>> -> memref<1280x32xi32, #tpu.memory_space<vmem>>
      %dma_wait3A_290 = arith.constant 512 : i32
      %dma_wait3A_291 = arith.constant 0 : i32
      %dma_wait3A_292 = tpu.memref_slice %dma_wait3A_289[%dma_wait3A_290, %dma_wait3A_291] : memref<1280x32xi32, #tpu.memory_space<vmem>> -> memref<128x32xi32, #tpu.memory_space<vmem>>
      %dma_wait3A_293 = arith.constant 0 : i32
      %dma_wait3A_294 = tpu.memref_slice %arg5[%add3A_124, %dma_wait3A_293] : memref<60x128xi32, #tpu.memory_space<vmem>> -> memref<1x128xi32, #tpu.memory_space<vmem>>
      %dma_wait3A_295 = tpu.memref_squeeze %dma_wait3A_294 : memref<1x128xi32, #tpu.memory_space<vmem>> -> memref<128xi32, #tpu.memory_space<vmem>>
      %dma_wait3A_296 = arith.constant 0 : i32
      %dma_wait3A_297 = arith.constant 0 : i32
      %dma_wait3A_298 = tpu.memref_slice %arg2[%dma_wait3A_296, %dma_wait3A_297] : memref<100000x32xi32, #tpu.memory_space<hbm>> -> memref<100000x32xi32, #tpu.memory_space<hbm>>
      tpu.wait_indirect_dma semaphore(%arg7 : memref<!tpu.dma_semaphore, #tpu.memory_space<semaphore_mem>>) src(%dma_wait3A_298 : memref<100000x32xi32, #tpu.memory_space<hbm>>) dst(%dma_wait3A_292 : memref<128x32xi32, #tpu.memory_space<vmem>>)
      %dma_wait3A_299 = arith.constant 0 : i32
      %dma_wait3A_300 = arith.constant 0 : i32
      %dma_wait3A_301 = arith.constant 0 : i32
      %dma_wait3A_302 = tpu.memref_slice %arg6[%dma_wait3A_299, %dma_wait3A_300, %dma_wait3A_301] : memref<2x1280x32xi32, #tpu.memory_space<vmem>> -> memref<1x1280x32xi32, #tpu.memory_space<vmem>>
      %dma_wait3A_303 = tpu.memref_squeeze %dma_wait3A_302 : memref<1x1280x32xi32, #tpu.memory_space<vmem>> -> memref<1280x32xi32, #tpu.memory_space<vmem>>
      %dma_wait3A_304 = arith.constant 640 : i32
      %dma_wait3A_305 = arith.constant 0 : i32
      %dma_wait3A_306 = tpu.memref_slice %dma_wait3A_303[%dma_wait3A_304, %dma_wait3A_305] : memref<1280x32xi32, #tpu.memory_space<vmem>> -> memref<128x32xi32, #tpu.memory_space<vmem>>
      %dma_wait3A_307 = arith.constant 0 : i32
      %dma_wait3A_308 = tpu.memref_slice %arg5[%add3A_142, %dma_wait3A_307] : memref<60x128xi32, #tpu.memory_space<vmem>> -> memref<1x128xi32, #tpu.memory_space<vmem>>
      %dma_wait3A_309 = tpu.memref_squeeze %dma_wait3A_308 : memref<1x128xi32, #tpu.memory_space<vmem>> -> memref<128xi32, #tpu.memory_space<vmem>>
      %dma_wait3A_310 = arith.constant 0 : i32
      %dma_wait3A_311 = arith.constant 0 : i32
      %dma_wait3A_312 = tpu.memref_slice %arg2[%dma_wait3A_310, %dma_wait3A_311] : memref<100000x32xi32, #tpu.memory_space<hbm>> -> memref<100000x32xi32, #tpu.memory_space<hbm>>
      tpu.wait_indirect_dma semaphore(%arg7 : memref<!tpu.dma_semaphore, #tpu.memory_space<semaphore_mem>>) src(%dma_wait3A_312 : memref<100000x32xi32, #tpu.memory_space<hbm>>) dst(%dma_wait3A_306 : memref<128x32xi32, #tpu.memory_space<vmem>>)
      %dma_wait3A_313 = arith.constant 0 : i32
      %dma_wait3A_314 = arith.constant 0 : i32
      %dma_wait3A_315 = arith.constant 0 : i32
      %dma_wait3A_316 = tpu.memref_slice %arg6[%dma_wait3A_313, %dma_wait3A_314, %dma_wait3A_315] : memref<2x1280x32xi32, #tpu.memory_space<vmem>> -> memref<1x1280x32xi32, #tpu.memory_space<vmem>>
      %dma_wait3A_317 = tpu.memref_squeeze %dma_wait3A_316 : memref<1x1280x32xi32, #tpu.memory_space<vmem>> -> memref<1280x32xi32, #tpu.memory_space<vmem>>
      %dma_wait3A_318 = arith.constant 768 : i32
      %dma_wait3A_319 = arith.constant 0 : i32
      %dma_wait3A_320 = tpu.memref_slice %dma_wait3A_317[%dma_wait3A_318, %dma_wait3A_319] : memref<1280x32xi32, #tpu.memory_space<vmem>> -> memref<128x32xi32, #tpu.memory_space<vmem>>
      %dma_wait3A_321 = arith.constant 0 : i32
      %dma_wait3A_322 = tpu.memref_slice %arg5[%add3A_160, %dma_wait3A_321] : memref<60x128xi32, #tpu.memory_space<vmem>> -> memref<1x128xi32, #tpu.memory_space<vmem>>
      %dma_wait3A_323 = tpu.memref_squeeze %dma_wait3A_322 : memref<1x128xi32, #tpu.memory_space<vmem>> -> memref<128xi32, #tpu.memory_space<vmem>>
      %dma_wait3A_324 = arith.constant 0 : i32
      %dma_wait3A_325 = arith.constant 0 : i32
      %dma_wait3A_326 = tpu.memref_slice %arg2[%dma_wait3A_324, %dma_wait3A_325] : memref<100000x32xi32, #tpu.memory_space<hbm>> -> memref<100000x32xi32, #tpu.memory_space<hbm>>
      tpu.wait_indirect_dma semaphore(%arg7 : memref<!tpu.dma_semaphore, #tpu.memory_space<semaphore_mem>>) src(%dma_wait3A_326 : memref<100000x32xi32, #tpu.memory_space<hbm>>) dst(%dma_wait3A_320 : memref<128x32xi32, #tpu.memory_space<vmem>>)
      %dma_wait3A_327 = arith.constant 0 : i32
      %dma_wait3A_328 = arith.constant 0 : i32
      %dma_wait3A_329 = arith.constant 0 : i32
      %dma_wait3A_330 = tpu.memref_slice %arg6[%dma_wait3A_327, %dma_wait3A_328, %dma_wait3A_329] : memref<2x1280x32xi32, #tpu.memory_space<vmem>> -> memref<1x1280x32xi32, #tpu.memory_space<vmem>>
      %dma_wait3A_331 = tpu.memref_squeeze %dma_wait3A_330 : memref<1x1280x32xi32, #tpu.memory_space<vmem>> -> memref<1280x32xi32, #tpu.memory_space<vmem>>
      %dma_wait3A_332 = arith.constant 896 : i32
      %dma_wait3A_333 = arith.constant 0 : i32
      %dma_wait3A_334 = tpu.memref_slice %dma_wait3A_331[%dma_wait3A_332, %dma_wait3A_333] : memref<1280x32xi32, #tpu.memory_space<vmem>> -> memref<128x32xi32, #tpu.memory_space<vmem>>
      %dma_wait3A_335 = arith.constant 0 : i32
      %dma_wait3A_336 = tpu.memref_slice %arg5[%add3A_178, %dma_wait3A_335] : memref<60x128xi32, #tpu.memory_space<vmem>> -> memref<1x128xi32, #tpu.memory_space<vmem>>
      %dma_wait3A_337 = tpu.memref_squeeze %dma_wait3A_336 : memref<1x128xi32, #tpu.memory_space<vmem>> -> memref<128xi32, #tpu.memory_space<vmem>>
      %dma_wait3A_338 = arith.constant 0 : i32
      %dma_wait3A_339 = arith.constant 0 : i32
      %dma_wait3A_340 = tpu.memref_slice %arg2[%dma_wait3A_338, %dma_wait3A_339] : memref<100000x32xi32, #tpu.memory_space<hbm>> -> memref<100000x32xi32, #tpu.memory_space<hbm>>
      tpu.wait_indirect_dma semaphore(%arg7 : memref<!tpu.dma_semaphore, #tpu.memory_space<semaphore_mem>>) src(%dma_wait3A_340 : memref<100000x32xi32, #tpu.memory_space<hbm>>) dst(%dma_wait3A_334 : memref<128x32xi32, #tpu.memory_space<vmem>>)
      %dma_wait3A_341 = arith.constant 0 : i32
      %dma_wait3A_342 = arith.constant 0 : i32
      %dma_wait3A_343 = arith.constant 0 : i32
      %dma_wait3A_344 = tpu.memref_slice %arg6[%dma_wait3A_341, %dma_wait3A_342, %dma_wait3A_343] : memref<2x1280x32xi32, #tpu.memory_space<vmem>> -> memref<1x1280x32xi32, #tpu.memory_space<vmem>>
      %dma_wait3A_345 = tpu.memref_squeeze %dma_wait3A_344 : memref<1x1280x32xi32, #tpu.memory_space<vmem>> -> memref<1280x32xi32, #tpu.memory_space<vmem>>
      %dma_wait3A_346 = arith.constant 1024 : i32
      %dma_wait3A_347 = arith.constant 0 : i32
      %dma_wait3A_348 = tpu.memref_slice %dma_wait3A_345[%dma_wait3A_346, %dma_wait3A_347] : memref<1280x32xi32, #tpu.memory_space<vmem>> -> memref<128x32xi32, #tpu.memory_space<vmem>>
      %dma_wait3A_349 = arith.constant 0 : i32
      %dma_wait3A_350 = tpu.memref_slice %arg5[%add3A_196, %dma_wait3A_349] : memref<60x128xi32, #tpu.memory_space<vmem>> -> memref<1x128xi32, #tpu.memory_space<vmem>>
      %dma_wait3A_351 = tpu.memref_squeeze %dma_wait3A_350 : memref<1x128xi32, #tpu.memory_space<vmem>> -> memref<128xi32, #tpu.memory_space<vmem>>
      %dma_wait3A_352 = arith.constant 0 : i32
      %dma_wait3A_353 = arith.constant 0 : i32
      %dma_wait3A_354 = tpu.memref_slice %arg2[%dma_wait3A_352, %dma_wait3A_353] : memref<100000x32xi32, #tpu.memory_space<hbm>> -> memref<100000x32xi32, #tpu.memory_space<hbm>>
      tpu.wait_indirect_dma semaphore(%arg7 : memref<!tpu.dma_semaphore, #tpu.memory_space<semaphore_mem>>) src(%dma_wait3A_354 : memref<100000x32xi32, #tpu.memory_space<hbm>>) dst(%dma_wait3A_348 : memref<128x32xi32, #tpu.memory_space<vmem>>)
      %dma_wait3A_355 = arith.constant 0 : i32
      %dma_wait3A_356 = arith.constant 0 : i32
      %dma_wait3A_357 = arith.constant 0 : i32
      %dma_wait3A_358 = tpu.memref_slice %arg6[%dma_wait3A_355, %dma_wait3A_356, %dma_wait3A_357] : memref<2x1280x32xi32, #tpu.memory_space<vmem>> -> memref<1x1280x32xi32, #tpu.memory_space<vmem>>
      %dma_wait3A_359 = tpu.memref_squeeze %dma_wait3A_358 : memref<1x1280x32xi32, #tpu.memory_space<vmem>> -> memref<1280x32xi32, #tpu.memory_space<vmem>>
      %dma_wait3A_360 = arith.constant 1152 : i32
      %dma_wait3A_361 = arith.constant 0 : i32
      %dma_wait3A_362 = tpu.memref_slice %dma_wait3A_359[%dma_wait3A_360, %dma_wait3A_361] : memref<1280x32xi32, #tpu.memory_space<vmem>> -> memref<128x32xi32, #tpu.memory_space<vmem>>
      %dma_wait3A_363 = arith.constant 0 : i32
      %dma_wait3A_364 = tpu.memref_slice %arg5[%add3A_214, %dma_wait3A_363] : memref<60x128xi32, #tpu.memory_space<vmem>> -> memref<1x128xi32, #tpu.memory_space<vmem>>
      %dma_wait3A_365 = tpu.memref_squeeze %dma_wait3A_364 : memref<1x128xi32, #tpu.memory_space<vmem>> -> memref<128xi32, #tpu.memory_space<vmem>>
      %dma_wait3A_366 = arith.constant 0 : i32
      %dma_wait3A_367 = arith.constant 0 : i32
      %dma_wait3A_368 = tpu.memref_slice %arg2[%dma_wait3A_366, %dma_wait3A_367] : memref<100000x32xi32, #tpu.memory_space<hbm>> -> memref<100000x32xi32, #tpu.memory_space<hbm>>
      tpu.wait_indirect_dma semaphore(%arg7 : memref<!tpu.dma_semaphore, #tpu.memory_space<semaphore_mem>>) src(%dma_wait3A_368 : memref<100000x32xi32, #tpu.memory_space<hbm>>) dst(%dma_wait3A_362 : memref<128x32xi32, #tpu.memory_space<vmem>>)
      %dma_start3A_369 = arith.constant 0 : i32
      %dma_start3A_370 = arith.constant 0 : i32
      %dma_start3A_371 = arith.constant 0 : i32
      %dma_start3A_372 = tpu.memref_slice %arg6[%dma_start3A_369, %dma_start3A_370, %dma_start3A_371] : memref<2x1280x32xi32, #tpu.memory_space<vmem>> -> memref<1x1280x32xi32, #tpu.memory_space<vmem>>
      %dma_start3A_373 = tpu.memref_squeeze %dma_start3A_372 : memref<1x1280x32xi32, #tpu.memory_space<vmem>> -> memref<1280x32xi32, #tpu.memory_space<vmem>>
      %dma_start3A_374 = arith.constant 0 : i32
      %dma_start3A_375 = tpu.memref_slice %arg4[%add3A_46, %dma_start3A_374] : memref<245760x32xi32, #tpu.memory_space<hbm>> -> memref<1280x32xi32, #tpu.memory_space<hbm>>
      %dma_start3A_376 = arith.constant 0 : i32
      %dma_start3A_377 = tpu.memref_slice %arg4[%add3A_46, %dma_start3A_376] : memref<245760x32xi32, #tpu.memory_space<hbm>> -> memref<1280x32xi32, #tpu.memory_space<hbm>>
      %dma_start3A_378 = arith.constant 0 : i32
      %dma_start3A_379 = arith.constant 0 : i32
      %dma_start3A_380 = tpu.memref_slice %arg6[%dma_start3A_369, %dma_start3A_378, %dma_start3A_379] : memref<2x1280x32xi32, #tpu.memory_space<vmem>> -> memref<1x1280x32xi32, #tpu.memory_space<vmem>>
      %dma_start3A_381 = tpu.memref_squeeze %dma_start3A_380 : memref<1x1280x32xi32, #tpu.memory_space<vmem>> -> memref<1280x32xi32, #tpu.memory_space<vmem>>
      tpu.enqueue_dma source(%dma_start3A_381 : memref<1280x32xi32, #tpu.memory_space<vmem>>) target(%dma_start3A_377 : memref<1280x32xi32, #tpu.memory_space<hbm>>) target_semaphore(%arg8 : memref<!tpu.dma_semaphore, #tpu.memory_space<semaphore_mem>>)
      %mul3A_382 = arith.constant 2 : i32
      %mul3A_383 = arith.muli %scan3A_39, %mul3A_382 : i32
      %add3A_384 = arith.constant 1 : i32
      %add3A_385 = arith.addi %mul3A_383, %add3A_384 : i32
      %mul3A_386 = arith.constant 1280 : i32
      %mul3A_387 = arith.muli %add3A_385, %mul3A_386 : i32
      %add3A_388 = arith.addi %mul3A_2, %mul3A_387 : i32
      %gt3A_389 = arith.constant 0 : i32
      %gt3A_390 = arith.cmpi sgt, %scan3A_39, %gt3A_389 : i32
      %convert_element_type3A_391 = arith.extui %gt3A_390 : i1 to i32
      %cond3A_392 = arith.constant 1 : i32
      %cond3A_393 = arith.constant 0 : i32
      %cond3A_394 = arith.cmpi ne, %convert_element_type3A_391, %cond3A_393 : i32
      scf.if %cond3A_394 {
        %dma_wait3A_728 = arith.constant 0 : i32
        %dma_wait3A_729 = arith.constant 0 : i32
        %dma_wait3A_730 = tpu.memref_slice %arg6[%cond3A_392, %dma_wait3A_728, %dma_wait3A_729] : memref<2x1280x32xi32, #tpu.memory_space<vmem>> -> memref<1x1280x32xi32, #tpu.memory_space<vmem>>
        %dma_wait3A_731 = tpu.memref_squeeze %dma_wait3A_730 : memref<1x1280x32xi32, #tpu.memory_space<vmem>> -> memref<1280x32xi32, #tpu.memory_space<vmem>>
        %dma_wait3A_732 = arith.constant 0 : i32
        %dma_wait3A_733 = tpu.memref_slice %arg4[%add3A_388, %dma_wait3A_732] : memref<245760x32xi32, #tpu.memory_space<hbm>> -> memref<1280x32xi32, #tpu.memory_space<hbm>>
        %dma_wait3A_734 = arith.constant 0 : i32
        %dma_wait3A_735 = tpu.memref_slice %arg4[%add3A_388, %dma_wait3A_734] : memref<245760x32xi32, #tpu.memory_space<hbm>> -> memref<1280x32xi32, #tpu.memory_space<hbm>>
        %dma_wait3A_736 = arith.constant 0 : i32
        %dma_wait3A_737 = arith.constant 0 : i32
        %dma_wait3A_738 = tpu.memref_slice %arg6[%cond3A_392, %dma_wait3A_736, %dma_wait3A_737] : memref<2x1280x32xi32, #tpu.memory_space<vmem>> -> memref<1x1280x32xi32, #tpu.memory_space<vmem>>
        %dma_wait3A_739 = tpu.memref_squeeze %dma_wait3A_738 : memref<1x1280x32xi32, #tpu.memory_space<vmem>> -> memref<1280x32xi32, #tpu.memory_space<vmem>>
        tpu.wait_dma2 semaphore(%arg9 : memref<!tpu.dma_semaphore, #tpu.memory_space<semaphore_mem>>) src(%dma_wait3A_739 : memref<1280x32xi32, #tpu.memory_space<vmem>>) dst(%dma_wait3A_735 : memref<1280x32xi32, #tpu.memory_space<hbm>>)
      } else {
      }
      %mul3A_395 = arith.constant 10 : i32
      %mul3A_396 = arith.muli %add3A_385, %mul3A_395 : i32
      %add3A_397 = arith.constant 0 : i32
      %add3A_398 = arith.addi %mul3A_396, %add3A_397 : i32
      %dma_start3A_399 = arith.constant 1 : i32
      %dma_start3A_400 = arith.constant 0 : i32
      %dma_start3A_401 = arith.constant 0 : i32
      %dma_start3A_402 = tpu.memref_slice %arg6[%dma_start3A_399, %dma_start3A_400, %dma_start3A_401] : memref<2x1280x32xi32, #tpu.memory_space<vmem>> -> memref<1x1280x32xi32, #tpu.memory_space<vmem>>
      %dma_start3A_403 = tpu.memref_squeeze %dma_start3A_402 : memref<1x1280x32xi32, #tpu.memory_space<vmem>> -> memref<1280x32xi32, #tpu.memory_space<vmem>>
      %dma_start3A_404 = arith.constant 0 : i32
      %dma_start3A_405 = arith.constant 0 : i32
      %dma_start3A_406 = tpu.memref_slice %dma_start3A_403[%dma_start3A_404, %dma_start3A_405] : memref<1280x32xi32, #tpu.memory_space<vmem>> -> memref<128x32xi32, #tpu.memory_space<vmem>>
      %dma_start3A_407 = arith.constant 0 : i32
      %dma_start3A_408 = tpu.memref_slice %arg5[%add3A_398, %dma_start3A_407] : memref<60x128xi32, #tpu.memory_space<vmem>> -> memref<1x128xi32, #tpu.memory_space<vmem>>
      %dma_start3A_409 = tpu.memref_squeeze %dma_start3A_408 : memref<1x128xi32, #tpu.memory_space<vmem>> -> memref<128xi32, #tpu.memory_space<vmem>>
      %dma_start3A_410 = arith.constant 0 : i32
      %dma_start3A_411 = arith.constant 0 : i32
      %dma_start3A_412 = tpu.memref_slice %arg2[%dma_start3A_410, %dma_start3A_411] : memref<100000x32xi32, #tpu.memory_space<hbm>> -> memref<100000x32xi32, #tpu.memory_space<hbm>>
      tpu.enqueue_indirect_dma source(%dma_start3A_412 : memref<100000x32xi32, #tpu.memory_space<hbm>>) target(%dma_start3A_406 : memref<128x32xi32, #tpu.memory_space<vmem>>) offsets(%dma_start3A_409 : memref<128xi32, #tpu.memory_space<vmem>>) semaphore(%arg7 : memref<!tpu.dma_semaphore, #tpu.memory_space<semaphore_mem>>)
      %mul3A_413 = arith.constant 10 : i32
      %mul3A_414 = arith.muli %add3A_385, %mul3A_413 : i32
      %add3A_415 = arith.constant 1 : i32
      %add3A_416 = arith.addi %mul3A_414, %add3A_415 : i32
      %dma_start3A_417 = arith.constant 1 : i32
      %dma_start3A_418 = arith.constant 0 : i32
      %dma_start3A_419 = arith.constant 0 : i32
      %dma_start3A_420 = tpu.memref_slice %arg6[%dma_start3A_417, %dma_start3A_418, %dma_start3A_419] : memref<2x1280x32xi32, #tpu.memory_space<vmem>> -> memref<1x1280x32xi32, #tpu.memory_space<vmem>>
      %dma_start3A_421 = tpu.memref_squeeze %dma_start3A_420 : memref<1x1280x32xi32, #tpu.memory_space<vmem>> -> memref<1280x32xi32, #tpu.memory_space<vmem>>
      %dma_start3A_422 = arith.constant 128 : i32
      %dma_start3A_423 = arith.constant 0 : i32
      %dma_start3A_424 = tpu.memref_slice %dma_start3A_421[%dma_start3A_422, %dma_start3A_423] : memref<1280x32xi32, #tpu.memory_space<vmem>> -> memref<128x32xi32, #tpu.memory_space<vmem>>
      %dma_start3A_425 = arith.constant 0 : i32
      %dma_start3A_426 = tpu.memref_slice %arg5[%add3A_416, %dma_start3A_425] : memref<60x128xi32, #tpu.memory_space<vmem>> -> memref<1x128xi32, #tpu.memory_space<vmem>>
      %dma_start3A_427 = tpu.memref_squeeze %dma_start3A_426 : memref<1x128xi32, #tpu.memory_space<vmem>> -> memref<128xi32, #tpu.memory_space<vmem>>
      %dma_start3A_428 = arith.constant 0 : i32
      %dma_start3A_429 = arith.constant 0 : i32
      %dma_start3A_430 = tpu.memref_slice %arg2[%dma_start3A_428, %dma_start3A_429] : memref<100000x32xi32, #tpu.memory_space<hbm>> -> memref<100000x32xi32, #tpu.memory_space<hbm>>
      tpu.enqueue_indirect_dma source(%dma_start3A_430 : memref<100000x32xi32, #tpu.memory_space<hbm>>) target(%dma_start3A_424 : memref<128x32xi32, #tpu.memory_space<vmem>>) offsets(%dma_start3A_427 : memref<128xi32, #tpu.memory_space<vmem>>) semaphore(%arg7 : memref<!tpu.dma_semaphore, #tpu.memory_space<semaphore_mem>>)
      %mul3A_431 = arith.constant 10 : i32
      %mul3A_432 = arith.muli %add3A_385, %mul3A_431 : i32
      %add3A_433 = arith.constant 2 : i32
      %add3A_434 = arith.addi %mul3A_432, %add3A_433 : i32
      %dma_start3A_435 = arith.constant 1 : i32
      %dma_start3A_436 = arith.constant 0 : i32
      %dma_start3A_437 = arith.constant 0 : i32
      %dma_start3A_438 = tpu.memref_slice %arg6[%dma_start3A_435, %dma_start3A_436, %dma_start3A_437] : memref<2x1280x32xi32, #tpu.memory_space<vmem>> -> memref<1x1280x32xi32, #tpu.memory_space<vmem>>
      %dma_start3A_439 = tpu.memref_squeeze %dma_start3A_438 : memref<1x1280x32xi32, #tpu.memory_space<vmem>> -> memref<1280x32xi32, #tpu.memory_space<vmem>>
      %dma_start3A_440 = arith.constant 256 : i32
      %dma_start3A_441 = arith.constant 0 : i32
      %dma_start3A_442 = tpu.memref_slice %dma_start3A_439[%dma_start3A_440, %dma_start3A_441] : memref<1280x32xi32, #tpu.memory_space<vmem>> -> memref<128x32xi32, #tpu.memory_space<vmem>>
      %dma_start3A_443 = arith.constant 0 : i32
      %dma_start3A_444 = tpu.memref_slice %arg5[%add3A_434, %dma_start3A_443] : memref<60x128xi32, #tpu.memory_space<vmem>> -> memref<1x128xi32, #tpu.memory_space<vmem>>
      %dma_start3A_445 = tpu.memref_squeeze %dma_start3A_444 : memref<1x128xi32, #tpu.memory_space<vmem>> -> memref<128xi32, #tpu.memory_space<vmem>>
      %dma_start3A_446 = arith.constant 0 : i32
      %dma_start3A_447 = arith.constant 0 : i32
      %dma_start3A_448 = tpu.memref_slice %arg2[%dma_start3A_446, %dma_start3A_447] : memref<100000x32xi32, #tpu.memory_space<hbm>> -> memref<100000x32xi32, #tpu.memory_space<hbm>>
      tpu.enqueue_indirect_dma source(%dma_start3A_448 : memref<100000x32xi32, #tpu.memory_space<hbm>>) target(%dma_start3A_442 : memref<128x32xi32, #tpu.memory_space<vmem>>) offsets(%dma_start3A_445 : memref<128xi32, #tpu.memory_space<vmem>>) semaphore(%arg7 : memref<!tpu.dma_semaphore, #tpu.memory_space<semaphore_mem>>)
      %mul3A_449 = arith.constant 10 : i32
      %mul3A_450 = arith.muli %add3A_385, %mul3A_449 : i32
      %add3A_451 = arith.constant 3 : i32
      %add3A_452 = arith.addi %mul3A_450, %add3A_451 : i32
      %dma_start3A_453 = arith.constant 1 : i32
      %dma_start3A_454 = arith.constant 0 : i32
      %dma_start3A_455 = arith.constant 0 : i32
      %dma_start3A_456 = tpu.memref_slice %arg6[%dma_start3A_453, %dma_start3A_454, %dma_start3A_455] : memref<2x1280x32xi32, #tpu.memory_space<vmem>> -> memref<1x1280x32xi32, #tpu.memory_space<vmem>>
      %dma_start3A_457 = tpu.memref_squeeze %dma_start3A_456 : memref<1x1280x32xi32, #tpu.memory_space<vmem>> -> memref<1280x32xi32, #tpu.memory_space<vmem>>
      %dma_start3A_458 = arith.constant 384 : i32
      %dma_start3A_459 = arith.constant 0 : i32
      %dma_start3A_460 = tpu.memref_slice %dma_start3A_457[%dma_start3A_458, %dma_start3A_459] : memref<1280x32xi32, #tpu.memory_space<vmem>> -> memref<128x32xi32, #tpu.memory_space<vmem>>
      %dma_start3A_461 = arith.constant 0 : i32
      %dma_start3A_462 = tpu.memref_slice %arg5[%add3A_452, %dma_start3A_461] : memref<60x128xi32, #tpu.memory_space<vmem>> -> memref<1x128xi32, #tpu.memory_space<vmem>>
      %dma_start3A_463 = tpu.memref_squeeze %dma_start3A_462 : memref<1x128xi32, #tpu.memory_space<vmem>> -> memref<128xi32, #tpu.memory_space<vmem>>
      %dma_start3A_464 = arith.constant 0 : i32
      %dma_start3A_465 = arith.constant 0 : i32
      %dma_start3A_466 = tpu.memref_slice %arg2[%dma_start3A_464, %dma_start3A_465] : memref<100000x32xi32, #tpu.memory_space<hbm>> -> memref<100000x32xi32, #tpu.memory_space<hbm>>
      tpu.enqueue_indirect_dma source(%dma_start3A_466 : memref<100000x32xi32, #tpu.memory_space<hbm>>) target(%dma_start3A_460 : memref<128x32xi32, #tpu.memory_space<vmem>>) offsets(%dma_start3A_463 : memref<128xi32, #tpu.memory_space<vmem>>) semaphore(%arg7 : memref<!tpu.dma_semaphore, #tpu.memory_space<semaphore_mem>>)
      %mul3A_467 = arith.constant 10 : i32
      %mul3A_468 = arith.muli %add3A_385, %mul3A_467 : i32
      %add3A_469 = arith.constant 4 : i32
      %add3A_470 = arith.addi %mul3A_468, %add3A_469 : i32
      %dma_start3A_471 = arith.constant 1 : i32
      %dma_start3A_472 = arith.constant 0 : i32
      %dma_start3A_473 = arith.constant 0 : i32
      %dma_start3A_474 = tpu.memref_slice %arg6[%dma_start3A_471, %dma_start3A_472, %dma_start3A_473] : memref<2x1280x32xi32, #tpu.memory_space<vmem>> -> memref<1x1280x32xi32, #tpu.memory_space<vmem>>
      %dma_start3A_475 = tpu.memref_squeeze %dma_start3A_474 : memref<1x1280x32xi32, #tpu.memory_space<vmem>> -> memref<1280x32xi32, #tpu.memory_space<vmem>>
      %dma_start3A_476 = arith.constant 512 : i32
      %dma_start3A_477 = arith.constant 0 : i32
      %dma_start3A_478 = tpu.memref_slice %dma_start3A_475[%dma_start3A_476, %dma_start3A_477] : memref<1280x32xi32, #tpu.memory_space<vmem>> -> memref<128x32xi32, #tpu.memory_space<vmem>>
      %dma_start3A_479 = arith.constant 0 : i32
      %dma_start3A_480 = tpu.memref_slice %arg5[%add3A_470, %dma_start3A_479] : memref<60x128xi32, #tpu.memory_space<vmem>> -> memref<1x128xi32, #tpu.memory_space<vmem>>
      %dma_start3A_481 = tpu.memref_squeeze %dma_start3A_480 : memref<1x128xi32, #tpu.memory_space<vmem>> -> memref<128xi32, #tpu.memory_space<vmem>>
      %dma_start3A_482 = arith.constant 0 : i32
      %dma_start3A_483 = arith.constant 0 : i32
      %dma_start3A_484 = tpu.memref_slice %arg2[%dma_start3A_482, %dma_start3A_483] : memref<100000x32xi32, #tpu.memory_space<hbm>> -> memref<100000x32xi32, #tpu.memory_space<hbm>>
      tpu.enqueue_indirect_dma source(%dma_start3A_484 : memref<100000x32xi32, #tpu.memory_space<hbm>>) target(%dma_start3A_478 : memref<128x32xi32, #tpu.memory_space<vmem>>) offsets(%dma_start3A_481 : memref<128xi32, #tpu.memory_space<vmem>>) semaphore(%arg7 : memref<!tpu.dma_semaphore, #tpu.memory_space<semaphore_mem>>)
      %mul3A_485 = arith.constant 10 : i32
      %mul3A_486 = arith.muli %add3A_385, %mul3A_485 : i32
      %add3A_487 = arith.constant 5 : i32
      %add3A_488 = arith.addi %mul3A_486, %add3A_487 : i32
      %dma_start3A_489 = arith.constant 1 : i32
      %dma_start3A_490 = arith.constant 0 : i32
      %dma_start3A_491 = arith.constant 0 : i32
      %dma_start3A_492 = tpu.memref_slice %arg6[%dma_start3A_489, %dma_start3A_490, %dma_start3A_491] : memref<2x1280x32xi32, #tpu.memory_space<vmem>> -> memref<1x1280x32xi32, #tpu.memory_space<vmem>>
      %dma_start3A_493 = tpu.memref_squeeze %dma_start3A_492 : memref<1x1280x32xi32, #tpu.memory_space<vmem>> -> memref<1280x32xi32, #tpu.memory_space<vmem>>
      %dma_start3A_494 = arith.constant 640 : i32
      %dma_start3A_495 = arith.constant 0 : i32
      %dma_start3A_496 = tpu.memref_slice %dma_start3A_493[%dma_start3A_494, %dma_start3A_495] : memref<1280x32xi32, #tpu.memory_space<vmem>> -> memref<128x32xi32, #tpu.memory_space<vmem>>
      %dma_start3A_497 = arith.constant 0 : i32
      %dma_start3A_498 = tpu.memref_slice %arg5[%add3A_488, %dma_start3A_497] : memref<60x128xi32, #tpu.memory_space<vmem>> -> memref<1x128xi32, #tpu.memory_space<vmem>>
      %dma_start3A_499 = tpu.memref_squeeze %dma_start3A_498 : memref<1x128xi32, #tpu.memory_space<vmem>> -> memref<128xi32, #tpu.memory_space<vmem>>
      %dma_start3A_500 = arith.constant 0 : i32
      %dma_start3A_501 = arith.constant 0 : i32
      %dma_start3A_502 = tpu.memref_slice %arg2[%dma_start3A_500, %dma_start3A_501] : memref<100000x32xi32, #tpu.memory_space<hbm>> -> memref<100000x32xi32, #tpu.memory_space<hbm>>
      tpu.enqueue_indirect_dma source(%dma_start3A_502 : memref<100000x32xi32, #tpu.memory_space<hbm>>) target(%dma_start3A_496 : memref<128x32xi32, #tpu.memory_space<vmem>>) offsets(%dma_start3A_499 : memref<128xi32, #tpu.memory_space<vmem>>) semaphore(%arg7 : memref<!tpu.dma_semaphore, #tpu.memory_space<semaphore_mem>>)
      %mul3A_503 = arith.constant 10 : i32
      %mul3A_504 = arith.muli %add3A_385, %mul3A_503 : i32
      %add3A_505 = arith.constant 6 : i32
      %add3A_506 = arith.addi %mul3A_504, %add3A_505 : i32
      %dma_start3A_507 = arith.constant 1 : i32
      %dma_start3A_508 = arith.constant 0 : i32
      %dma_start3A_509 = arith.constant 0 : i32
      %dma_start3A_510 = tpu.memref_slice %arg6[%dma_start3A_507, %dma_start3A_508, %dma_start3A_509] : memref<2x1280x32xi32, #tpu.memory_space<vmem>> -> memref<1x1280x32xi32, #tpu.memory_space<vmem>>
      %dma_start3A_511 = tpu.memref_squeeze %dma_start3A_510 : memref<1x1280x32xi32, #tpu.memory_space<vmem>> -> memref<1280x32xi32, #tpu.memory_space<vmem>>
      %dma_start3A_512 = arith.constant 768 : i32
      %dma_start3A_513 = arith.constant 0 : i32
      %dma_start3A_514 = tpu.memref_slice %dma_start3A_511[%dma_start3A_512, %dma_start3A_513] : memref<1280x32xi32, #tpu.memory_space<vmem>> -> memref<128x32xi32, #tpu.memory_space<vmem>>
      %dma_start3A_515 = arith.constant 0 : i32
      %dma_start3A_516 = tpu.memref_slice %arg5[%add3A_506, %dma_start3A_515] : memref<60x128xi32, #tpu.memory_space<vmem>> -> memref<1x128xi32, #tpu.memory_space<vmem>>
      %dma_start3A_517 = tpu.memref_squeeze %dma_start3A_516 : memref<1x128xi32, #tpu.memory_space<vmem>> -> memref<128xi32, #tpu.memory_space<vmem>>
      %dma_start3A_518 = arith.constant 0 : i32
      %dma_start3A_519 = arith.constant 0 : i32
      %dma_start3A_520 = tpu.memref_slice %arg2[%dma_start3A_518, %dma_start3A_519] : memref<100000x32xi32, #tpu.memory_space<hbm>> -> memref<100000x32xi32, #tpu.memory_space<hbm>>
      tpu.enqueue_indirect_dma source(%dma_start3A_520 : memref<100000x32xi32, #tpu.memory_space<hbm>>) target(%dma_start3A_514 : memref<128x32xi32, #tpu.memory_space<vmem>>) offsets(%dma_start3A_517 : memref<128xi32, #tpu.memory_space<vmem>>) semaphore(%arg7 : memref<!tpu.dma_semaphore, #tpu.memory_space<semaphore_mem>>)
      %mul3A_521 = arith.constant 10 : i32
      %mul3A_522 = arith.muli %add3A_385, %mul3A_521 : i32
      %add3A_523 = arith.constant 7 : i32
      %add3A_524 = arith.addi %mul3A_522, %add3A_523 : i32
      %dma_start3A_525 = arith.constant 1 : i32
      %dma_start3A_526 = arith.constant 0 : i32
      %dma_start3A_527 = arith.constant 0 : i32
      %dma_start3A_528 = tpu.memref_slice %arg6[%dma_start3A_525, %dma_start3A_526, %dma_start3A_527] : memref<2x1280x32xi32, #tpu.memory_space<vmem>> -> memref<1x1280x32xi32, #tpu.memory_space<vmem>>
      %dma_start3A_529 = tpu.memref_squeeze %dma_start3A_528 : memref<1x1280x32xi32, #tpu.memory_space<vmem>> -> memref<1280x32xi32, #tpu.memory_space<vmem>>
      %dma_start3A_530 = arith.constant 896 : i32
      %dma_start3A_531 = arith.constant 0 : i32
      %dma_start3A_532 = tpu.memref_slice %dma_start3A_529[%dma_start3A_530, %dma_start3A_531] : memref<1280x32xi32, #tpu.memory_space<vmem>> -> memref<128x32xi32, #tpu.memory_space<vmem>>
      %dma_start3A_533 = arith.constant 0 : i32
      %dma_start3A_534 = tpu.memref_slice %arg5[%add3A_524, %dma_start3A_533] : memref<60x128xi32, #tpu.memory_space<vmem>> -> memref<1x128xi32, #tpu.memory_space<vmem>>
      %dma_start3A_535 = tpu.memref_squeeze %dma_start3A_534 : memref<1x128xi32, #tpu.memory_space<vmem>> -> memref<128xi32, #tpu.memory_space<vmem>>
      %dma_start3A_536 = arith.constant 0 : i32
      %dma_start3A_537 = arith.constant 0 : i32
      %dma_start3A_538 = tpu.memref_slice %arg2[%dma_start3A_536, %dma_start3A_537] : memref<100000x32xi32, #tpu.memory_space<hbm>> -> memref<100000x32xi32, #tpu.memory_space<hbm>>
      tpu.enqueue_indirect_dma source(%dma_start3A_538 : memref<100000x32xi32, #tpu.memory_space<hbm>>) target(%dma_start3A_532 : memref<128x32xi32, #tpu.memory_space<vmem>>) offsets(%dma_start3A_535 : memref<128xi32, #tpu.memory_space<vmem>>) semaphore(%arg7 : memref<!tpu.dma_semaphore, #tpu.memory_space<semaphore_mem>>)
      %mul3A_539 = arith.constant 10 : i32
      %mul3A_540 = arith.muli %add3A_385, %mul3A_539 : i32
      %add3A_541 = arith.constant 8 : i32
      %add3A_542 = arith.addi %mul3A_540, %add3A_541 : i32
      %dma_start3A_543 = arith.constant 1 : i32
      %dma_start3A_544 = arith.constant 0 : i32
      %dma_start3A_545 = arith.constant 0 : i32
      %dma_start3A_546 = tpu.memref_slice %arg6[%dma_start3A_543, %dma_start3A_544, %dma_start3A_545] : memref<2x1280x32xi32, #tpu.memory_space<vmem>> -> memref<1x1280x32xi32, #tpu.memory_space<vmem>>
      %dma_start3A_547 = tpu.memref_squeeze %dma_start3A_546 : memref<1x1280x32xi32, #tpu.memory_space<vmem>> -> memref<1280x32xi32, #tpu.memory_space<vmem>>
      %dma_start3A_548 = arith.constant 1024 : i32
      %dma_start3A_549 = arith.constant 0 : i32
      %dma_start3A_550 = tpu.memref_slice %dma_start3A_547[%dma_start3A_548, %dma_start3A_549] : memref<1280x32xi32, #tpu.memory_space<vmem>> -> memref<128x32xi32, #tpu.memory_space<vmem>>
      %dma_start3A_551 = arith.constant 0 : i32
      %dma_start3A_552 = tpu.memref_slice %arg5[%add3A_542, %dma_start3A_551] : memref<60x128xi32, #tpu.memory_space<vmem>> -> memref<1x128xi32, #tpu.memory_space<vmem>>
      %dma_start3A_553 = tpu.memref_squeeze %dma_start3A_552 : memref<1x128xi32, #tpu.memory_space<vmem>> -> memref<128xi32, #tpu.memory_space<vmem>>
      %dma_start3A_554 = arith.constant 0 : i32
      %dma_start3A_555 = arith.constant 0 : i32
      %dma_start3A_556 = tpu.memref_slice %arg2[%dma_start3A_554, %dma_start3A_555] : memref<100000x32xi32, #tpu.memory_space<hbm>> -> memref<100000x32xi32, #tpu.memory_space<hbm>>
      tpu.enqueue_indirect_dma source(%dma_start3A_556 : memref<100000x32xi32, #tpu.memory_space<hbm>>) target(%dma_start3A_550 : memref<128x32xi32, #tpu.memory_space<vmem>>) offsets(%dma_start3A_553 : memref<128xi32, #tpu.memory_space<vmem>>) semaphore(%arg7 : memref<!tpu.dma_semaphore, #tpu.memory_space<semaphore_mem>>)
      %mul3A_557 = arith.constant 10 : i32
      %mul3A_558 = arith.muli %add3A_385, %mul3A_557 : i32
      %add3A_559 = arith.constant 9 : i32
      %add3A_560 = arith.addi %mul3A_558, %add3A_559 : i32
      %dma_start3A_561 = arith.constant 1 : i32
      %dma_start3A_562 = arith.constant 0 : i32
      %dma_start3A_563 = arith.constant 0 : i32
      %dma_start3A_564 = tpu.memref_slice %arg6[%dma_start3A_561, %dma_start3A_562, %dma_start3A_563] : memref<2x1280x32xi32, #tpu.memory_space<vmem>> -> memref<1x1280x32xi32, #tpu.memory_space<vmem>>
      %dma_start3A_565 = tpu.memref_squeeze %dma_start3A_564 : memref<1x1280x32xi32, #tpu.memory_space<vmem>> -> memref<1280x32xi32, #tpu.memory_space<vmem>>
      %dma_start3A_566 = arith.constant 1152 : i32
      %dma_start3A_567 = arith.constant 0 : i32
      %dma_start3A_568 = tpu.memref_slice %dma_start3A_565[%dma_start3A_566, %dma_start3A_567] : memref<1280x32xi32, #tpu.memory_space<vmem>> -> memref<128x32xi32, #tpu.memory_space<vmem>>
      %dma_start3A_569 = arith.constant 0 : i32
      %dma_start3A_570 = tpu.memref_slice %arg5[%add3A_560, %dma_start3A_569] : memref<60x128xi32, #tpu.memory_space<vmem>> -> memref<1x128xi32, #tpu.memory_space<vmem>>
      %dma_start3A_571 = tpu.memref_squeeze %dma_start3A_570 : memref<1x128xi32, #tpu.memory_space<vmem>> -> memref<128xi32, #tpu.memory_space<vmem>>
      %dma_start3A_572 = arith.constant 0 : i32
      %dma_start3A_573 = arith.constant 0 : i32
      %dma_start3A_574 = tpu.memref_slice %arg2[%dma_start3A_572, %dma_start3A_573] : memref<100000x32xi32, #tpu.memory_space<hbm>> -> memref<100000x32xi32, #tpu.memory_space<hbm>>
      tpu.enqueue_indirect_dma source(%dma_start3A_574 : memref<100000x32xi32, #tpu.memory_space<hbm>>) target(%dma_start3A_568 : memref<128x32xi32, #tpu.memory_space<vmem>>) offsets(%dma_start3A_571 : memref<128xi32, #tpu.memory_space<vmem>>) semaphore(%arg7 : memref<!tpu.dma_semaphore, #tpu.memory_space<semaphore_mem>>)
      %dma_wait3A_575 = arith.constant 1 : i32
      %dma_wait3A_576 = arith.constant 0 : i32
      %dma_wait3A_577 = arith.constant 0 : i32
      %dma_wait3A_578 = tpu.memref_slice %arg6[%dma_wait3A_575, %dma_wait3A_576, %dma_wait3A_577] : memref<2x1280x32xi32, #tpu.memory_space<vmem>> -> memref<1x1280x32xi32, #tpu.memory_space<vmem>>
      %dma_wait3A_579 = tpu.memref_squeeze %dma_wait3A_578 : memref<1x1280x32xi32, #tpu.memory_space<vmem>> -> memref<1280x32xi32, #tpu.memory_space<vmem>>
      %dma_wait3A_580 = arith.constant 0 : i32
      %dma_wait3A_581 = arith.constant 0 : i32
      %dma_wait3A_582 = tpu.memref_slice %dma_wait3A_579[%dma_wait3A_580, %dma_wait3A_581] : memref<1280x32xi32, #tpu.memory_space<vmem>> -> memref<128x32xi32, #tpu.memory_space<vmem>>
      %dma_wait3A_583 = arith.constant 0 : i32
      %dma_wait3A_584 = tpu.memref_slice %arg5[%add3A_398, %dma_wait3A_583] : memref<60x128xi32, #tpu.memory_space<vmem>> -> memref<1x128xi32, #tpu.memory_space<vmem>>
      %dma_wait3A_585 = tpu.memref_squeeze %dma_wait3A_584 : memref<1x128xi32, #tpu.memory_space<vmem>> -> memref<128xi32, #tpu.memory_space<vmem>>
      %dma_wait3A_586 = arith.constant 0 : i32
      %dma_wait3A_587 = arith.constant 0 : i32
      %dma_wait3A_588 = tpu.memref_slice %arg2[%dma_wait3A_586, %dma_wait3A_587] : memref<100000x32xi32, #tpu.memory_space<hbm>> -> memref<100000x32xi32, #tpu.memory_space<hbm>>
      tpu.wait_indirect_dma semaphore(%arg7 : memref<!tpu.dma_semaphore, #tpu.memory_space<semaphore_mem>>) src(%dma_wait3A_588 : memref<100000x32xi32, #tpu.memory_space<hbm>>) dst(%dma_wait3A_582 : memref<128x32xi32, #tpu.memory_space<vmem>>)
      %dma_wait3A_589 = arith.constant 1 : i32
      %dma_wait3A_590 = arith.constant 0 : i32
      %dma_wait3A_591 = arith.constant 0 : i32
      %dma_wait3A_592 = tpu.memref_slice %arg6[%dma_wait3A_589, %dma_wait3A_590, %dma_wait3A_591] : memref<2x1280x32xi32, #tpu.memory_space<vmem>> -> memref<1x1280x32xi32, #tpu.memory_space<vmem>>
      %dma_wait3A_593 = tpu.memref_squeeze %dma_wait3A_592 : memref<1x1280x32xi32, #tpu.memory_space<vmem>> -> memref<1280x32xi32, #tpu.memory_space<vmem>>
      %dma_wait3A_594 = arith.constant 128 : i32
      %dma_wait3A_595 = arith.constant 0 : i32
      %dma_wait3A_596 = tpu.memref_slice %dma_wait3A_593[%dma_wait3A_594, %dma_wait3A_595] : memref<1280x32xi32, #tpu.memory_space<vmem>> -> memref<128x32xi32, #tpu.memory_space<vmem>>
      %dma_wait3A_597 = arith.constant 0 : i32
      %dma_wait3A_598 = tpu.memref_slice %arg5[%add3A_416, %dma_wait3A_597] : memref<60x128xi32, #tpu.memory_space<vmem>> -> memref<1x128xi32, #tpu.memory_space<vmem>>
      %dma_wait3A_599 = tpu.memref_squeeze %dma_wait3A_598 : memref<1x128xi32, #tpu.memory_space<vmem>> -> memref<128xi32, #tpu.memory_space<vmem>>
      %dma_wait3A_600 = arith.constant 0 : i32
      %dma_wait3A_601 = arith.constant 0 : i32
      %dma_wait3A_602 = tpu.memref_slice %arg2[%dma_wait3A_600, %dma_wait3A_601] : memref<100000x32xi32, #tpu.memory_space<hbm>> -> memref<100000x32xi32, #tpu.memory_space<hbm>>
      tpu.wait_indirect_dma semaphore(%arg7 : memref<!tpu.dma_semaphore, #tpu.memory_space<semaphore_mem>>) src(%dma_wait3A_602 : memref<100000x32xi32, #tpu.memory_space<hbm>>) dst(%dma_wait3A_596 : memref<128x32xi32, #tpu.memory_space<vmem>>)
      %dma_wait3A_603 = arith.constant 1 : i32
      %dma_wait3A_604 = arith.constant 0 : i32
      %dma_wait3A_605 = arith.constant 0 : i32
      %dma_wait3A_606 = tpu.memref_slice %arg6[%dma_wait3A_603, %dma_wait3A_604, %dma_wait3A_605] : memref<2x1280x32xi32, #tpu.memory_space<vmem>> -> memref<1x1280x32xi32, #tpu.memory_space<vmem>>
      %dma_wait3A_607 = tpu.memref_squeeze %dma_wait3A_606 : memref<1x1280x32xi32, #tpu.memory_space<vmem>> -> memref<1280x32xi32, #tpu.memory_space<vmem>>
      %dma_wait3A_608 = arith.constant 256 : i32
      %dma_wait3A_609 = arith.constant 0 : i32
      %dma_wait3A_610 = tpu.memref_slice %dma_wait3A_607[%dma_wait3A_608, %dma_wait3A_609] : memref<1280x32xi32, #tpu.memory_space<vmem>> -> memref<128x32xi32, #tpu.memory_space<vmem>>
      %dma_wait3A_611 = arith.constant 0 : i32
      %dma_wait3A_612 = tpu.memref_slice %arg5[%add3A_434, %dma_wait3A_611] : memref<60x128xi32, #tpu.memory_space<vmem>> -> memref<1x128xi32, #tpu.memory_space<vmem>>
      %dma_wait3A_613 = tpu.memref_squeeze %dma_wait3A_612 : memref<1x128xi32, #tpu.memory_space<vmem>> -> memref<128xi32, #tpu.memory_space<vmem>>
      %dma_wait3A_614 = arith.constant 0 : i32
      %dma_wait3A_615 = arith.constant 0 : i32
      %dma_wait3A_616 = tpu.memref_slice %arg2[%dma_wait3A_614, %dma_wait3A_615] : memref<100000x32xi32, #tpu.memory_space<hbm>> -> memref<100000x32xi32, #tpu.memory_space<hbm>>
      tpu.wait_indirect_dma semaphore(%arg7 : memref<!tpu.dma_semaphore, #tpu.memory_space<semaphore_mem>>) src(%dma_wait3A_616 : memref<100000x32xi32, #tpu.memory_space<hbm>>) dst(%dma_wait3A_610 : memref<128x32xi32, #tpu.memory_space<vmem>>)
      %dma_wait3A_617 = arith.constant 1 : i32
      %dma_wait3A_618 = arith.constant 0 : i32
      %dma_wait3A_619 = arith.constant 0 : i32
      %dma_wait3A_620 = tpu.memref_slice %arg6[%dma_wait3A_617, %dma_wait3A_618, %dma_wait3A_619] : memref<2x1280x32xi32, #tpu.memory_space<vmem>> -> memref<1x1280x32xi32, #tpu.memory_space<vmem>>
      %dma_wait3A_621 = tpu.memref_squeeze %dma_wait3A_620 : memref<1x1280x32xi32, #tpu.memory_space<vmem>> -> memref<1280x32xi32, #tpu.memory_space<vmem>>
      %dma_wait3A_622 = arith.constant 384 : i32
      %dma_wait3A_623 = arith.constant 0 : i32
      %dma_wait3A_624 = tpu.memref_slice %dma_wait3A_621[%dma_wait3A_622, %dma_wait3A_623] : memref<1280x32xi32, #tpu.memory_space<vmem>> -> memref<128x32xi32, #tpu.memory_space<vmem>>
      %dma_wait3A_625 = arith.constant 0 : i32
      %dma_wait3A_626 = tpu.memref_slice %arg5[%add3A_452, %dma_wait3A_625] : memref<60x128xi32, #tpu.memory_space<vmem>> -> memref<1x128xi32, #tpu.memory_space<vmem>>
      %dma_wait3A_627 = tpu.memref_squeeze %dma_wait3A_626 : memref<1x128xi32, #tpu.memory_space<vmem>> -> memref<128xi32, #tpu.memory_space<vmem>>
      %dma_wait3A_628 = arith.constant 0 : i32
      %dma_wait3A_629 = arith.constant 0 : i32
      %dma_wait3A_630 = tpu.memref_slice %arg2[%dma_wait3A_628, %dma_wait3A_629] : memref<100000x32xi32, #tpu.memory_space<hbm>> -> memref<100000x32xi32, #tpu.memory_space<hbm>>
      tpu.wait_indirect_dma semaphore(%arg7 : memref<!tpu.dma_semaphore, #tpu.memory_space<semaphore_mem>>) src(%dma_wait3A_630 : memref<100000x32xi32, #tpu.memory_space<hbm>>) dst(%dma_wait3A_624 : memref<128x32xi32, #tpu.memory_space<vmem>>)
      %dma_wait3A_631 = arith.constant 1 : i32
      %dma_wait3A_632 = arith.constant 0 : i32
      %dma_wait3A_633 = arith.constant 0 : i32
      %dma_wait3A_634 = tpu.memref_slice %arg6[%dma_wait3A_631, %dma_wait3A_632, %dma_wait3A_633] : memref<2x1280x32xi32, #tpu.memory_space<vmem>> -> memref<1x1280x32xi32, #tpu.memory_space<vmem>>
      %dma_wait3A_635 = tpu.memref_squeeze %dma_wait3A_634 : memref<1x1280x32xi32, #tpu.memory_space<vmem>> -> memref<1280x32xi32, #tpu.memory_space<vmem>>
      %dma_wait3A_636 = arith.constant 512 : i32
      %dma_wait3A_637 = arith.constant 0 : i32
      %dma_wait3A_638 = tpu.memref_slice %dma_wait3A_635[%dma_wait3A_636, %dma_wait3A_637] : memref<1280x32xi32, #tpu.memory_space<vmem>> -> memref<128x32xi32, #tpu.memory_space<vmem>>
      %dma_wait3A_639 = arith.constant 0 : i32
      %dma_wait3A_640 = tpu.memref_slice %arg5[%add3A_470, %dma_wait3A_639] : memref<60x128xi32, #tpu.memory_space<vmem>> -> memref<1x128xi32, #tpu.memory_space<vmem>>
      %dma_wait3A_641 = tpu.memref_squeeze %dma_wait3A_640 : memref<1x128xi32, #tpu.memory_space<vmem>> -> memref<128xi32, #tpu.memory_space<vmem>>
      %dma_wait3A_642 = arith.constant 0 : i32
      %dma_wait3A_643 = arith.constant 0 : i32
      %dma_wait3A_644 = tpu.memref_slice %arg2[%dma_wait3A_642, %dma_wait3A_643] : memref<100000x32xi32, #tpu.memory_space<hbm>> -> memref<100000x32xi32, #tpu.memory_space<hbm>>
      tpu.wait_indirect_dma semaphore(%arg7 : memref<!tpu.dma_semaphore, #tpu.memory_space<semaphore_mem>>) src(%dma_wait3A_644 : memref<100000x32xi32, #tpu.memory_space<hbm>>) dst(%dma_wait3A_638 : memref<128x32xi32, #tpu.memory_space<vmem>>)
      %dma_wait3A_645 = arith.constant 1 : i32
      %dma_wait3A_646 = arith.constant 0 : i32
      %dma_wait3A_647 = arith.constant 0 : i32
      %dma_wait3A_648 = tpu.memref_slice %arg6[%dma_wait3A_645, %dma_wait3A_646, %dma_wait3A_647] : memref<2x1280x32xi32, #tpu.memory_space<vmem>> -> memref<1x1280x32xi32, #tpu.memory_space<vmem>>
      %dma_wait3A_649 = tpu.memref_squeeze %dma_wait3A_648 : memref<1x1280x32xi32, #tpu.memory_space<vmem>> -> memref<1280x32xi32, #tpu.memory_space<vmem>>
      %dma_wait3A_650 = arith.constant 640 : i32
      %dma_wait3A_651 = arith.constant 0 : i32
      %dma_wait3A_652 = tpu.memref_slice %dma_wait3A_649[%dma_wait3A_650, %dma_wait3A_651] : memref<1280x32xi32, #tpu.memory_space<vmem>> -> memref<128x32xi32, #tpu.memory_space<vmem>>
      %dma_wait3A_653 = arith.constant 0 : i32
      %dma_wait3A_654 = tpu.memref_slice %arg5[%add3A_488, %dma_wait3A_653] : memref<60x128xi32, #tpu.memory_space<vmem>> -> memref<1x128xi32, #tpu.memory_space<vmem>>
      %dma_wait3A_655 = tpu.memref_squeeze %dma_wait3A_654 : memref<1x128xi32, #tpu.memory_space<vmem>> -> memref<128xi32, #tpu.memory_space<vmem>>
      %dma_wait3A_656 = arith.constant 0 : i32
      %dma_wait3A_657 = arith.constant 0 : i32
      %dma_wait3A_658 = tpu.memref_slice %arg2[%dma_wait3A_656, %dma_wait3A_657] : memref<100000x32xi32, #tpu.memory_space<hbm>> -> memref<100000x32xi32, #tpu.memory_space<hbm>>
      tpu.wait_indirect_dma semaphore(%arg7 : memref<!tpu.dma_semaphore, #tpu.memory_space<semaphore_mem>>) src(%dma_wait3A_658 : memref<100000x32xi32, #tpu.memory_space<hbm>>) dst(%dma_wait3A_652 : memref<128x32xi32, #tpu.memory_space<vmem>>)
      %dma_wait3A_659 = arith.constant 1 : i32
      %dma_wait3A_660 = arith.constant 0 : i32
      %dma_wait3A_661 = arith.constant 0 : i32
      %dma_wait3A_662 = tpu.memref_slice %arg6[%dma_wait3A_659, %dma_wait3A_660, %dma_wait3A_661] : memref<2x1280x32xi32, #tpu.memory_space<vmem>> -> memref<1x1280x32xi32, #tpu.memory_space<vmem>>
      %dma_wait3A_663 = tpu.memref_squeeze %dma_wait3A_662 : memref<1x1280x32xi32, #tpu.memory_space<vmem>> -> memref<1280x32xi32, #tpu.memory_space<vmem>>
      %dma_wait3A_664 = arith.constant 768 : i32
      %dma_wait3A_665 = arith.constant 0 : i32
      %dma_wait3A_666 = tpu.memref_slice %dma_wait3A_663[%dma_wait3A_664, %dma_wait3A_665] : memref<1280x32xi32, #tpu.memory_space<vmem>> -> memref<128x32xi32, #tpu.memory_space<vmem>>
      %dma_wait3A_667 = arith.constant 0 : i32
      %dma_wait3A_668 = tpu.memref_slice %arg5[%add3A_506, %dma_wait3A_667] : memref<60x128xi32, #tpu.memory_space<vmem>> -> memref<1x128xi32, #tpu.memory_space<vmem>>
      %dma_wait3A_669 = tpu.memref_squeeze %dma_wait3A_668 : memref<1x128xi32, #tpu.memory_space<vmem>> -> memref<128xi32, #tpu.memory_space<vmem>>
      %dma_wait3A_670 = arith.constant 0 : i32
      %dma_wait3A_671 = arith.constant 0 : i32
      %dma_wait3A_672 = tpu.memref_slice %arg2[%dma_wait3A_670, %dma_wait3A_671] : memref<100000x32xi32, #tpu.memory_space<hbm>> -> memref<100000x32xi32, #tpu.memory_space<hbm>>
      tpu.wait_indirect_dma semaphore(%arg7 : memref<!tpu.dma_semaphore, #tpu.memory_space<semaphore_mem>>) src(%dma_wait3A_672 : memref<100000x32xi32, #tpu.memory_space<hbm>>) dst(%dma_wait3A_666 : memref<128x32xi32, #tpu.memory_space<vmem>>)
      %dma_wait3A_673 = arith.constant 1 : i32
      %dma_wait3A_674 = arith.constant 0 : i32
      %dma_wait3A_675 = arith.constant 0 : i32
      %dma_wait3A_676 = tpu.memref_slice %arg6[%dma_wait3A_673, %dma_wait3A_674, %dma_wait3A_675] : memref<2x1280x32xi32, #tpu.memory_space<vmem>> -> memref<1x1280x32xi32, #tpu.memory_space<vmem>>
      %dma_wait3A_677 = tpu.memref_squeeze %dma_wait3A_676 : memref<1x1280x32xi32, #tpu.memory_space<vmem>> -> memref<1280x32xi32, #tpu.memory_space<vmem>>
      %dma_wait3A_678 = arith.constant 896 : i32
      %dma_wait3A_679 = arith.constant 0 : i32
      %dma_wait3A_680 = tpu.memref_slice %dma_wait3A_677[%dma_wait3A_678, %dma_wait3A_679] : memref<1280x32xi32, #tpu.memory_space<vmem>> -> memref<128x32xi32, #tpu.memory_space<vmem>>
      %dma_wait3A_681 = arith.constant 0 : i32
      %dma_wait3A_682 = tpu.memref_slice %arg5[%add3A_524, %dma_wait3A_681] : memref<60x128xi32, #tpu.memory_space<vmem>> -> memref<1x128xi32, #tpu.memory_space<vmem>>
      %dma_wait3A_683 = tpu.memref_squeeze %dma_wait3A_682 : memref<1x128xi32, #tpu.memory_space<vmem>> -> memref<128xi32, #tpu.memory_space<vmem>>
      %dma_wait3A_684 = arith.constant 0 : i32
      %dma_wait3A_685 = arith.constant 0 : i32
      %dma_wait3A_686 = tpu.memref_slice %arg2[%dma_wait3A_684, %dma_wait3A_685] : memref<100000x32xi32, #tpu.memory_space<hbm>> -> memref<100000x32xi32, #tpu.memory_space<hbm>>
      tpu.wait_indirect_dma semaphore(%arg7 : memref<!tpu.dma_semaphore, #tpu.memory_space<semaphore_mem>>) src(%dma_wait3A_686 : memref<100000x32xi32, #tpu.memory_space<hbm>>) dst(%dma_wait3A_680 : memref<128x32xi32, #tpu.memory_space<vmem>>)
      %dma_wait3A_687 = arith.constant 1 : i32
      %dma_wait3A_688 = arith.constant 0 : i32
      %dma_wait3A_689 = arith.constant 0 : i32
      %dma_wait3A_690 = tpu.memref_slice %arg6[%dma_wait3A_687, %dma_wait3A_688, %dma_wait3A_689] : memref<2x1280x32xi32, #tpu.memory_space<vmem>> -> memref<1x1280x32xi32, #tpu.memory_space<vmem>>
      %dma_wait3A_691 = tpu.memref_squeeze %dma_wait3A_690 : memref<1x1280x32xi32, #tpu.memory_space<vmem>> -> memref<1280x32xi32, #tpu.memory_space<vmem>>
      %dma_wait3A_692 = arith.constant 1024 : i32
      %dma_wait3A_693 = arith.constant 0 : i32
      %dma_wait3A_694 = tpu.memref_slice %dma_wait3A_691[%dma_wait3A_692, %dma_wait3A_693] : memref<1280x32xi32, #tpu.memory_space<vmem>> -> memref<128x32xi32, #tpu.memory_space<vmem>>
      %dma_wait3A_695 = arith.constant 0 : i32
      %dma_wait3A_696 = tpu.memref_slice %arg5[%add3A_542, %dma_wait3A_695] : memref<60x128xi32, #tpu.memory_space<vmem>> -> memref<1x128xi32, #tpu.memory_space<vmem>>
      %dma_wait3A_697 = tpu.memref_squeeze %dma_wait3A_696 : memref<1x128xi32, #tpu.memory_space<vmem>> -> memref<128xi32, #tpu.memory_space<vmem>>
      %dma_wait3A_698 = arith.constant 0 : i32
      %dma_wait3A_699 = arith.constant 0 : i32
      %dma_wait3A_700 = tpu.memref_slice %arg2[%dma_wait3A_698, %dma_wait3A_699] : memref<100000x32xi32, #tpu.memory_space<hbm>> -> memref<100000x32xi32, #tpu.memory_space<hbm>>
      tpu.wait_indirect_dma semaphore(%arg7 : memref<!tpu.dma_semaphore, #tpu.memory_space<semaphore_mem>>) src(%dma_wait3A_700 : memref<100000x32xi32, #tpu.memory_space<hbm>>) dst(%dma_wait3A_694 : memref<128x32xi32, #tpu.memory_space<vmem>>)
      %dma_wait3A_701 = arith.constant 1 : i32
      %dma_wait3A_702 = arith.constant 0 : i32
      %dma_wait3A_703 = arith.constant 0 : i32
      %dma_wait3A_704 = tpu.memref_slice %arg6[%dma_wait3A_701, %dma_wait3A_702, %dma_wait3A_703] : memref<2x1280x32xi32, #tpu.memory_space<vmem>> -> memref<1x1280x32xi32, #tpu.memory_space<vmem>>
      %dma_wait3A_705 = tpu.memref_squeeze %dma_wait3A_704 : memref<1x1280x32xi32, #tpu.memory_space<vmem>> -> memref<1280x32xi32, #tpu.memory_space<vmem>>
      %dma_wait3A_706 = arith.constant 1152 : i32
      %dma_wait3A_707 = arith.constant 0 : i32
      %dma_wait3A_708 = tpu.memref_slice %dma_wait3A_705[%dma_wait3A_706, %dma_wait3A_707] : memref<1280x32xi32, #tpu.memory_space<vmem>> -> memref<128x32xi32, #tpu.memory_space<vmem>>
      %dma_wait3A_709 = arith.constant 0 : i32
      %dma_wait3A_710 = tpu.memref_slice %arg5[%add3A_560, %dma_wait3A_709] : memref<60x128xi32, #tpu.memory_space<vmem>> -> memref<1x128xi32, #tpu.memory_space<vmem>>
      %dma_wait3A_711 = tpu.memref_squeeze %dma_wait3A_710 : memref<1x128xi32, #tpu.memory_space<vmem>> -> memref<128xi32, #tpu.memory_space<vmem>>
      %dma_wait3A_712 = arith.constant 0 : i32
      %dma_wait3A_713 = arith.constant 0 : i32
      %dma_wait3A_714 = tpu.memref_slice %arg2[%dma_wait3A_712, %dma_wait3A_713] : memref<100000x32xi32, #tpu.memory_space<hbm>> -> memref<100000x32xi32, #tpu.memory_space<hbm>>
      tpu.wait_indirect_dma semaphore(%arg7 : memref<!tpu.dma_semaphore, #tpu.memory_space<semaphore_mem>>) src(%dma_wait3A_714 : memref<100000x32xi32, #tpu.memory_space<hbm>>) dst(%dma_wait3A_708 : memref<128x32xi32, #tpu.memory_space<vmem>>)
      %dma_start3A_715 = arith.constant 1 : i32
      %dma_start3A_716 = arith.constant 0 : i32
      %dma_start3A_717 = arith.constant 0 : i32
      %dma_start3A_718 = tpu.memref_slice %arg6[%dma_start3A_715, %dma_start3A_716, %dma_start3A_717] : memref<2x1280x32xi32, #tpu.memory_space<vmem>> -> memref<1x1280x32xi32, #tpu.memory_space<vmem>>
      %dma_start3A_719 = tpu.memref_squeeze %dma_start3A_718 : memref<1x1280x32xi32, #tpu.memory_space<vmem>> -> memref<1280x32xi32, #tpu.memory_space<vmem>>
      %dma_start3A_720 = arith.constant 0 : i32
      %dma_start3A_721 = tpu.memref_slice %arg4[%add3A_388, %dma_start3A_720] : memref<245760x32xi32, #tpu.memory_space<hbm>> -> memref<1280x32xi32, #tpu.memory_space<hbm>>
      %dma_start3A_722 = arith.constant 0 : i32
      %dma_start3A_723 = tpu.memref_slice %arg4[%add3A_388, %dma_start3A_722] : memref<245760x32xi32, #tpu.memory_space<hbm>> -> memref<1280x32xi32, #tpu.memory_space<hbm>>
      %dma_start3A_724 = arith.constant 0 : i32
      %dma_start3A_725 = arith.constant 0 : i32
      %dma_start3A_726 = tpu.memref_slice %arg6[%dma_start3A_715, %dma_start3A_724, %dma_start3A_725] : memref<2x1280x32xi32, #tpu.memory_space<vmem>> -> memref<1x1280x32xi32, #tpu.memory_space<vmem>>
      %dma_start3A_727 = tpu.memref_squeeze %dma_start3A_726 : memref<1x1280x32xi32, #tpu.memory_space<vmem>> -> memref<1280x32xi32, #tpu.memory_space<vmem>>
      tpu.enqueue_dma source(%dma_start3A_727 : memref<1280x32xi32, #tpu.memory_space<vmem>>) target(%dma_start3A_723 : memref<1280x32xi32, #tpu.memory_space<hbm>>) target_semaphore(%arg9 : memref<!tpu.dma_semaphore, #tpu.memory_space<semaphore_mem>>)
    }
    %scan3A_9 = arith.constant 3 : i32
    %add3A_10 = arith.constant 5120 : i32
    %add3A_11 = arith.addi %mul3A_2, %add3A_10 : i32
    %dma_wait3A = arith.constant 0 : i32
    %dma_wait3A_12 = arith.constant 0 : i32
    %dma_wait3A_13 = arith.constant 0 : i32
    %dma_wait3A_14 = tpu.memref_slice %arg6[%dma_wait3A, %dma_wait3A_12, %dma_wait3A_13] : memref<2x1280x32xi32, #tpu.memory_space<vmem>> -> memref<1x1280x32xi32, #tpu.memory_space<vmem>>
    %dma_wait3A_15 = tpu.memref_squeeze %dma_wait3A_14 : memref<1x1280x32xi32, #tpu.memory_space<vmem>> -> memref<1280x32xi32, #tpu.memory_space<vmem>>
    %dma_wait3A_16 = arith.constant 0 : i32
    %dma_wait3A_17 = tpu.memref_slice %arg4[%add3A_11, %dma_wait3A_16] : memref<245760x32xi32, #tpu.memory_space<hbm>> -> memref<1280x32xi32, #tpu.memory_space<hbm>>
    %dma_wait3A_18 = arith.constant 0 : i32
    %dma_wait3A_19 = tpu.memref_slice %arg4[%add3A_11, %dma_wait3A_18] : memref<245760x32xi32, #tpu.memory_space<hbm>> -> memref<1280x32xi32, #tpu.memory_space<hbm>>
    %dma_wait3A_20 = arith.constant 0 : i32
    %dma_wait3A_21 = arith.constant 0 : i32
    %dma_wait3A_22 = tpu.memref_slice %arg6[%dma_wait3A, %dma_wait3A_20, %dma_wait3A_21] : memref<2x1280x32xi32, #tpu.memory_space<vmem>> -> memref<1x1280x32xi32, #tpu.memory_space<vmem>>
    %dma_wait3A_23 = tpu.memref_squeeze %dma_wait3A_22 : memref<1x1280x32xi32, #tpu.memory_space<vmem>> -> memref<1280x32xi32, #tpu.memory_space<vmem>>
    tpu.wait_dma2 semaphore(%arg8 : memref<!tpu.dma_semaphore, #tpu.memory_space<semaphore_mem>>) src(%dma_wait3A_23 : memref<1280x32xi32, #tpu.memory_space<vmem>>) dst(%dma_wait3A_19 : memref<1280x32xi32, #tpu.memory_space<hbm>>)
    %add3A_24 = arith.constant 6400 : i32
    %add3A_25 = arith.addi %mul3A_2, %add3A_24 : i32
    %dma_wait3A_26 = arith.constant 1 : i32
    %dma_wait3A_27 = arith.constant 0 : i32
    %dma_wait3A_28 = arith.constant 0 : i32
    %dma_wait3A_29 = tpu.memref_slice %arg6[%dma_wait3A_26, %dma_wait3A_27, %dma_wait3A_28] : memref<2x1280x32xi32, #tpu.memory_space<vmem>> -> memref<1x1280x32xi32, #tpu.memory_space<vmem>>
    %dma_wait3A_30 = tpu.memref_squeeze %dma_wait3A_29 : memref<1x1280x32xi32, #tpu.memory_space<vmem>> -> memref<1280x32xi32, #tpu.memory_space<vmem>>
    %dma_wait3A_31 = arith.constant 0 : i32
    %dma_wait3A_32 = tpu.memref_slice %arg4[%add3A_25, %dma_wait3A_31] : memref<245760x32xi32, #tpu.memory_space<hbm>> -> memref<1280x32xi32, #tpu.memory_space<hbm>>
    %dma_wait3A_33 = arith.constant 0 : i32
    %dma_wait3A_34 = tpu.memref_slice %arg4[%add3A_25, %dma_wait3A_33] : memref<245760x32xi32, #tpu.memory_space<hbm>> -> memref<1280x32xi32, #tpu.memory_space<hbm>>
    %dma_wait3A_35 = arith.constant 0 : i32
    %dma_wait3A_36 = arith.constant 0 : i32
    %dma_wait3A_37 = tpu.memref_slice %arg6[%dma_wait3A_26, %dma_wait3A_35, %dma_wait3A_36] : memref<2x1280x32xi32, #tpu.memory_space<vmem>> -> memref<1x1280x32xi32, #tpu.memory_space<vmem>>
    %dma_wait3A_38 = tpu.memref_squeeze %dma_wait3A_37 : memref<1x1280x32xi32, #tpu.memory_space<vmem>> -> memref<1280x32xi32, #tpu.memory_space<vmem>>
    tpu.wait_dma2 semaphore(%arg9 : memref<!tpu.dma_semaphore, #tpu.memory_space<semaphore_mem>>) src(%dma_wait3A_38 : memref<1280x32xi32, #tpu.memory_space<vmem>>) dst(%dma_wait3A_34 : memref<1280x32xi32, #tpu.memory_space<hbm>>)
    return
  }
}

#map = affine_map<(d0, d1) -> (0, 0)>
module attributes {stable_mosaic.version = 14 : i64} {
  func.func @_sc_gather(%arg0: i32, %arg1: i32, %arg2: memref<100000x32xi32, #tpu.memory_space<hbm>>, %arg3: memref<1920x128xi32, #tpu.memory_space<hbm>>, %arg4: memref<245760x32xi32, #tpu.memory_space<hbm>>, %arg5: memref<60x128xi32, #tpu.memory_space<vmem>>, %arg6: memref<2x1280x32xi32, #tpu.memory_space<vmem>>, %arg7: memref<!tpu.dma_semaphore, #tpu.memory_space<semaphore_mem>>, %arg8: memref<!tpu.dma_semaphore, #tpu.memory_space<semaphore_mem>>, %arg9: memref<!tpu.dma_semaphore, #tpu.memory_space<semaphore_mem>>) attributes {dimension_semantics = [#tpu.dimension_semantics<core_parallel>, #tpu.dimension_semantics<subcore_parallel>], iteration_bounds = array<i64: 2, 16>, scalar_prefetch = 0 : i64, scratch_operands = 5 : i64, tpu.core_type = #tpu.core_type<sc_vector_subcore>, window_params = [{transform_indices = #map}, {transform_indices = #map}, {transform_indices = #map}]} {
    %mul3A = arith.constant 2 : i32
    %mul3A_0 = arith.muli %arg1, %mul3A : i32
    %add3A = arith.addi %mul3A_0, %arg0 : i32
    %mul3A_1 = arith.constant 7680 : i32
    %mul3A_2 = arith.muli %add3A, %mul3A_1 : i32
    %mul3A_3 = arith.constant 60 : i32
    %mul3A_4 = arith.muli %add3A, %mul3A_3 : i32
    "tpu.region"() ({
      %run_scoped3A = tpu.sem_alloc : memref<!tpu.dma_semaphore, #tpu.memory_space<semaphore_mem>>
      %dma_start3A = arith.constant 0 : i32
      %dma_start3A_39 = tpu.memref_slice %arg3[%mul3A_4, %dma_start3A] : memref<1920x128xi32, #tpu.memory_space<hbm>> -> memref<60x128xi32, #tpu.memory_space<hbm>>
      %dma_start3A_40 = arith.constant 0 : i32
      %dma_start3A_41 = tpu.memref_slice %arg3[%mul3A_4, %dma_start3A_40] : memref<1920x128xi32, #tpu.memory_space<hbm>> -> memref<60x128xi32, #tpu.memory_space<hbm>>
      tpu.enqueue_dma source(%dma_start3A_41 : memref<60x128xi32, #tpu.memory_space<hbm>>) target(%arg5 : memref<60x128xi32, #tpu.memory_space<vmem>>) target_semaphore(%run_scoped3A : memref<!tpu.dma_semaphore, #tpu.memory_space<semaphore_mem>>)
      %dma_wait3A_42 = arith.constant 0 : i32
      %dma_wait3A_43 = tpu.memref_slice %arg3[%mul3A_4, %dma_wait3A_42] : memref<1920x128xi32, #tpu.memory_space<hbm>> -> memref<60x128xi32, #tpu.memory_space<hbm>>
      %dma_wait3A_44 = arith.constant 0 : i32
      %dma_wait3A_45 = tpu.memref_slice %arg3[%mul3A_4, %dma_wait3A_44] : memref<1920x128xi32, #tpu.memory_space<hbm>> -> memref<60x128xi32, #tpu.memory_space<hbm>>
      tpu.wait_dma2 semaphore(%run_scoped3A : memref<!tpu.dma_semaphore, #tpu.memory_space<semaphore_mem>>) src(%dma_wait3A_45 : memref<60x128xi32, #tpu.memory_space<hbm>>) dst(%arg5 : memref<60x128xi32, #tpu.memory_space<vmem>>)
      tpu.yield
    }) : () -> ()
    %scan3A = arith.constant 0 : i32
    %scan3A_5 = arith.constant 0 : i32
    %scan3A_6 = arith.constant 3 : i32
    %scan3A_7 = arith.addi %scan3A_5, %scan3A_6 : i32
    %scan3A_8 = arith.constant 1 : i32
    scf.for %scan3A_39 = %scan3A_5 to %scan3A_7 step %scan3A_8  : i32 {
      %mul3A_40 = arith.constant 2 : i32
      %mul3A_41 = arith.muli %scan3A_39, %mul3A_40 : i32
      %add3A_42 = arith.constant 0 : i32
      %add3A_43 = arith.addi %mul3A_41, %add3A_42 : i32
      %mul3A_44 = arith.constant 1280 : i32
      %mul3A_45 = arith.muli %add3A_43, %mul3A_44 : i32
      %add3A_46 = arith.addi %mul3A_2, %mul3A_45 : i32
      %gt3A = arith.constant 0 : i32
      %gt3A_47 = arith.cmpi sgt, %scan3A_39, %gt3A : i32
      %convert_element_type3A = arith.extui %gt3A_47 : i1 to i32
      %cond3A = arith.constant 0 : i32
      %cond3A_48 = arith.constant 0 : i32
      %cond3A_49 = arith.cmpi ne, %convert_element_type3A, %cond3A_48 : i32
      scf.if %cond3A_49 {
        %dma_wait3A_728 = arith.constant 0 : i32
        %dma_wait3A_729 = arith.constant 0 : i32
        %dma_wait3A_730 = tpu.memref_slice %arg6[%cond3A, %dma_wait3A_728, %dma_wait3A_729] : memref<2x1280x32xi32, #tpu.memory_space<vmem>> -> memref<1x1280x32xi32, #tpu.memory_space<vmem>>
        %dma_wait3A_731 = tpu.memref_squeeze %dma_wait3A_730 : memref<1x1280x32xi32, #tpu.memory_space<vmem>> -> memref<1280x32xi32, #tpu.memory_space<vmem>>
        %dma_wait3A_732 = arith.constant 0 : i32
        %dma_wait3A_733 = tpu.memref_slice %arg4[%add3A_46, %dma_wait3A_732] : memref<245760x32xi32, #tpu.memory_space<hbm>> -> memref<1280x32xi32, #tpu.memory_space<hbm>>
        %dma_wait3A_734 = arith.constant 0 : i32
        %dma_wait3A_735 = tpu.memref_slice %arg4[%add3A_46, %dma_wait3A_734] : memref<245760x32xi32, #tpu.memory_space<hbm>> -> memref<1280x32xi32, #tpu.memory_space<hbm>>
        %dma_wait3A_736 = arith.constant 0 : i32
        %dma_wait3A_737 = arith.constant 0 : i32
        %dma_wait3A_738 = tpu.memref_slice %arg6[%cond3A, %dma_wait3A_736, %dma_wait3A_737] : memref<2x1280x32xi32, #tpu.memory_space<vmem>> -> memref<1x1280x32xi32, #tpu.memory_space<vmem>>
        %dma_wait3A_739 = tpu.memref_squeeze %dma_wait3A_738 : memref<1x1280x32xi32, #tpu.memory_space<vmem>> -> memref<1280x32xi32, #tpu.memory_space<vmem>>
        tpu.wait_dma2 semaphore(%arg8 : memref<!tpu.dma_semaphore, #tpu.memory_space<semaphore_mem>>) src(%dma_wait3A_739 : memref<1280x32xi32, #tpu.memory_space<vmem>>) dst(%dma_wait3A_735 : memref<1280x32xi32, #tpu.memory_space<hbm>>)
      } else {
      }
      %mul3A_50 = arith.constant 10 : i32
      %mul3A_51 = arith.muli %add3A_43, %mul3A_50 : i32
      %add3A_52 = arith.constant 0 : i32
      %add3A_53 = arith.addi %mul3A_51, %add3A_52 : i32
      %dma_start3A = arith.constant 0 : i32
      %dma_start3A_54 = arith.constant 0 : i32
      %dma_start3A_55 = arith.constant 0 : i32
      %dma_start3A_56 = tpu.memref_slice %arg6[%dma_start3A, %dma_start3A_54, %dma_start3A_55] : memref<2x1280x32xi32, #tpu.memory_space<vmem>> -> memref<1x1280x32xi32, #tpu.memory_space<vmem>>
      %dma_start3A_57 = tpu.memref_squeeze %dma_start3A_56 : memref<1x1280x32xi32, #tpu.memory_space<vmem>> -> memref<1280x32xi32, #tpu.memory_space<vmem>>
      %dma_start3A_58 = arith.constant 0 : i32
      %dma_start3A_59 = arith.constant 0 : i32
      %dma_start3A_60 = tpu.memref_slice %dma_start3A_57[%dma_start3A_58, %dma_start3A_59] : memref<1280x32xi32, #tpu.memory_space<vmem>> -> memref<128x32xi32, #tpu.memory_space<vmem>>
      %dma_start3A_61 = arith.constant 0 : i32
      %dma_start3A_62 = tpu.memref_slice %arg5[%add3A_53, %dma_start3A_61] : memref<60x128xi32, #tpu.memory_space<vmem>> -> memref<1x128xi32, #tpu.memory_space<vmem>>
      %dma_start3A_63 = tpu.memref_squeeze %dma_start3A_62 : memref<1x128xi32, #tpu.memory_space<vmem>> -> memref<128xi32, #tpu.memory_space<vmem>>
      %dma_start3A_64 = arith.constant 0 : i32
      %dma_start3A_65 = arith.constant 0 : i32
      %dma_start3A_66 = tpu.memref_slice %arg2[%dma_start3A_64, %dma_start3A_65] : memref<100000x32xi32, #tpu.memory_space<hbm>> -> memref<100000x32xi32, #tpu.memory_space<hbm>>
      tpu.enqueue_indirect_dma source(%dma_start3A_66 : memref<100000x32xi32, #tpu.memory_space<hbm>>) target(%dma_start3A_60 : memref<128x32xi32, #tpu.memory_space<vmem>>) offsets(%dma_start3A_63 : memref<128xi32, #tpu.memory_space<vmem>>) semaphore(%arg7 : memref<!tpu.dma_semaphore, #tpu.memory_space<semaphore_mem>>)
      %mul3A_67 = arith.constant 10 : i32
      %mul3A_68 = arith.muli %add3A_43, %mul3A_67 : i32
      %add3A_69 = arith.constant 1 : i32
      %add3A_70 = arith.addi %mul3A_68, %add3A_69 : i32
      %dma_start3A_71 = arith.constant 0 : i32
      %dma_start3A_72 = arith.constant 0 : i32
      %dma_start3A_73 = arith.constant 0 : i32
      %dma_start3A_74 = tpu.memref_slice %arg6[%dma_start3A_71, %dma_start3A_72, %dma_start3A_73] : memref<2x1280x32xi32, #tpu.memory_space<vmem>> -> memref<1x1280x32xi32, #tpu.memory_space<vmem>>
      %dma_start3A_75 = tpu.memref_squeeze %dma_start3A_74 : memref<1x1280x32xi32, #tpu.memory_space<vmem>> -> memref<1280x32xi32, #tpu.memory_space<vmem>>
      %dma_start3A_76 = arith.constant 128 : i32
      %dma_start3A_77 = arith.constant 0 : i32
      %dma_start3A_78 = tpu.memref_slice %dma_start3A_75[%dma_start3A_76, %dma_start3A_77] : memref<1280x32xi32, #tpu.memory_space<vmem>> -> memref<128x32xi32, #tpu.memory_space<vmem>>
      %dma_start3A_79 = arith.constant 0 : i32
      %dma_start3A_80 = tpu.memref_slice %arg5[%add3A_70, %dma_start3A_79] : memref<60x128xi32, #tpu.memory_space<vmem>> -> memref<1x128xi32, #tpu.memory_space<vmem>>
      %dma_start3A_81 = tpu.memref_squeeze %dma_start3A_80 : memref<1x128xi32, #tpu.memory_space<vmem>> -> memref<128xi32, #tpu.memory_space<vmem>>
      %dma_start3A_82 = arith.constant 0 : i32
      %dma_start3A_83 = arith.constant 0 : i32
      %dma_start3A_84 = tpu.memref_slice %arg2[%dma_start3A_82, %dma_start3A_83] : memref<100000x32xi32, #tpu.memory_space<hbm>> -> memref<100000x32xi32, #tpu.memory_space<hbm>>
      tpu.enqueue_indirect_dma source(%dma_start3A_84 : memref<100000x32xi32, #tpu.memory_space<hbm>>) target(%dma_start3A_78 : memref<128x32xi32, #tpu.memory_space<vmem>>) offsets(%dma_start3A_81 : memref<128xi32, #tpu.memory_space<vmem>>) semaphore(%arg7 : memref<!tpu.dma_semaphore, #tpu.memory_space<semaphore_mem>>)
      %mul3A_85 = arith.constant 10 : i32
      %mul3A_86 = arith.muli %add3A_43, %mul3A_85 : i32
      %add3A_87 = arith.constant 2 : i32
      %add3A_88 = arith.addi %mul3A_86, %add3A_87 : i32
      %dma_start3A_89 = arith.constant 0 : i32
      %dma_start3A_90 = arith.constant 0 : i32
      %dma_start3A_91 = arith.constant 0 : i32
      %dma_start3A_92 = tpu.memref_slice %arg6[%dma_start3A_89, %dma_start3A_90, %dma_start3A_91] : memref<2x1280x32xi32, #tpu.memory_space<vmem>> -> memref<1x1280x32xi32, #tpu.memory_space<vmem>>
      %dma_start3A_93 = tpu.memref_squeeze %dma_start3A_92 : memref<1x1280x32xi32, #tpu.memory_space<vmem>> -> memref<1280x32xi32, #tpu.memory_space<vmem>>
      %dma_start3A_94 = arith.constant 256 : i32
      %dma_start3A_95 = arith.constant 0 : i32
      %dma_start3A_96 = tpu.memref_slice %dma_start3A_93[%dma_start3A_94, %dma_start3A_95] : memref<1280x32xi32, #tpu.memory_space<vmem>> -> memref<128x32xi32, #tpu.memory_space<vmem>>
      %dma_start3A_97 = arith.constant 0 : i32
      %dma_start3A_98 = tpu.memref_slice %arg5[%add3A_88, %dma_start3A_97] : memref<60x128xi32, #tpu.memory_space<vmem>> -> memref<1x128xi32, #tpu.memory_space<vmem>>
      %dma_start3A_99 = tpu.memref_squeeze %dma_start3A_98 : memref<1x128xi32, #tpu.memory_space<vmem>> -> memref<128xi32, #tpu.memory_space<vmem>>
      %dma_start3A_100 = arith.constant 0 : i32
      %dma_start3A_101 = arith.constant 0 : i32
      %dma_start3A_102 = tpu.memref_slice %arg2[%dma_start3A_100, %dma_start3A_101] : memref<100000x32xi32, #tpu.memory_space<hbm>> -> memref<100000x32xi32, #tpu.memory_space<hbm>>
      tpu.enqueue_indirect_dma source(%dma_start3A_102 : memref<100000x32xi32, #tpu.memory_space<hbm>>) target(%dma_start3A_96 : memref<128x32xi32, #tpu.memory_space<vmem>>) offsets(%dma_start3A_99 : memref<128xi32, #tpu.memory_space<vmem>>) semaphore(%arg7 : memref<!tpu.dma_semaphore, #tpu.memory_space<semaphore_mem>>)
      %mul3A_103 = arith.constant 10 : i32
      %mul3A_104 = arith.muli %add3A_43, %mul3A_103 : i32
      %add3A_105 = arith.constant 3 : i32
      %add3A_106 = arith.addi %mul3A_104, %add3A_105 : i32
      %dma_start3A_107 = arith.constant 0 : i32
      %dma_start3A_108 = arith.constant 0 : i32
      %dma_start3A_109 = arith.constant 0 : i32
      %dma_start3A_110 = tpu.memref_slice %arg6[%dma_start3A_107, %dma_start3A_108, %dma_start3A_109] : memref<2x1280x32xi32, #tpu.memory_space<vmem>> -> memref<1x1280x32xi32, #tpu.memory_space<vmem>>
      %dma_start3A_111 = tpu.memref_squeeze %dma_start3A_110 : memref<1x1280x32xi32, #tpu.memory_space<vmem>> -> memref<1280x32xi32, #tpu.memory_space<vmem>>
      %dma_start3A_112 = arith.constant 384 : i32
      %dma_start3A_113 = arith.constant 0 : i32
      %dma_start3A_114 = tpu.memref_slice %dma_start3A_111[%dma_start3A_112, %dma_start3A_113] : memref<1280x32xi32, #tpu.memory_space<vmem>> -> memref<128x32xi32, #tpu.memory_space<vmem>>
      %dma_start3A_115 = arith.constant 0 : i32
      %dma_start3A_116 = tpu.memref_slice %arg5[%add3A_106, %dma_start3A_115] : memref<60x128xi32, #tpu.memory_space<vmem>> -> memref<1x128xi32, #tpu.memory_space<vmem>>
      %dma_start3A_117 = tpu.memref_squeeze %dma_start3A_116 : memref<1x128xi32, #tpu.memory_space<vmem>> -> memref<128xi32, #tpu.memory_space<vmem>>
      %dma_start3A_118 = arith.constant 0 : i32
      %dma_start3A_119 = arith.constant 0 : i32
      %dma_start3A_120 = tpu.memref_slice %arg2[%dma_start3A_118, %dma_start3A_119] : memref<100000x32xi32, #tpu.memory_space<hbm>> -> memref<100000x32xi32, #tpu.memory_space<hbm>>
      tpu.enqueue_indirect_dma source(%dma_start3A_120 : memref<100000x32xi32, #tpu.memory_space<hbm>>) target(%dma_start3A_114 : memref<128x32xi32, #tpu.memory_space<vmem>>) offsets(%dma_start3A_117 : memref<128xi32, #tpu.memory_space<vmem>>) semaphore(%arg7 : memref<!tpu.dma_semaphore, #tpu.memory_space<semaphore_mem>>)
      %mul3A_121 = arith.constant 10 : i32
      %mul3A_122 = arith.muli %add3A_43, %mul3A_121 : i32
      %add3A_123 = arith.constant 4 : i32
      %add3A_124 = arith.addi %mul3A_122, %add3A_123 : i32
      %dma_start3A_125 = arith.constant 0 : i32
      %dma_start3A_126 = arith.constant 0 : i32
      %dma_start3A_127 = arith.constant 0 : i32
      %dma_start3A_128 = tpu.memref_slice %arg6[%dma_start3A_125, %dma_start3A_126, %dma_start3A_127] : memref<2x1280x32xi32, #tpu.memory_space<vmem>> -> memref<1x1280x32xi32, #tpu.memory_space<vmem>>
      %dma_start3A_129 = tpu.memref_squeeze %dma_start3A_128 : memref<1x1280x32xi32, #tpu.memory_space<vmem>> -> memref<1280x32xi32, #tpu.memory_space<vmem>>
      %dma_start3A_130 = arith.constant 512 : i32
      %dma_start3A_131 = arith.constant 0 : i32
      %dma_start3A_132 = tpu.memref_slice %dma_start3A_129[%dma_start3A_130, %dma_start3A_131] : memref<1280x32xi32, #tpu.memory_space<vmem>> -> memref<128x32xi32, #tpu.memory_space<vmem>>
      %dma_start3A_133 = arith.constant 0 : i32
      %dma_start3A_134 = tpu.memref_slice %arg5[%add3A_124, %dma_start3A_133] : memref<60x128xi32, #tpu.memory_space<vmem>> -> memref<1x128xi32, #tpu.memory_space<vmem>>
      %dma_start3A_135 = tpu.memref_squeeze %dma_start3A_134 : memref<1x128xi32, #tpu.memory_space<vmem>> -> memref<128xi32, #tpu.memory_space<vmem>>
      %dma_start3A_136 = arith.constant 0 : i32
      %dma_start3A_137 = arith.constant 0 : i32
      %dma_start3A_138 = tpu.memref_slice %arg2[%dma_start3A_136, %dma_start3A_137] : memref<100000x32xi32, #tpu.memory_space<hbm>> -> memref<100000x32xi32, #tpu.memory_space<hbm>>
      tpu.enqueue_indirect_dma source(%dma_start3A_138 : memref<100000x32xi32, #tpu.memory_space<hbm>>) target(%dma_start3A_132 : memref<128x32xi32, #tpu.memory_space<vmem>>) offsets(%dma_start3A_135 : memref<128xi32, #tpu.memory_space<vmem>>) semaphore(%arg7 : memref<!tpu.dma_semaphore, #tpu.memory_space<semaphore_mem>>)
      %mul3A_139 = arith.constant 10 : i32
      %mul3A_140 = arith.muli %add3A_43, %mul3A_139 : i32
      %add3A_141 = arith.constant 5 : i32
      %add3A_142 = arith.addi %mul3A_140, %add3A_141 : i32
      %dma_start3A_143 = arith.constant 0 : i32
      %dma_start3A_144 = arith.constant 0 : i32
      %dma_start3A_145 = arith.constant 0 : i32
      %dma_start3A_146 = tpu.memref_slice %arg6[%dma_start3A_143, %dma_start3A_144, %dma_start3A_145] : memref<2x1280x32xi32, #tpu.memory_space<vmem>> -> memref<1x1280x32xi32, #tpu.memory_space<vmem>>
      %dma_start3A_147 = tpu.memref_squeeze %dma_start3A_146 : memref<1x1280x32xi32, #tpu.memory_space<vmem>> -> memref<1280x32xi32, #tpu.memory_space<vmem>>
      %dma_start3A_148 = arith.constant 640 : i32
      %dma_start3A_149 = arith.constant 0 : i32
      %dma_start3A_150 = tpu.memref_slice %dma_start3A_147[%dma_start3A_148, %dma_start3A_149] : memref<1280x32xi32, #tpu.memory_space<vmem>> -> memref<128x32xi32, #tpu.memory_space<vmem>>
      %dma_start3A_151 = arith.constant 0 : i32
      %dma_start3A_152 = tpu.memref_slice %arg5[%add3A_142, %dma_start3A_151] : memref<60x128xi32, #tpu.memory_space<vmem>> -> memref<1x128xi32, #tpu.memory_space<vmem>>
      %dma_start3A_153 = tpu.memref_squeeze %dma_start3A_152 : memref<1x128xi32, #tpu.memory_space<vmem>> -> memref<128xi32, #tpu.memory_space<vmem>>
      %dma_start3A_154 = arith.constant 0 : i32
      %dma_start3A_155 = arith.constant 0 : i32
      %dma_start3A_156 = tpu.memref_slice %arg2[%dma_start3A_154, %dma_start3A_155] : memref<100000x32xi32, #tpu.memory_space<hbm>> -> memref<100000x32xi32, #tpu.memory_space<hbm>>
      tpu.enqueue_indirect_dma source(%dma_start3A_156 : memref<100000x32xi32, #tpu.memory_space<hbm>>) target(%dma_start3A_150 : memref<128x32xi32, #tpu.memory_space<vmem>>) offsets(%dma_start3A_153 : memref<128xi32, #tpu.memory_space<vmem>>) semaphore(%arg7 : memref<!tpu.dma_semaphore, #tpu.memory_space<semaphore_mem>>)
      %mul3A_157 = arith.constant 10 : i32
      %mul3A_158 = arith.muli %add3A_43, %mul3A_157 : i32
      %add3A_159 = arith.constant 6 : i32
      %add3A_160 = arith.addi %mul3A_158, %add3A_159 : i32
      %dma_start3A_161 = arith.constant 0 : i32
      %dma_start3A_162 = arith.constant 0 : i32
      %dma_start3A_163 = arith.constant 0 : i32
      %dma_start3A_164 = tpu.memref_slice %arg6[%dma_start3A_161, %dma_start3A_162, %dma_start3A_163] : memref<2x1280x32xi32, #tpu.memory_space<vmem>> -> memref<1x1280x32xi32, #tpu.memory_space<vmem>>
      %dma_start3A_165 = tpu.memref_squeeze %dma_start3A_164 : memref<1x1280x32xi32, #tpu.memory_space<vmem>> -> memref<1280x32xi32, #tpu.memory_space<vmem>>
      %dma_start3A_166 = arith.constant 768 : i32
      %dma_start3A_167 = arith.constant 0 : i32
      %dma_start3A_168 = tpu.memref_slice %dma_start3A_165[%dma_start3A_166, %dma_start3A_167] : memref<1280x32xi32, #tpu.memory_space<vmem>> -> memref<128x32xi32, #tpu.memory_space<vmem>>
      %dma_start3A_169 = arith.constant 0 : i32
      %dma_start3A_170 = tpu.memref_slice %arg5[%add3A_160, %dma_start3A_169] : memref<60x128xi32, #tpu.memory_space<vmem>> -> memref<1x128xi32, #tpu.memory_space<vmem>>
      %dma_start3A_171 = tpu.memref_squeeze %dma_start3A_170 : memref<1x128xi32, #tpu.memory_space<vmem>> -> memref<128xi32, #tpu.memory_space<vmem>>
      %dma_start3A_172 = arith.constant 0 : i32
      %dma_start3A_173 = arith.constant 0 : i32
      %dma_start3A_174 = tpu.memref_slice %arg2[%dma_start3A_172, %dma_start3A_173] : memref<100000x32xi32, #tpu.memory_space<hbm>> -> memref<100000x32xi32, #tpu.memory_space<hbm>>
      tpu.enqueue_indirect_dma source(%dma_start3A_174 : memref<100000x32xi32, #tpu.memory_space<hbm>>) target(%dma_start3A_168 : memref<128x32xi32, #tpu.memory_space<vmem>>) offsets(%dma_start3A_171 : memref<128xi32, #tpu.memory_space<vmem>>) semaphore(%arg7 : memref<!tpu.dma_semaphore, #tpu.memory_space<semaphore_mem>>)
      %mul3A_175 = arith.constant 10 : i32
      %mul3A_176 = arith.muli %add3A_43, %mul3A_175 : i32
      %add3A_177 = arith.constant 7 : i32
      %add3A_178 = arith.addi %mul3A_176, %add3A_177 : i32
      %dma_start3A_179 = arith.constant 0 : i32
      %dma_start3A_180 = arith.constant 0 : i32
      %dma_start3A_181 = arith.constant 0 : i32
      %dma_start3A_182 = tpu.memref_slice %arg6[%dma_start3A_179, %dma_start3A_180, %dma_start3A_181] : memref<2x1280x32xi32, #tpu.memory_space<vmem>> -> memref<1x1280x32xi32, #tpu.memory_space<vmem>>
      %dma_start3A_183 = tpu.memref_squeeze %dma_start3A_182 : memref<1x1280x32xi32, #tpu.memory_space<vmem>> -> memref<1280x32xi32, #tpu.memory_space<vmem>>
      %dma_start3A_184 = arith.constant 896 : i32
      %dma_start3A_185 = arith.constant 0 : i32
      %dma_start3A_186 = tpu.memref_slice %dma_start3A_183[%dma_start3A_184, %dma_start3A_185] : memref<1280x32xi32, #tpu.memory_space<vmem>> -> memref<128x32xi32, #tpu.memory_space<vmem>>
      %dma_start3A_187 = arith.constant 0 : i32
      %dma_start3A_188 = tpu.memref_slice %arg5[%add3A_178, %dma_start3A_187] : memref<60x128xi32, #tpu.memory_space<vmem>> -> memref<1x128xi32, #tpu.memory_space<vmem>>
      %dma_start3A_189 = tpu.memref_squeeze %dma_start3A_188 : memref<1x128xi32, #tpu.memory_space<vmem>> -> memref<128xi32, #tpu.memory_space<vmem>>
      %dma_start3A_190 = arith.constant 0 : i32
      %dma_start3A_191 = arith.constant 0 : i32
      %dma_start3A_192 = tpu.memref_slice %arg2[%dma_start3A_190, %dma_start3A_191] : memref<100000x32xi32, #tpu.memory_space<hbm>> -> memref<100000x32xi32, #tpu.memory_space<hbm>>
      tpu.enqueue_indirect_dma source(%dma_start3A_192 : memref<100000x32xi32, #tpu.memory_space<hbm>>) target(%dma_start3A_186 : memref<128x32xi32, #tpu.memory_space<vmem>>) offsets(%dma_start3A_189 : memref<128xi32, #tpu.memory_space<vmem>>) semaphore(%arg7 : memref<!tpu.dma_semaphore, #tpu.memory_space<semaphore_mem>>)
      %mul3A_193 = arith.constant 10 : i32
      %mul3A_194 = arith.muli %add3A_43, %mul3A_193 : i32
      %add3A_195 = arith.constant 8 : i32
      %add3A_196 = arith.addi %mul3A_194, %add3A_195 : i32
      %dma_start3A_197 = arith.constant 0 : i32
      %dma_start3A_198 = arith.constant 0 : i32
      %dma_start3A_199 = arith.constant 0 : i32
      %dma_start3A_200 = tpu.memref_slice %arg6[%dma_start3A_197, %dma_start3A_198, %dma_start3A_199] : memref<2x1280x32xi32, #tpu.memory_space<vmem>> -> memref<1x1280x32xi32, #tpu.memory_space<vmem>>
      %dma_start3A_201 = tpu.memref_squeeze %dma_start3A_200 : memref<1x1280x32xi32, #tpu.memory_space<vmem>> -> memref<1280x32xi32, #tpu.memory_space<vmem>>
      %dma_start3A_202 = arith.constant 1024 : i32
      %dma_start3A_203 = arith.constant 0 : i32
      %dma_start3A_204 = tpu.memref_slice %dma_start3A_201[%dma_start3A_202, %dma_start3A_203] : memref<1280x32xi32, #tpu.memory_space<vmem>> -> memref<128x32xi32, #tpu.memory_space<vmem>>
      %dma_start3A_205 = arith.constant 0 : i32
      %dma_start3A_206 = tpu.memref_slice %arg5[%add3A_196, %dma_start3A_205] : memref<60x128xi32, #tpu.memory_space<vmem>> -> memref<1x128xi32, #tpu.memory_space<vmem>>
      %dma_start3A_207 = tpu.memref_squeeze %dma_start3A_206 : memref<1x128xi32, #tpu.memory_space<vmem>> -> memref<128xi32, #tpu.memory_space<vmem>>
      %dma_start3A_208 = arith.constant 0 : i32
      %dma_start3A_209 = arith.constant 0 : i32
      %dma_start3A_210 = tpu.memref_slice %arg2[%dma_start3A_208, %dma_start3A_209] : memref<100000x32xi32, #tpu.memory_space<hbm>> -> memref<100000x32xi32, #tpu.memory_space<hbm>>
      tpu.enqueue_indirect_dma source(%dma_start3A_210 : memref<100000x32xi32, #tpu.memory_space<hbm>>) target(%dma_start3A_204 : memref<128x32xi32, #tpu.memory_space<vmem>>) offsets(%dma_start3A_207 : memref<128xi32, #tpu.memory_space<vmem>>) semaphore(%arg7 : memref<!tpu.dma_semaphore, #tpu.memory_space<semaphore_mem>>)
      %mul3A_211 = arith.constant 10 : i32
      %mul3A_212 = arith.muli %add3A_43, %mul3A_211 : i32
      %add3A_213 = arith.constant 9 : i32
      %add3A_214 = arith.addi %mul3A_212, %add3A_213 : i32
      %dma_start3A_215 = arith.constant 0 : i32
      %dma_start3A_216 = arith.constant 0 : i32
      %dma_start3A_217 = arith.constant 0 : i32
      %dma_start3A_218 = tpu.memref_slice %arg6[%dma_start3A_215, %dma_start3A_216, %dma_start3A_217] : memref<2x1280x32xi32, #tpu.memory_space<vmem>> -> memref<1x1280x32xi32, #tpu.memory_space<vmem>>
      %dma_start3A_219 = tpu.memref_squeeze %dma_start3A_218 : memref<1x1280x32xi32, #tpu.memory_space<vmem>> -> memref<1280x32xi32, #tpu.memory_space<vmem>>
      %dma_start3A_220 = arith.constant 1152 : i32
      %dma_start3A_221 = arith.constant 0 : i32
      %dma_start3A_222 = tpu.memref_slice %dma_start3A_219[%dma_start3A_220, %dma_start3A_221] : memref<1280x32xi32, #tpu.memory_space<vmem>> -> memref<128x32xi32, #tpu.memory_space<vmem>>
      %dma_start3A_223 = arith.constant 0 : i32
      %dma_start3A_224 = tpu.memref_slice %arg5[%add3A_214, %dma_start3A_223] : memref<60x128xi32, #tpu.memory_space<vmem>> -> memref<1x128xi32, #tpu.memory_space<vmem>>
      %dma_start3A_225 = tpu.memref_squeeze %dma_start3A_224 : memref<1x128xi32, #tpu.memory_space<vmem>> -> memref<128xi32, #tpu.memory_space<vmem>>
      %dma_start3A_226 = arith.constant 0 : i32
      %dma_start3A_227 = arith.constant 0 : i32
      %dma_start3A_228 = tpu.memref_slice %arg2[%dma_start3A_226, %dma_start3A_227] : memref<100000x32xi32, #tpu.memory_space<hbm>> -> memref<100000x32xi32, #tpu.memory_space<hbm>>
      tpu.enqueue_indirect_dma source(%dma_start3A_228 : memref<100000x32xi32, #tpu.memory_space<hbm>>) target(%dma_start3A_222 : memref<128x32xi32, #tpu.memory_space<vmem>>) offsets(%dma_start3A_225 : memref<128xi32, #tpu.memory_space<vmem>>) semaphore(%arg7 : memref<!tpu.dma_semaphore, #tpu.memory_space<semaphore_mem>>)
      %dma_wait3A_229 = arith.constant 0 : i32
      %dma_wait3A_230 = arith.constant 0 : i32
      %dma_wait3A_231 = arith.constant 0 : i32
      %dma_wait3A_232 = tpu.memref_slice %arg6[%dma_wait3A_229, %dma_wait3A_230, %dma_wait3A_231] : memref<2x1280x32xi32, #tpu.memory_space<vmem>> -> memref<1x1280x32xi32, #tpu.memory_space<vmem>>
      %dma_wait3A_233 = tpu.memref_squeeze %dma_wait3A_232 : memref<1x1280x32xi32, #tpu.memory_space<vmem>> -> memref<1280x32xi32, #tpu.memory_space<vmem>>
      %dma_wait3A_234 = arith.constant 0 : i32
      %dma_wait3A_235 = arith.constant 0 : i32
      %dma_wait3A_236 = tpu.memref_slice %dma_wait3A_233[%dma_wait3A_234, %dma_wait3A_235] : memref<1280x32xi32, #tpu.memory_space<vmem>> -> memref<128x32xi32, #tpu.memory_space<vmem>>
      %dma_wait3A_237 = arith.constant 0 : i32
      %dma_wait3A_238 = tpu.memref_slice %arg5[%add3A_53, %dma_wait3A_237] : memref<60x128xi32, #tpu.memory_space<vmem>> -> memref<1x128xi32, #tpu.memory_space<vmem>>
      %dma_wait3A_239 = tpu.memref_squeeze %dma_wait3A_238 : memref<1x128xi32, #tpu.memory_space<vmem>> -> memref<128xi32, #tpu.memory_space<vmem>>
      %dma_wait3A_240 = arith.constant 0 : i32
      %dma_wait3A_241 = arith.constant 0 : i32
      %dma_wait3A_242 = tpu.memref_slice %arg2[%dma_wait3A_240, %dma_wait3A_241] : memref<100000x32xi32, #tpu.memory_space<hbm>> -> memref<100000x32xi32, #tpu.memory_space<hbm>>
      tpu.wait_indirect_dma semaphore(%arg7 : memref<!tpu.dma_semaphore, #tpu.memory_space<semaphore_mem>>) src(%dma_wait3A_242 : memref<100000x32xi32, #tpu.memory_space<hbm>>) dst(%dma_wait3A_236 : memref<128x32xi32, #tpu.memory_space<vmem>>)
      %dma_wait3A_243 = arith.constant 0 : i32
      %dma_wait3A_244 = arith.constant 0 : i32
      %dma_wait3A_245 = arith.constant 0 : i32
      %dma_wait3A_246 = tpu.memref_slice %arg6[%dma_wait3A_243, %dma_wait3A_244, %dma_wait3A_245] : memref<2x1280x32xi32, #tpu.memory_space<vmem>> -> memref<1x1280x32xi32, #tpu.memory_space<vmem>>
      %dma_wait3A_247 = tpu.memref_squeeze %dma_wait3A_246 : memref<1x1280x32xi32, #tpu.memory_space<vmem>> -> memref<1280x32xi32, #tpu.memory_space<vmem>>
      %dma_wait3A_248 = arith.constant 128 : i32
      %dma_wait3A_249 = arith.constant 0 : i32
      %dma_wait3A_250 = tpu.memref_slice %dma_wait3A_247[%dma_wait3A_248, %dma_wait3A_249] : memref<1280x32xi32, #tpu.memory_space<vmem>> -> memref<128x32xi32, #tpu.memory_space<vmem>>
      %dma_wait3A_251 = arith.constant 0 : i32
      %dma_wait3A_252 = tpu.memref_slice %arg5[%add3A_70, %dma_wait3A_251] : memref<60x128xi32, #tpu.memory_space<vmem>> -> memref<1x128xi32, #tpu.memory_space<vmem>>
      %dma_wait3A_253 = tpu.memref_squeeze %dma_wait3A_252 : memref<1x128xi32, #tpu.memory_space<vmem>> -> memref<128xi32, #tpu.memory_space<vmem>>
      %dma_wait3A_254 = arith.constant 0 : i32
      %dma_wait3A_255 = arith.constant 0 : i32
      %dma_wait3A_256 = tpu.memref_slice %arg2[%dma_wait3A_254, %dma_wait3A_255] : memref<100000x32xi32, #tpu.memory_space<hbm>> -> memref<100000x32xi32, #tpu.memory_space<hbm>>
      tpu.wait_indirect_dma semaphore(%arg7 : memref<!tpu.dma_semaphore, #tpu.memory_space<semaphore_mem>>) src(%dma_wait3A_256 : memref<100000x32xi32, #tpu.memory_space<hbm>>) dst(%dma_wait3A_250 : memref<128x32xi32, #tpu.memory_space<vmem>>)
      %dma_wait3A_257 = arith.constant 0 : i32
      %dma_wait3A_258 = arith.constant 0 : i32
      %dma_wait3A_259 = arith.constant 0 : i32
      %dma_wait3A_260 = tpu.memref_slice %arg6[%dma_wait3A_257, %dma_wait3A_258, %dma_wait3A_259] : memref<2x1280x32xi32, #tpu.memory_space<vmem>> -> memref<1x1280x32xi32, #tpu.memory_space<vmem>>
      %dma_wait3A_261 = tpu.memref_squeeze %dma_wait3A_260 : memref<1x1280x32xi32, #tpu.memory_space<vmem>> -> memref<1280x32xi32, #tpu.memory_space<vmem>>
      %dma_wait3A_262 = arith.constant 256 : i32
      %dma_wait3A_263 = arith.constant 0 : i32
      %dma_wait3A_264 = tpu.memref_slice %dma_wait3A_261[%dma_wait3A_262, %dma_wait3A_263] : memref<1280x32xi32, #tpu.memory_space<vmem>> -> memref<128x32xi32, #tpu.memory_space<vmem>>
      %dma_wait3A_265 = arith.constant 0 : i32
      %dma_wait3A_266 = tpu.memref_slice %arg5[%add3A_88, %dma_wait3A_265] : memref<60x128xi32, #tpu.memory_space<vmem>> -> memref<1x128xi32, #tpu.memory_space<vmem>>
      %dma_wait3A_267 = tpu.memref_squeeze %dma_wait3A_266 : memref<1x128xi32, #tpu.memory_space<vmem>> -> memref<128xi32, #tpu.memory_space<vmem>>
      %dma_wait3A_268 = arith.constant 0 : i32
      %dma_wait3A_269 = arith.constant 0 : i32
      %dma_wait3A_270 = tpu.memref_slice %arg2[%dma_wait3A_268, %dma_wait3A_269] : memref<100000x32xi32, #tpu.memory_space<hbm>> -> memref<100000x32xi32, #tpu.memory_space<hbm>>
      tpu.wait_indirect_dma semaphore(%arg7 : memref<!tpu.dma_semaphore, #tpu.memory_space<semaphore_mem>>) src(%dma_wait3A_270 : memref<100000x32xi32, #tpu.memory_space<hbm>>) dst(%dma_wait3A_264 : memref<128x32xi32, #tpu.memory_space<vmem>>)
      %dma_wait3A_271 = arith.constant 0 : i32
      %dma_wait3A_272 = arith.constant 0 : i32
      %dma_wait3A_273 = arith.constant 0 : i32
      %dma_wait3A_274 = tpu.memref_slice %arg6[%dma_wait3A_271, %dma_wait3A_272, %dma_wait3A_273] : memref<2x1280x32xi32, #tpu.memory_space<vmem>> -> memref<1x1280x32xi32, #tpu.memory_space<vmem>>
      %dma_wait3A_275 = tpu.memref_squeeze %dma_wait3A_274 : memref<1x1280x32xi32, #tpu.memory_space<vmem>> -> memref<1280x32xi32, #tpu.memory_space<vmem>>
      %dma_wait3A_276 = arith.constant 384 : i32
      %dma_wait3A_277 = arith.constant 0 : i32
      %dma_wait3A_278 = tpu.memref_slice %dma_wait3A_275[%dma_wait3A_276, %dma_wait3A_277] : memref<1280x32xi32, #tpu.memory_space<vmem>> -> memref<128x32xi32, #tpu.memory_space<vmem>>
      %dma_wait3A_279 = arith.constant 0 : i32
      %dma_wait3A_280 = tpu.memref_slice %arg5[%add3A_106, %dma_wait3A_279] : memref<60x128xi32, #tpu.memory_space<vmem>> -> memref<1x128xi32, #tpu.memory_space<vmem>>
      %dma_wait3A_281 = tpu.memref_squeeze %dma_wait3A_280 : memref<1x128xi32, #tpu.memory_space<vmem>> -> memref<128xi32, #tpu.memory_space<vmem>>
      %dma_wait3A_282 = arith.constant 0 : i32
      %dma_wait3A_283 = arith.constant 0 : i32
      %dma_wait3A_284 = tpu.memref_slice %arg2[%dma_wait3A_282, %dma_wait3A_283] : memref<100000x32xi32, #tpu.memory_space<hbm>> -> memref<100000x32xi32, #tpu.memory_space<hbm>>
      tpu.wait_indirect_dma semaphore(%arg7 : memref<!tpu.dma_semaphore, #tpu.memory_space<semaphore_mem>>) src(%dma_wait3A_284 : memref<100000x32xi32, #tpu.memory_space<hbm>>) dst(%dma_wait3A_278 : memref<128x32xi32, #tpu.memory_space<vmem>>)
      %dma_wait3A_285 = arith.constant 0 : i32
      %dma_wait3A_286 = arith.constant 0 : i32
      %dma_wait3A_287 = arith.constant 0 : i32
      %dma_wait3A_288 = tpu.memref_slice %arg6[%dma_wait3A_285, %dma_wait3A_286, %dma_wait3A_287] : memref<2x1280x32xi32, #tpu.memory_space<vmem>> -> memref<1x1280x32xi32, #tpu.memory_space<vmem>>
      %dma_wait3A_289 = tpu.memref_squeeze %dma_wait3A_288 : memref<1x1280x32xi32, #tpu.memory_space<vmem>> -> memref<1280x32xi32, #tpu.memory_space<vmem>>
      %dma_wait3A_290 = arith.constant 512 : i32
      %dma_wait3A_291 = arith.constant 0 : i32
      %dma_wait3A_292 = tpu.memref_slice %dma_wait3A_289[%dma_wait3A_290, %dma_wait3A_291] : memref<1280x32xi32, #tpu.memory_space<vmem>> -> memref<128x32xi32, #tpu.memory_space<vmem>>
      %dma_wait3A_293 = arith.constant 0 : i32
      %dma_wait3A_294 = tpu.memref_slice %arg5[%add3A_124, %dma_wait3A_293] : memref<60x128xi32, #tpu.memory_space<vmem>> -> memref<1x128xi32, #tpu.memory_space<vmem>>
      %dma_wait3A_295 = tpu.memref_squeeze %dma_wait3A_294 : memref<1x128xi32, #tpu.memory_space<vmem>> -> memref<128xi32, #tpu.memory_space<vmem>>
      %dma_wait3A_296 = arith.constant 0 : i32
      %dma_wait3A_297 = arith.constant 0 : i32
      %dma_wait3A_298 = tpu.memref_slice %arg2[%dma_wait3A_296, %dma_wait3A_297] : memref<100000x32xi32, #tpu.memory_space<hbm>> -> memref<100000x32xi32, #tpu.memory_space<hbm>>
      tpu.wait_indirect_dma semaphore(%arg7 : memref<!tpu.dma_semaphore, #tpu.memory_space<semaphore_mem>>) src(%dma_wait3A_298 : memref<100000x32xi32, #tpu.memory_space<hbm>>) dst(%dma_wait3A_292 : memref<128x32xi32, #tpu.memory_space<vmem>>)
      %dma_wait3A_299 = arith.constant 0 : i32
      %dma_wait3A_300 = arith.constant 0 : i32
      %dma_wait3A_301 = arith.constant 0 : i32
      %dma_wait3A_302 = tpu.memref_slice %arg6[%dma_wait3A_299, %dma_wait3A_300, %dma_wait3A_301] : memref<2x1280x32xi32, #tpu.memory_space<vmem>> -> memref<1x1280x32xi32, #tpu.memory_space<vmem>>
      %dma_wait3A_303 = tpu.memref_squeeze %dma_wait3A_302 : memref<1x1280x32xi32, #tpu.memory_space<vmem>> -> memref<1280x32xi32, #tpu.memory_space<vmem>>
      %dma_wait3A_304 = arith.constant 640 : i32
      %dma_wait3A_305 = arith.constant 0 : i32
      %dma_wait3A_306 = tpu.memref_slice %dma_wait3A_303[%dma_wait3A_304, %dma_wait3A_305] : memref<1280x32xi32, #tpu.memory_space<vmem>> -> memref<128x32xi32, #tpu.memory_space<vmem>>
      %dma_wait3A_307 = arith.constant 0 : i32
      %dma_wait3A_308 = tpu.memref_slice %arg5[%add3A_142, %dma_wait3A_307] : memref<60x128xi32, #tpu.memory_space<vmem>> -> memref<1x128xi32, #tpu.memory_space<vmem>>
      %dma_wait3A_309 = tpu.memref_squeeze %dma_wait3A_308 : memref<1x128xi32, #tpu.memory_space<vmem>> -> memref<128xi32, #tpu.memory_space<vmem>>
      %dma_wait3A_310 = arith.constant 0 : i32
      %dma_wait3A_311 = arith.constant 0 : i32
      %dma_wait3A_312 = tpu.memref_slice %arg2[%dma_wait3A_310, %dma_wait3A_311] : memref<100000x32xi32, #tpu.memory_space<hbm>> -> memref<100000x32xi32, #tpu.memory_space<hbm>>
      tpu.wait_indirect_dma semaphore(%arg7 : memref<!tpu.dma_semaphore, #tpu.memory_space<semaphore_mem>>) src(%dma_wait3A_312 : memref<100000x32xi32, #tpu.memory_space<hbm>>) dst(%dma_wait3A_306 : memref<128x32xi32, #tpu.memory_space<vmem>>)
      %dma_wait3A_313 = arith.constant 0 : i32
      %dma_wait3A_314 = arith.constant 0 : i32
      %dma_wait3A_315 = arith.constant 0 : i32
      %dma_wait3A_316 = tpu.memref_slice %arg6[%dma_wait3A_313, %dma_wait3A_314, %dma_wait3A_315] : memref<2x1280x32xi32, #tpu.memory_space<vmem>> -> memref<1x1280x32xi32, #tpu.memory_space<vmem>>
      %dma_wait3A_317 = tpu.memref_squeeze %dma_wait3A_316 : memref<1x1280x32xi32, #tpu.memory_space<vmem>> -> memref<1280x32xi32, #tpu.memory_space<vmem>>
      %dma_wait3A_318 = arith.constant 768 : i32
      %dma_wait3A_319 = arith.constant 0 : i32
      %dma_wait3A_320 = tpu.memref_slice %dma_wait3A_317[%dma_wait3A_318, %dma_wait3A_319] : memref<1280x32xi32, #tpu.memory_space<vmem>> -> memref<128x32xi32, #tpu.memory_space<vmem>>
      %dma_wait3A_321 = arith.constant 0 : i32
      %dma_wait3A_322 = tpu.memref_slice %arg5[%add3A_160, %dma_wait3A_321] : memref<60x128xi32, #tpu.memory_space<vmem>> -> memref<1x128xi32, #tpu.memory_space<vmem>>
      %dma_wait3A_323 = tpu.memref_squeeze %dma_wait3A_322 : memref<1x128xi32, #tpu.memory_space<vmem>> -> memref<128xi32, #tpu.memory_space<vmem>>
      %dma_wait3A_324 = arith.constant 0 : i32
      %dma_wait3A_325 = arith.constant 0 : i32
      %dma_wait3A_326 = tpu.memref_slice %arg2[%dma_wait3A_324, %dma_wait3A_325] : memref<100000x32xi32, #tpu.memory_space<hbm>> -> memref<100000x32xi32, #tpu.memory_space<hbm>>
      tpu.wait_indirect_dma semaphore(%arg7 : memref<!tpu.dma_semaphore, #tpu.memory_space<semaphore_mem>>) src(%dma_wait3A_326 : memref<100000x32xi32, #tpu.memory_space<hbm>>) dst(%dma_wait3A_320 : memref<128x32xi32, #tpu.memory_space<vmem>>)
      %dma_wait3A_327 = arith.constant 0 : i32
      %dma_wait3A_328 = arith.constant 0 : i32
      %dma_wait3A_329 = arith.constant 0 : i32
      %dma_wait3A_330 = tpu.memref_slice %arg6[%dma_wait3A_327, %dma_wait3A_328, %dma_wait3A_329] : memref<2x1280x32xi32, #tpu.memory_space<vmem>> -> memref<1x1280x32xi32, #tpu.memory_space<vmem>>
      %dma_wait3A_331 = tpu.memref_squeeze %dma_wait3A_330 : memref<1x1280x32xi32, #tpu.memory_space<vmem>> -> memref<1280x32xi32, #tpu.memory_space<vmem>>
      %dma_wait3A_332 = arith.constant 896 : i32
      %dma_wait3A_333 = arith.constant 0 : i32
      %dma_wait3A_334 = tpu.memref_slice %dma_wait3A_331[%dma_wait3A_332, %dma_wait3A_333] : memref<1280x32xi32, #tpu.memory_space<vmem>> -> memref<128x32xi32, #tpu.memory_space<vmem>>
      %dma_wait3A_335 = arith.constant 0 : i32
      %dma_wait3A_336 = tpu.memref_slice %arg5[%add3A_178, %dma_wait3A_335] : memref<60x128xi32, #tpu.memory_space<vmem>> -> memref<1x128xi32, #tpu.memory_space<vmem>>
      %dma_wait3A_337 = tpu.memref_squeeze %dma_wait3A_336 : memref<1x128xi32, #tpu.memory_space<vmem>> -> memref<128xi32, #tpu.memory_space<vmem>>
      %dma_wait3A_338 = arith.constant 0 : i32
      %dma_wait3A_339 = arith.constant 0 : i32
      %dma_wait3A_340 = tpu.memref_slice %arg2[%dma_wait3A_338, %dma_wait3A_339] : memref<100000x32xi32, #tpu.memory_space<hbm>> -> memref<100000x32xi32, #tpu.memory_space<hbm>>
      tpu.wait_indirect_dma semaphore(%arg7 : memref<!tpu.dma_semaphore, #tpu.memory_space<semaphore_mem>>) src(%dma_wait3A_340 : memref<100000x32xi32, #tpu.memory_space<hbm>>) dst(%dma_wait3A_334 : memref<128x32xi32, #tpu.memory_space<vmem>>)
      %dma_wait3A_341 = arith.constant 0 : i32
      %dma_wait3A_342 = arith.constant 0 : i32
      %dma_wait3A_343 = arith.constant 0 : i32
      %dma_wait3A_344 = tpu.memref_slice %arg6[%dma_wait3A_341, %dma_wait3A_342, %dma_wait3A_343] : memref<2x1280x32xi32, #tpu.memory_space<vmem>> -> memref<1x1280x32xi32, #tpu.memory_space<vmem>>
      %dma_wait3A_345 = tpu.memref_squeeze %dma_wait3A_344 : memref<1x1280x32xi32, #tpu.memory_space<vmem>> -> memref<1280x32xi32, #tpu.memory_space<vmem>>
      %dma_wait3A_346 = arith.constant 1024 : i32
      %dma_wait3A_347 = arith.constant 0 : i32
      %dma_wait3A_348 = tpu.memref_slice %dma_wait3A_345[%dma_wait3A_346, %dma_wait3A_347] : memref<1280x32xi32, #tpu.memory_space<vmem>> -> memref<128x32xi32, #tpu.memory_space<vmem>>
      %dma_wait3A_349 = arith.constant 0 : i32
      %dma_wait3A_350 = tpu.memref_slice %arg5[%add3A_196, %dma_wait3A_349] : memref<60x128xi32, #tpu.memory_space<vmem>> -> memref<1x128xi32, #tpu.memory_space<vmem>>
      %dma_wait3A_351 = tpu.memref_squeeze %dma_wait3A_350 : memref<1x128xi32, #tpu.memory_space<vmem>> -> memref<128xi32, #tpu.memory_space<vmem>>
      %dma_wait3A_352 = arith.constant 0 : i32
      %dma_wait3A_353 = arith.constant 0 : i32
      %dma_wait3A_354 = tpu.memref_slice %arg2[%dma_wait3A_352, %dma_wait3A_353] : memref<100000x32xi32, #tpu.memory_space<hbm>> -> memref<100000x32xi32, #tpu.memory_space<hbm>>
      tpu.wait_indirect_dma semaphore(%arg7 : memref<!tpu.dma_semaphore, #tpu.memory_space<semaphore_mem>>) src(%dma_wait3A_354 : memref<100000x32xi32, #tpu.memory_space<hbm>>) dst(%dma_wait3A_348 : memref<128x32xi32, #tpu.memory_space<vmem>>)
      %dma_wait3A_355 = arith.constant 0 : i32
      %dma_wait3A_356 = arith.constant 0 : i32
      %dma_wait3A_357 = arith.constant 0 : i32
      %dma_wait3A_358 = tpu.memref_slice %arg6[%dma_wait3A_355, %dma_wait3A_356, %dma_wait3A_357] : memref<2x1280x32xi32, #tpu.memory_space<vmem>> -> memref<1x1280x32xi32, #tpu.memory_space<vmem>>
      %dma_wait3A_359 = tpu.memref_squeeze %dma_wait3A_358 : memref<1x1280x32xi32, #tpu.memory_space<vmem>> -> memref<1280x32xi32, #tpu.memory_space<vmem>>
      %dma_wait3A_360 = arith.constant 1152 : i32
      %dma_wait3A_361 = arith.constant 0 : i32
      %dma_wait3A_362 = tpu.memref_slice %dma_wait3A_359[%dma_wait3A_360, %dma_wait3A_361] : memref<1280x32xi32, #tpu.memory_space<vmem>> -> memref<128x32xi32, #tpu.memory_space<vmem>>
      %dma_wait3A_363 = arith.constant 0 : i32
      %dma_wait3A_364 = tpu.memref_slice %arg5[%add3A_214, %dma_wait3A_363] : memref<60x128xi32, #tpu.memory_space<vmem>> -> memref<1x128xi32, #tpu.memory_space<vmem>>
      %dma_wait3A_365 = tpu.memref_squeeze %dma_wait3A_364 : memref<1x128xi32, #tpu.memory_space<vmem>> -> memref<128xi32, #tpu.memory_space<vmem>>
      %dma_wait3A_366 = arith.constant 0 : i32
      %dma_wait3A_367 = arith.constant 0 : i32
      %dma_wait3A_368 = tpu.memref_slice %arg2[%dma_wait3A_366, %dma_wait3A_367] : memref<100000x32xi32, #tpu.memory_space<hbm>> -> memref<100000x32xi32, #tpu.memory_space<hbm>>
      tpu.wait_indirect_dma semaphore(%arg7 : memref<!tpu.dma_semaphore, #tpu.memory_space<semaphore_mem>>) src(%dma_wait3A_368 : memref<100000x32xi32, #tpu.memory_space<hbm>>) dst(%dma_wait3A_362 : memref<128x32xi32, #tpu.memory_space<vmem>>)
      %dma_start3A_369 = arith.constant 0 : i32
      %dma_start3A_370 = arith.constant 0 : i32
      %dma_start3A_371 = arith.constant 0 : i32
      %dma_start3A_372 = tpu.memref_slice %arg6[%dma_start3A_369, %dma_start3A_370, %dma_start3A_371] : memref<2x1280x32xi32, #tpu.memory_space<vmem>> -> memref<1x1280x32xi32, #tpu.memory_space<vmem>>
      %dma_start3A_373 = tpu.memref_squeeze %dma_start3A_372 : memref<1x1280x32xi32, #tpu.memory_space<vmem>> -> memref<1280x32xi32, #tpu.memory_space<vmem>>
      %dma_start3A_374 = arith.constant 0 : i32
      %dma_start3A_375 = tpu.memref_slice %arg4[%add3A_46, %dma_start3A_374] : memref<245760x32xi32, #tpu.memory_space<hbm>> -> memref<1280x32xi32, #tpu.memory_space<hbm>>
      %dma_start3A_376 = arith.constant 0 : i32
      %dma_start3A_377 = tpu.memref_slice %arg4[%add3A_46, %dma_start3A_376] : memref<245760x32xi32, #tpu.memory_space<hbm>> -> memref<1280x32xi32, #tpu.memory_space<hbm>>
      %dma_start3A_378 = arith.constant 0 : i32
      %dma_start3A_379 = arith.constant 0 : i32
      %dma_start3A_380 = tpu.memref_slice %arg6[%dma_start3A_369, %dma_start3A_378, %dma_start3A_379] : memref<2x1280x32xi32, #tpu.memory_space<vmem>> -> memref<1x1280x32xi32, #tpu.memory_space<vmem>>
      %dma_start3A_381 = tpu.memref_squeeze %dma_start3A_380 : memref<1x1280x32xi32, #tpu.memory_space<vmem>> -> memref<1280x32xi32, #tpu.memory_space<vmem>>
      tpu.enqueue_dma source(%dma_start3A_381 : memref<1280x32xi32, #tpu.memory_space<vmem>>) target(%dma_start3A_377 : memref<1280x32xi32, #tpu.memory_space<hbm>>) target_semaphore(%arg8 : memref<!tpu.dma_semaphore, #tpu.memory_space<semaphore_mem>>)
      %mul3A_382 = arith.constant 2 : i32
      %mul3A_383 = arith.muli %scan3A_39, %mul3A_382 : i32
      %add3A_384 = arith.constant 1 : i32
      %add3A_385 = arith.addi %mul3A_383, %add3A_384 : i32
      %mul3A_386 = arith.constant 1280 : i32
      %mul3A_387 = arith.muli %add3A_385, %mul3A_386 : i32
      %add3A_388 = arith.addi %mul3A_2, %mul3A_387 : i32
      %gt3A_389 = arith.constant 0 : i32
      %gt3A_390 = arith.cmpi sgt, %scan3A_39, %gt3A_389 : i32
      %convert_element_type3A_391 = arith.extui %gt3A_390 : i1 to i32
      %cond3A_392 = arith.constant 1 : i32
      %cond3A_393 = arith.constant 0 : i32
      %cond3A_394 = arith.cmpi ne, %convert_element_type3A_391, %cond3A_393 : i32
      scf.if %cond3A_394 {
        %dma_wait3A_728 = arith.constant 0 : i32
        %dma_wait3A_729 = arith.constant 0 : i32
        %dma_wait3A_730 = tpu.memref_slice %arg6[%cond3A_392, %dma_wait3A_728, %dma_wait3A_729] : memref<2x1280x32xi32, #tpu.memory_space<vmem>> -> memref<1x1280x32xi32, #tpu.memory_space<vmem>>
        %dma_wait3A_731 = tpu.memref_squeeze %dma_wait3A_730 : memref<1x1280x32xi32, #tpu.memory_space<vmem>> -> memref<1280x32xi32, #tpu.memory_space<vmem>>
        %dma_wait3A_732 = arith.constant 0 : i32
        %dma_wait3A_733 = tpu.memref_slice %arg4[%add3A_388, %dma_wait3A_732] : memref<245760x32xi32, #tpu.memory_space<hbm>> -> memref<1280x32xi32, #tpu.memory_space<hbm>>
        %dma_wait3A_734 = arith.constant 0 : i32
        %dma_wait3A_735 = tpu.memref_slice %arg4[%add3A_388, %dma_wait3A_734] : memref<245760x32xi32, #tpu.memory_space<hbm>> -> memref<1280x32xi32, #tpu.memory_space<hbm>>
        %dma_wait3A_736 = arith.constant 0 : i32
        %dma_wait3A_737 = arith.constant 0 : i32
        %dma_wait3A_738 = tpu.memref_slice %arg6[%cond3A_392, %dma_wait3A_736, %dma_wait3A_737] : memref<2x1280x32xi32, #tpu.memory_space<vmem>> -> memref<1x1280x32xi32, #tpu.memory_space<vmem>>
        %dma_wait3A_739 = tpu.memref_squeeze %dma_wait3A_738 : memref<1x1280x32xi32, #tpu.memory_space<vmem>> -> memref<1280x32xi32, #tpu.memory_space<vmem>>
        tpu.wait_dma2 semaphore(%arg9 : memref<!tpu.dma_semaphore, #tpu.memory_space<semaphore_mem>>) src(%dma_wait3A_739 : memref<1280x32xi32, #tpu.memory_space<vmem>>) dst(%dma_wait3A_735 : memref<1280x32xi32, #tpu.memory_space<hbm>>)
      } else {
      }
      %mul3A_395 = arith.constant 10 : i32
      %mul3A_396 = arith.muli %add3A_385, %mul3A_395 : i32
      %add3A_397 = arith.constant 0 : i32
      %add3A_398 = arith.addi %mul3A_396, %add3A_397 : i32
      %dma_start3A_399 = arith.constant 1 : i32
      %dma_start3A_400 = arith.constant 0 : i32
      %dma_start3A_401 = arith.constant 0 : i32
      %dma_start3A_402 = tpu.memref_slice %arg6[%dma_start3A_399, %dma_start3A_400, %dma_start3A_401] : memref<2x1280x32xi32, #tpu.memory_space<vmem>> -> memref<1x1280x32xi32, #tpu.memory_space<vmem>>
      %dma_start3A_403 = tpu.memref_squeeze %dma_start3A_402 : memref<1x1280x32xi32, #tpu.memory_space<vmem>> -> memref<1280x32xi32, #tpu.memory_space<vmem>>
      %dma_start3A_404 = arith.constant 0 : i32
      %dma_start3A_405 = arith.constant 0 : i32
      %dma_start3A_406 = tpu.memref_slice %dma_start3A_403[%dma_start3A_404, %dma_start3A_405] : memref<1280x32xi32, #tpu.memory_space<vmem>> -> memref<128x32xi32, #tpu.memory_space<vmem>>
      %dma_start3A_407 = arith.constant 0 : i32
      %dma_start3A_408 = tpu.memref_slice %arg5[%add3A_398, %dma_start3A_407] : memref<60x128xi32, #tpu.memory_space<vmem>> -> memref<1x128xi32, #tpu.memory_space<vmem>>
      %dma_start3A_409 = tpu.memref_squeeze %dma_start3A_408 : memref<1x128xi32, #tpu.memory_space<vmem>> -> memref<128xi32, #tpu.memory_space<vmem>>
      %dma_start3A_410 = arith.constant 0 : i32
      %dma_start3A_411 = arith.constant 0 : i32
      %dma_start3A_412 = tpu.memref_slice %arg2[%dma_start3A_410, %dma_start3A_411] : memref<100000x32xi32, #tpu.memory_space<hbm>> -> memref<100000x32xi32, #tpu.memory_space<hbm>>
      tpu.enqueue_indirect_dma source(%dma_start3A_412 : memref<100000x32xi32, #tpu.memory_space<hbm>>) target(%dma_start3A_406 : memref<128x32xi32, #tpu.memory_space<vmem>>) offsets(%dma_start3A_409 : memref<128xi32, #tpu.memory_space<vmem>>) semaphore(%arg7 : memref<!tpu.dma_semaphore, #tpu.memory_space<semaphore_mem>>)
      %mul3A_413 = arith.constant 10 : i32
      %mul3A_414 = arith.muli %add3A_385, %mul3A_413 : i32
      %add3A_415 = arith.constant 1 : i32
      %add3A_416 = arith.addi %mul3A_414, %add3A_415 : i32
      %dma_start3A_417 = arith.constant 1 : i32
      %dma_start3A_418 = arith.constant 0 : i32
      %dma_start3A_419 = arith.constant 0 : i32
      %dma_start3A_420 = tpu.memref_slice %arg6[%dma_start3A_417, %dma_start3A_418, %dma_start3A_419] : memref<2x1280x32xi32, #tpu.memory_space<vmem>> -> memref<1x1280x32xi32, #tpu.memory_space<vmem>>
      %dma_start3A_421 = tpu.memref_squeeze %dma_start3A_420 : memref<1x1280x32xi32, #tpu.memory_space<vmem>> -> memref<1280x32xi32, #tpu.memory_space<vmem>>
      %dma_start3A_422 = arith.constant 128 : i32
      %dma_start3A_423 = arith.constant 0 : i32
      %dma_start3A_424 = tpu.memref_slice %dma_start3A_421[%dma_start3A_422, %dma_start3A_423] : memref<1280x32xi32, #tpu.memory_space<vmem>> -> memref<128x32xi32, #tpu.memory_space<vmem>>
      %dma_start3A_425 = arith.constant 0 : i32
      %dma_start3A_426 = tpu.memref_slice %arg5[%add3A_416, %dma_start3A_425] : memref<60x128xi32, #tpu.memory_space<vmem>> -> memref<1x128xi32, #tpu.memory_space<vmem>>
      %dma_start3A_427 = tpu.memref_squeeze %dma_start3A_426 : memref<1x128xi32, #tpu.memory_space<vmem>> -> memref<128xi32, #tpu.memory_space<vmem>>
      %dma_start3A_428 = arith.constant 0 : i32
      %dma_start3A_429 = arith.constant 0 : i32
      %dma_start3A_430 = tpu.memref_slice %arg2[%dma_start3A_428, %dma_start3A_429] : memref<100000x32xi32, #tpu.memory_space<hbm>> -> memref<100000x32xi32, #tpu.memory_space<hbm>>
      tpu.enqueue_indirect_dma source(%dma_start3A_430 : memref<100000x32xi32, #tpu.memory_space<hbm>>) target(%dma_start3A_424 : memref<128x32xi32, #tpu.memory_space<vmem>>) offsets(%dma_start3A_427 : memref<128xi32, #tpu.memory_space<vmem>>) semaphore(%arg7 : memref<!tpu.dma_semaphore, #tpu.memory_space<semaphore_mem>>)
      %mul3A_431 = arith.constant 10 : i32
      %mul3A_432 = arith.muli %add3A_385, %mul3A_431 : i32
      %add3A_433 = arith.constant 2 : i32
      %add3A_434 = arith.addi %mul3A_432, %add3A_433 : i32
      %dma_start3A_435 = arith.constant 1 : i32
      %dma_start3A_436 = arith.constant 0 : i32
      %dma_start3A_437 = arith.constant 0 : i32
      %dma_start3A_438 = tpu.memref_slice %arg6[%dma_start3A_435, %dma_start3A_436, %dma_start3A_437] : memref<2x1280x32xi32, #tpu.memory_space<vmem>> -> memref<1x1280x32xi32, #tpu.memory_space<vmem>>
      %dma_start3A_439 = tpu.memref_squeeze %dma_start3A_438 : memref<1x1280x32xi32, #tpu.memory_space<vmem>> -> memref<1280x32xi32, #tpu.memory_space<vmem>>
      %dma_start3A_440 = arith.constant 256 : i32
      %dma_start3A_441 = arith.constant 0 : i32
      %dma_start3A_442 = tpu.memref_slice %dma_start3A_439[%dma_start3A_440, %dma_start3A_441] : memref<1280x32xi32, #tpu.memory_space<vmem>> -> memref<128x32xi32, #tpu.memory_space<vmem>>
      %dma_start3A_443 = arith.constant 0 : i32
      %dma_start3A_444 = tpu.memref_slice %arg5[%add3A_434, %dma_start3A_443] : memref<60x128xi32, #tpu.memory_space<vmem>> -> memref<1x128xi32, #tpu.memory_space<vmem>>
      %dma_start3A_445 = tpu.memref_squeeze %dma_start3A_444 : memref<1x128xi32, #tpu.memory_space<vmem>> -> memref<128xi32, #tpu.memory_space<vmem>>
      %dma_start3A_446 = arith.constant 0 : i32
      %dma_start3A_447 = arith.constant 0 : i32
      %dma_start3A_448 = tpu.memref_slice %arg2[%dma_start3A_446, %dma_start3A_447] : memref<100000x32xi32, #tpu.memory_space<hbm>> -> memref<100000x32xi32, #tpu.memory_space<hbm>>
      tpu.enqueue_indirect_dma source(%dma_start3A_448 : memref<100000x32xi32, #tpu.memory_space<hbm>>) target(%dma_start3A_442 : memref<128x32xi32, #tpu.memory_space<vmem>>) offsets(%dma_start3A_445 : memref<128xi32, #tpu.memory_space<vmem>>) semaphore(%arg7 : memref<!tpu.dma_semaphore, #tpu.memory_space<semaphore_mem>>)
      %mul3A_449 = arith.constant 10 : i32
      %mul3A_450 = arith.muli %add3A_385, %mul3A_449 : i32
      %add3A_451 = arith.constant 3 : i32
      %add3A_452 = arith.addi %mul3A_450, %add3A_451 : i32
      %dma_start3A_453 = arith.constant 1 : i32
      %dma_start3A_454 = arith.constant 0 : i32
      %dma_start3A_455 = arith.constant 0 : i32
      %dma_start3A_456 = tpu.memref_slice %arg6[%dma_start3A_453, %dma_start3A_454, %dma_start3A_455] : memref<2x1280x32xi32, #tpu.memory_space<vmem>> -> memref<1x1280x32xi32, #tpu.memory_space<vmem>>
      %dma_start3A_457 = tpu.memref_squeeze %dma_start3A_456 : memref<1x1280x32xi32, #tpu.memory_space<vmem>> -> memref<1280x32xi32, #tpu.memory_space<vmem>>
      %dma_start3A_458 = arith.constant 384 : i32
      %dma_start3A_459 = arith.constant 0 : i32
      %dma_start3A_460 = tpu.memref_slice %dma_start3A_457[%dma_start3A_458, %dma_start3A_459] : memref<1280x32xi32, #tpu.memory_space<vmem>> -> memref<128x32xi32, #tpu.memory_space<vmem>>
      %dma_start3A_461 = arith.constant 0 : i32
      %dma_start3A_462 = tpu.memref_slice %arg5[%add3A_452, %dma_start3A_461] : memref<60x128xi32, #tpu.memory_space<vmem>> -> memref<1x128xi32, #tpu.memory_space<vmem>>
      %dma_start3A_463 = tpu.memref_squeeze %dma_start3A_462 : memref<1x128xi32, #tpu.memory_space<vmem>> -> memref<128xi32, #tpu.memory_space<vmem>>
      %dma_start3A_464 = arith.constant 0 : i32
      %dma_start3A_465 = arith.constant 0 : i32
      %dma_start3A_466 = tpu.memref_slice %arg2[%dma_start3A_464, %dma_start3A_465] : memref<100000x32xi32, #tpu.memory_space<hbm>> -> memref<100000x32xi32, #tpu.memory_space<hbm>>
      tpu.enqueue_indirect_dma source(%dma_start3A_466 : memref<100000x32xi32, #tpu.memory_space<hbm>>) target(%dma_start3A_460 : memref<128x32xi32, #tpu.memory_space<vmem>>) offsets(%dma_start3A_463 : memref<128xi32, #tpu.memory_space<vmem>>) semaphore(%arg7 : memref<!tpu.dma_semaphore, #tpu.memory_space<semaphore_mem>>)
      %mul3A_467 = arith.constant 10 : i32
      %mul3A_468 = arith.muli %add3A_385, %mul3A_467 : i32
      %add3A_469 = arith.constant 4 : i32
      %add3A_470 = arith.addi %mul3A_468, %add3A_469 : i32
      %dma_start3A_471 = arith.constant 1 : i32
      %dma_start3A_472 = arith.constant 0 : i32
      %dma_start3A_473 = arith.constant 0 : i32
      %dma_start3A_474 = tpu.memref_slice %arg6[%dma_start3A_471, %dma_start3A_472, %dma_start3A_473] : memref<2x1280x32xi32, #tpu.memory_space<vmem>> -> memref<1x1280x32xi32, #tpu.memory_space<vmem>>
      %dma_start3A_475 = tpu.memref_squeeze %dma_start3A_474 : memref<1x1280x32xi32, #tpu.memory_space<vmem>> -> memref<1280x32xi32, #tpu.memory_space<vmem>>
      %dma_start3A_476 = arith.constant 512 : i32
      %dma_start3A_477 = arith.constant 0 : i32
      %dma_start3A_478 = tpu.memref_slice %dma_start3A_475[%dma_start3A_476, %dma_start3A_477] : memref<1280x32xi32, #tpu.memory_space<vmem>> -> memref<128x32xi32, #tpu.memory_space<vmem>>
      %dma_start3A_479 = arith.constant 0 : i32
      %dma_start3A_480 = tpu.memref_slice %arg5[%add3A_470, %dma_start3A_479] : memref<60x128xi32, #tpu.memory_space<vmem>> -> memref<1x128xi32, #tpu.memory_space<vmem>>
      %dma_start3A_481 = tpu.memref_squeeze %dma_start3A_480 : memref<1x128xi32, #tpu.memory_space<vmem>> -> memref<128xi32, #tpu.memory_space<vmem>>
      %dma_start3A_482 = arith.constant 0 : i32
      %dma_start3A_483 = arith.constant 0 : i32
      %dma_start3A_484 = tpu.memref_slice %arg2[%dma_start3A_482, %dma_start3A_483] : memref<100000x32xi32, #tpu.memory_space<hbm>> -> memref<100000x32xi32, #tpu.memory_space<hbm>>
      tpu.enqueue_indirect_dma source(%dma_start3A_484 : memref<100000x32xi32, #tpu.memory_space<hbm>>) target(%dma_start3A_478 : memref<128x32xi32, #tpu.memory_space<vmem>>) offsets(%dma_start3A_481 : memref<128xi32, #tpu.memory_space<vmem>>) semaphore(%arg7 : memref<!tpu.dma_semaphore, #tpu.memory_space<semaphore_mem>>)
      %mul3A_485 = arith.constant 10 : i32
      %mul3A_486 = arith.muli %add3A_385, %mul3A_485 : i32
      %add3A_487 = arith.constant 5 : i32
      %add3A_488 = arith.addi %mul3A_486, %add3A_487 : i32
      %dma_start3A_489 = arith.constant 1 : i32
      %dma_start3A_490 = arith.constant 0 : i32
      %dma_start3A_491 = arith.constant 0 : i32
      %dma_start3A_492 = tpu.memref_slice %arg6[%dma_start3A_489, %dma_start3A_490, %dma_start3A_491] : memref<2x1280x32xi32, #tpu.memory_space<vmem>> -> memref<1x1280x32xi32, #tpu.memory_space<vmem>>
      %dma_start3A_493 = tpu.memref_squeeze %dma_start3A_492 : memref<1x1280x32xi32, #tpu.memory_space<vmem>> -> memref<1280x32xi32, #tpu.memory_space<vmem>>
      %dma_start3A_494 = arith.constant 640 : i32
      %dma_start3A_495 = arith.constant 0 : i32
      %dma_start3A_496 = tpu.memref_slice %dma_start3A_493[%dma_start3A_494, %dma_start3A_495] : memref<1280x32xi32, #tpu.memory_space<vmem>> -> memref<128x32xi32, #tpu.memory_space<vmem>>
      %dma_start3A_497 = arith.constant 0 : i32
      %dma_start3A_498 = tpu.memref_slice %arg5[%add3A_488, %dma_start3A_497] : memref<60x128xi32, #tpu.memory_space<vmem>> -> memref<1x128xi32, #tpu.memory_space<vmem>>
      %dma_start3A_499 = tpu.memref_squeeze %dma_start3A_498 : memref<1x128xi32, #tpu.memory_space<vmem>> -> memref<128xi32, #tpu.memory_space<vmem>>
      %dma_start3A_500 = arith.constant 0 : i32
      %dma_start3A_501 = arith.constant 0 : i32
      %dma_start3A_502 = tpu.memref_slice %arg2[%dma_start3A_500, %dma_start3A_501] : memref<100000x32xi32, #tpu.memory_space<hbm>> -> memref<100000x32xi32, #tpu.memory_space<hbm>>
      tpu.enqueue_indirect_dma source(%dma_start3A_502 : memref<100000x32xi32, #tpu.memory_space<hbm>>) target(%dma_start3A_496 : memref<128x32xi32, #tpu.memory_space<vmem>>) offsets(%dma_start3A_499 : memref<128xi32, #tpu.memory_space<vmem>>) semaphore(%arg7 : memref<!tpu.dma_semaphore, #tpu.memory_space<semaphore_mem>>)
      %mul3A_503 = arith.constant 10 : i32
      %mul3A_504 = arith.muli %add3A_385, %mul3A_503 : i32
      %add3A_505 = arith.constant 6 : i32
      %add3A_506 = arith.addi %mul3A_504, %add3A_505 : i32
      %dma_start3A_507 = arith.constant 1 : i32
      %dma_start3A_508 = arith.constant 0 : i32
      %dma_start3A_509 = arith.constant 0 : i32
      %dma_start3A_510 = tpu.memref_slice %arg6[%dma_start3A_507, %dma_start3A_508, %dma_start3A_509] : memref<2x1280x32xi32, #tpu.memory_space<vmem>> -> memref<1x1280x32xi32, #tpu.memory_space<vmem>>
      %dma_start3A_511 = tpu.memref_squeeze %dma_start3A_510 : memref<1x1280x32xi32, #tpu.memory_space<vmem>> -> memref<1280x32xi32, #tpu.memory_space<vmem>>
      %dma_start3A_512 = arith.constant 768 : i32
      %dma_start3A_513 = arith.constant 0 : i32
      %dma_start3A_514 = tpu.memref_slice %dma_start3A_511[%dma_start3A_512, %dma_start3A_513] : memref<1280x32xi32, #tpu.memory_space<vmem>> -> memref<128x32xi32, #tpu.memory_space<vmem>>
      %dma_start3A_515 = arith.constant 0 : i32
      %dma_start3A_516 = tpu.memref_slice %arg5[%add3A_506, %dma_start3A_515] : memref<60x128xi32, #tpu.memory_space<vmem>> -> memref<1x128xi32, #tpu.memory_space<vmem>>
      %dma_start3A_517 = tpu.memref_squeeze %dma_start3A_516 : memref<1x128xi32, #tpu.memory_space<vmem>> -> memref<128xi32, #tpu.memory_space<vmem>>
      %dma_start3A_518 = arith.constant 0 : i32
      %dma_start3A_519 = arith.constant 0 : i32
      %dma_start3A_520 = tpu.memref_slice %arg2[%dma_start3A_518, %dma_start3A_519] : memref<100000x32xi32, #tpu.memory_space<hbm>> -> memref<100000x32xi32, #tpu.memory_space<hbm>>
      tpu.enqueue_indirect_dma source(%dma_start3A_520 : memref<100000x32xi32, #tpu.memory_space<hbm>>) target(%dma_start3A_514 : memref<128x32xi32, #tpu.memory_space<vmem>>) offsets(%dma_start3A_517 : memref<128xi32, #tpu.memory_space<vmem>>) semaphore(%arg7 : memref<!tpu.dma_semaphore, #tpu.memory_space<semaphore_mem>>)
      %mul3A_521 = arith.constant 10 : i32
      %mul3A_522 = arith.muli %add3A_385, %mul3A_521 : i32
      %add3A_523 = arith.constant 7 : i32
      %add3A_524 = arith.addi %mul3A_522, %add3A_523 : i32
      %dma_start3A_525 = arith.constant 1 : i32
      %dma_start3A_526 = arith.constant 0 : i32
      %dma_start3A_527 = arith.constant 0 : i32
      %dma_start3A_528 = tpu.memref_slice %arg6[%dma_start3A_525, %dma_start3A_526, %dma_start3A_527] : memref<2x1280x32xi32, #tpu.memory_space<vmem>> -> memref<1x1280x32xi32, #tpu.memory_space<vmem>>
      %dma_start3A_529 = tpu.memref_squeeze %dma_start3A_528 : memref<1x1280x32xi32, #tpu.memory_space<vmem>> -> memref<1280x32xi32, #tpu.memory_space<vmem>>
      %dma_start3A_530 = arith.constant 896 : i32
      %dma_start3A_531 = arith.constant 0 : i32
      %dma_start3A_532 = tpu.memref_slice %dma_start3A_529[%dma_start3A_530, %dma_start3A_531] : memref<1280x32xi32, #tpu.memory_space<vmem>> -> memref<128x32xi32, #tpu.memory_space<vmem>>
      %dma_start3A_533 = arith.constant 0 : i32
      %dma_start3A_534 = tpu.memref_slice %arg5[%add3A_524, %dma_start3A_533] : memref<60x128xi32, #tpu.memory_space<vmem>> -> memref<1x128xi32, #tpu.memory_space<vmem>>
      %dma_start3A_535 = tpu.memref_squeeze %dma_start3A_534 : memref<1x128xi32, #tpu.memory_space<vmem>> -> memref<128xi32, #tpu.memory_space<vmem>>
      %dma_start3A_536 = arith.constant 0 : i32
      %dma_start3A_537 = arith.constant 0 : i32
      %dma_start3A_538 = tpu.memref_slice %arg2[%dma_start3A_536, %dma_start3A_537] : memref<100000x32xi32, #tpu.memory_space<hbm>> -> memref<100000x32xi32, #tpu.memory_space<hbm>>
      tpu.enqueue_indirect_dma source(%dma_start3A_538 : memref<100000x32xi32, #tpu.memory_space<hbm>>) target(%dma_start3A_532 : memref<128x32xi32, #tpu.memory_space<vmem>>) offsets(%dma_start3A_535 : memref<128xi32, #tpu.memory_space<vmem>>) semaphore(%arg7 : memref<!tpu.dma_semaphore, #tpu.memory_space<semaphore_mem>>)
      %mul3A_539 = arith.constant 10 : i32
      %mul3A_540 = arith.muli %add3A_385, %mul3A_539 : i32
      %add3A_541 = arith.constant 8 : i32
      %add3A_542 = arith.addi %mul3A_540, %add3A_541 : i32
      %dma_start3A_543 = arith.constant 1 : i32
      %dma_start3A_544 = arith.constant 0 : i32
      %dma_start3A_545 = arith.constant 0 : i32
      %dma_start3A_546 = tpu.memref_slice %arg6[%dma_start3A_543, %dma_start3A_544, %dma_start3A_545] : memref<2x1280x32xi32, #tpu.memory_space<vmem>> -> memref<1x1280x32xi32, #tpu.memory_space<vmem>>
      %dma_start3A_547 = tpu.memref_squeeze %dma_start3A_546 : memref<1x1280x32xi32, #tpu.memory_space<vmem>> -> memref<1280x32xi32, #tpu.memory_space<vmem>>
      %dma_start3A_548 = arith.constant 1024 : i32
      %dma_start3A_549 = arith.constant 0 : i32
      %dma_start3A_550 = tpu.memref_slice %dma_start3A_547[%dma_start3A_548, %dma_start3A_549] : memref<1280x32xi32, #tpu.memory_space<vmem>> -> memref<128x32xi32, #tpu.memory_space<vmem>>
      %dma_start3A_551 = arith.constant 0 : i32
      %dma_start3A_552 = tpu.memref_slice %arg5[%add3A_542, %dma_start3A_551] : memref<60x128xi32, #tpu.memory_space<vmem>> -> memref<1x128xi32, #tpu.memory_space<vmem>>
      %dma_start3A_553 = tpu.memref_squeeze %dma_start3A_552 : memref<1x128xi32, #tpu.memory_space<vmem>> -> memref<128xi32, #tpu.memory_space<vmem>>
      %dma_start3A_554 = arith.constant 0 : i32
      %dma_start3A_555 = arith.constant 0 : i32
      %dma_start3A_556 = tpu.memref_slice %arg2[%dma_start3A_554, %dma_start3A_555] : memref<100000x32xi32, #tpu.memory_space<hbm>> -> memref<100000x32xi32, #tpu.memory_space<hbm>>
      tpu.enqueue_indirect_dma source(%dma_start3A_556 : memref<100000x32xi32, #tpu.memory_space<hbm>>) target(%dma_start3A_550 : memref<128x32xi32, #tpu.memory_space<vmem>>) offsets(%dma_start3A_553 : memref<128xi32, #tpu.memory_space<vmem>>) semaphore(%arg7 : memref<!tpu.dma_semaphore, #tpu.memory_space<semaphore_mem>>)
      %mul3A_557 = arith.constant 10 : i32
      %mul3A_558 = arith.muli %add3A_385, %mul3A_557 : i32
      %add3A_559 = arith.constant 9 : i32
      %add3A_560 = arith.addi %mul3A_558, %add3A_559 : i32
      %dma_start3A_561 = arith.constant 1 : i32
      %dma_start3A_562 = arith.constant 0 : i32
      %dma_start3A_563 = arith.constant 0 : i32
      %dma_start3A_564 = tpu.memref_slice %arg6[%dma_start3A_561, %dma_start3A_562, %dma_start3A_563] : memref<2x1280x32xi32, #tpu.memory_space<vmem>> -> memref<1x1280x32xi32, #tpu.memory_space<vmem>>
      %dma_start3A_565 = tpu.memref_squeeze %dma_start3A_564 : memref<1x1280x32xi32, #tpu.memory_space<vmem>> -> memref<1280x32xi32, #tpu.memory_space<vmem>>
      %dma_start3A_566 = arith.constant 1152 : i32
      %dma_start3A_567 = arith.constant 0 : i32
      %dma_start3A_568 = tpu.memref_slice %dma_start3A_565[%dma_start3A_566, %dma_start3A_567] : memref<1280x32xi32, #tpu.memory_space<vmem>> -> memref<128x32xi32, #tpu.memory_space<vmem>>
      %dma_start3A_569 = arith.constant 0 : i32
      %dma_start3A_570 = tpu.memref_slice %arg5[%add3A_560, %dma_start3A_569] : memref<60x128xi32, #tpu.memory_space<vmem>> -> memref<1x128xi32, #tpu.memory_space<vmem>>
      %dma_start3A_571 = tpu.memref_squeeze %dma_start3A_570 : memref<1x128xi32, #tpu.memory_space<vmem>> -> memref<128xi32, #tpu.memory_space<vmem>>
      %dma_start3A_572 = arith.constant 0 : i32
      %dma_start3A_573 = arith.constant 0 : i32
      %dma_start3A_574 = tpu.memref_slice %arg2[%dma_start3A_572, %dma_start3A_573] : memref<100000x32xi32, #tpu.memory_space<hbm>> -> memref<100000x32xi32, #tpu.memory_space<hbm>>
      tpu.enqueue_indirect_dma source(%dma_start3A_574 : memref<100000x32xi32, #tpu.memory_space<hbm>>) target(%dma_start3A_568 : memref<128x32xi32, #tpu.memory_space<vmem>>) offsets(%dma_start3A_571 : memref<128xi32, #tpu.memory_space<vmem>>) semaphore(%arg7 : memref<!tpu.dma_semaphore, #tpu.memory_space<semaphore_mem>>)
      %dma_wait3A_575 = arith.constant 1 : i32
      %dma_wait3A_576 = arith.constant 0 : i32
      %dma_wait3A_577 = arith.constant 0 : i32
      %dma_wait3A_578 = tpu.memref_slice %arg6[%dma_wait3A_575, %dma_wait3A_576, %dma_wait3A_577] : memref<2x1280x32xi32, #tpu.memory_space<vmem>> -> memref<1x1280x32xi32, #tpu.memory_space<vmem>>
      %dma_wait3A_579 = tpu.memref_squeeze %dma_wait3A_578 : memref<1x1280x32xi32, #tpu.memory_space<vmem>> -> memref<1280x32xi32, #tpu.memory_space<vmem>>
      %dma_wait3A_580 = arith.constant 0 : i32
      %dma_wait3A_581 = arith.constant 0 : i32
      %dma_wait3A_582 = tpu.memref_slice %dma_wait3A_579[%dma_wait3A_580, %dma_wait3A_581] : memref<1280x32xi32, #tpu.memory_space<vmem>> -> memref<128x32xi32, #tpu.memory_space<vmem>>
      %dma_wait3A_583 = arith.constant 0 : i32
      %dma_wait3A_584 = tpu.memref_slice %arg5[%add3A_398, %dma_wait3A_583] : memref<60x128xi32, #tpu.memory_space<vmem>> -> memref<1x128xi32, #tpu.memory_space<vmem>>
      %dma_wait3A_585 = tpu.memref_squeeze %dma_wait3A_584 : memref<1x128xi32, #tpu.memory_space<vmem>> -> memref<128xi32, #tpu.memory_space<vmem>>
      %dma_wait3A_586 = arith.constant 0 : i32
      %dma_wait3A_587 = arith.constant 0 : i32
      %dma_wait3A_588 = tpu.memref_slice %arg2[%dma_wait3A_586, %dma_wait3A_587] : memref<100000x32xi32, #tpu.memory_space<hbm>> -> memref<100000x32xi32, #tpu.memory_space<hbm>>
      tpu.wait_indirect_dma semaphore(%arg7 : memref<!tpu.dma_semaphore, #tpu.memory_space<semaphore_mem>>) src(%dma_wait3A_588 : memref<100000x32xi32, #tpu.memory_space<hbm>>) dst(%dma_wait3A_582 : memref<128x32xi32, #tpu.memory_space<vmem>>)
      %dma_wait3A_589 = arith.constant 1 : i32
      %dma_wait3A_590 = arith.constant 0 : i32
      %dma_wait3A_591 = arith.constant 0 : i32
      %dma_wait3A_592 = tpu.memref_slice %arg6[%dma_wait3A_589, %dma_wait3A_590, %dma_wait3A_591] : memref<2x1280x32xi32, #tpu.memory_space<vmem>> -> memref<1x1280x32xi32, #tpu.memory_space<vmem>>
      %dma_wait3A_593 = tpu.memref_squeeze %dma_wait3A_592 : memref<1x1280x32xi32, #tpu.memory_space<vmem>> -> memref<1280x32xi32, #tpu.memory_space<vmem>>
      %dma_wait3A_594 = arith.constant 128 : i32
      %dma_wait3A_595 = arith.constant 0 : i32
      %dma_wait3A_596 = tpu.memref_slice %dma_wait3A_593[%dma_wait3A_594, %dma_wait3A_595] : memref<1280x32xi32, #tpu.memory_space<vmem>> -> memref<128x32xi32, #tpu.memory_space<vmem>>
      %dma_wait3A_597 = arith.constant 0 : i32
      %dma_wait3A_598 = tpu.memref_slice %arg5[%add3A_416, %dma_wait3A_597] : memref<60x128xi32, #tpu.memory_space<vmem>> -> memref<1x128xi32, #tpu.memory_space<vmem>>
      %dma_wait3A_599 = tpu.memref_squeeze %dma_wait3A_598 : memref<1x128xi32, #tpu.memory_space<vmem>> -> memref<128xi32, #tpu.memory_space<vmem>>
      %dma_wait3A_600 = arith.constant 0 : i32
      %dma_wait3A_601 = arith.constant 0 : i32
      %dma_wait3A_602 = tpu.memref_slice %arg2[%dma_wait3A_600, %dma_wait3A_601] : memref<100000x32xi32, #tpu.memory_space<hbm>> -> memref<100000x32xi32, #tpu.memory_space<hbm>>
      tpu.wait_indirect_dma semaphore(%arg7 : memref<!tpu.dma_semaphore, #tpu.memory_space<semaphore_mem>>) src(%dma_wait3A_602 : memref<100000x32xi32, #tpu.memory_space<hbm>>) dst(%dma_wait3A_596 : memref<128x32xi32, #tpu.memory_space<vmem>>)
      %dma_wait3A_603 = arith.constant 1 : i32
      %dma_wait3A_604 = arith.constant 0 : i32
      %dma_wait3A_605 = arith.constant 0 : i32
      %dma_wait3A_606 = tpu.memref_slice %arg6[%dma_wait3A_603, %dma_wait3A_604, %dma_wait3A_605] : memref<2x1280x32xi32, #tpu.memory_space<vmem>> -> memref<1x1280x32xi32, #tpu.memory_space<vmem>>
      %dma_wait3A_607 = tpu.memref_squeeze %dma_wait3A_606 : memref<1x1280x32xi32, #tpu.memory_space<vmem>> -> memref<1280x32xi32, #tpu.memory_space<vmem>>
      %dma_wait3A_608 = arith.constant 256 : i32
      %dma_wait3A_609 = arith.constant 0 : i32
      %dma_wait3A_610 = tpu.memref_slice %dma_wait3A_607[%dma_wait3A_608, %dma_wait3A_609] : memref<1280x32xi32, #tpu.memory_space<vmem>> -> memref<128x32xi32, #tpu.memory_space<vmem>>
      %dma_wait3A_611 = arith.constant 0 : i32
      %dma_wait3A_612 = tpu.memref_slice %arg5[%add3A_434, %dma_wait3A_611] : memref<60x128xi32, #tpu.memory_space<vmem>> -> memref<1x128xi32, #tpu.memory_space<vmem>>
      %dma_wait3A_613 = tpu.memref_squeeze %dma_wait3A_612 : memref<1x128xi32, #tpu.memory_space<vmem>> -> memref<128xi32, #tpu.memory_space<vmem>>
      %dma_wait3A_614 = arith.constant 0 : i32
      %dma_wait3A_615 = arith.constant 0 : i32
      %dma_wait3A_616 = tpu.memref_slice %arg2[%dma_wait3A_614, %dma_wait3A_615] : memref<100000x32xi32, #tpu.memory_space<hbm>> -> memref<100000x32xi32, #tpu.memory_space<hbm>>
      tpu.wait_indirect_dma semaphore(%arg7 : memref<!tpu.dma_semaphore, #tpu.memory_space<semaphore_mem>>) src(%dma_wait3A_616 : memref<100000x32xi32, #tpu.memory_space<hbm>>) dst(%dma_wait3A_610 : memref<128x32xi32, #tpu.memory_space<vmem>>)
      %dma_wait3A_617 = arith.constant 1 : i32
      %dma_wait3A_618 = arith.constant 0 : i32
      %dma_wait3A_619 = arith.constant 0 : i32
      %dma_wait3A_620 = tpu.memref_slice %arg6[%dma_wait3A_617, %dma_wait3A_618, %dma_wait3A_619] : memref<2x1280x32xi32, #tpu.memory_space<vmem>> -> memref<1x1280x32xi32, #tpu.memory_space<vmem>>
      %dma_wait3A_621 = tpu.memref_squeeze %dma_wait3A_620 : memref<1x1280x32xi32, #tpu.memory_space<vmem>> -> memref<1280x32xi32, #tpu.memory_space<vmem>>
      %dma_wait3A_622 = arith.constant 384 : i32
      %dma_wait3A_623 = arith.constant 0 : i32
      %dma_wait3A_624 = tpu.memref_slice %dma_wait3A_621[%dma_wait3A_622, %dma_wait3A_623] : memref<1280x32xi32, #tpu.memory_space<vmem>> -> memref<128x32xi32, #tpu.memory_space<vmem>>
      %dma_wait3A_625 = arith.constant 0 : i32
      %dma_wait3A_626 = tpu.memref_slice %arg5[%add3A_452, %dma_wait3A_625] : memref<60x128xi32, #tpu.memory_space<vmem>> -> memref<1x128xi32, #tpu.memory_space<vmem>>
      %dma_wait3A_627 = tpu.memref_squeeze %dma_wait3A_626 : memref<1x128xi32, #tpu.memory_space<vmem>> -> memref<128xi32, #tpu.memory_space<vmem>>
      %dma_wait3A_628 = arith.constant 0 : i32
      %dma_wait3A_629 = arith.constant 0 : i32
      %dma_wait3A_630 = tpu.memref_slice %arg2[%dma_wait3A_628, %dma_wait3A_629] : memref<100000x32xi32, #tpu.memory_space<hbm>> -> memref<100000x32xi32, #tpu.memory_space<hbm>>
      tpu.wait_indirect_dma semaphore(%arg7 : memref<!tpu.dma_semaphore, #tpu.memory_space<semaphore_mem>>) src(%dma_wait3A_630 : memref<100000x32xi32, #tpu.memory_space<hbm>>) dst(%dma_wait3A_624 : memref<128x32xi32, #tpu.memory_space<vmem>>)
      %dma_wait3A_631 = arith.constant 1 : i32
      %dma_wait3A_632 = arith.constant 0 : i32
      %dma_wait3A_633 = arith.constant 0 : i32
      %dma_wait3A_634 = tpu.memref_slice %arg6[%dma_wait3A_631, %dma_wait3A_632, %dma_wait3A_633] : memref<2x1280x32xi32, #tpu.memory_space<vmem>> -> memref<1x1280x32xi32, #tpu.memory_space<vmem>>
      %dma_wait3A_635 = tpu.memref_squeeze %dma_wait3A_634 : memref<1x1280x32xi32, #tpu.memory_space<vmem>> -> memref<1280x32xi32, #tpu.memory_space<vmem>>
      %dma_wait3A_636 = arith.constant 512 : i32
      %dma_wait3A_637 = arith.constant 0 : i32
      %dma_wait3A_638 = tpu.memref_slice %dma_wait3A_635[%dma_wait3A_636, %dma_wait3A_637] : memref<1280x32xi32, #tpu.memory_space<vmem>> -> memref<128x32xi32, #tpu.memory_space<vmem>>
      %dma_wait3A_639 = arith.constant 0 : i32
      %dma_wait3A_640 = tpu.memref_slice %arg5[%add3A_470, %dma_wait3A_639] : memref<60x128xi32, #tpu.memory_space<vmem>> -> memref<1x128xi32, #tpu.memory_space<vmem>>
      %dma_wait3A_641 = tpu.memref_squeeze %dma_wait3A_640 : memref<1x128xi32, #tpu.memory_space<vmem>> -> memref<128xi32, #tpu.memory_space<vmem>>
      %dma_wait3A_642 = arith.constant 0 : i32
      %dma_wait3A_643 = arith.constant 0 : i32
      %dma_wait3A_644 = tpu.memref_slice %arg2[%dma_wait3A_642, %dma_wait3A_643] : memref<100000x32xi32, #tpu.memory_space<hbm>> -> memref<100000x32xi32, #tpu.memory_space<hbm>>
      tpu.wait_indirect_dma semaphore(%arg7 : memref<!tpu.dma_semaphore, #tpu.memory_space<semaphore_mem>>) src(%dma_wait3A_644 : memref<100000x32xi32, #tpu.memory_space<hbm>>) dst(%dma_wait3A_638 : memref<128x32xi32, #tpu.memory_space<vmem>>)
      %dma_wait3A_645 = arith.constant 1 : i32
      %dma_wait3A_646 = arith.constant 0 : i32
      %dma_wait3A_647 = arith.constant 0 : i32
      %dma_wait3A_648 = tpu.memref_slice %arg6[%dma_wait3A_645, %dma_wait3A_646, %dma_wait3A_647] : memref<2x1280x32xi32, #tpu.memory_space<vmem>> -> memref<1x1280x32xi32, #tpu.memory_space<vmem>>
      %dma_wait3A_649 = tpu.memref_squeeze %dma_wait3A_648 : memref<1x1280x32xi32, #tpu.memory_space<vmem>> -> memref<1280x32xi32, #tpu.memory_space<vmem>>
      %dma_wait3A_650 = arith.constant 640 : i32
      %dma_wait3A_651 = arith.constant 0 : i32
      %dma_wait3A_652 = tpu.memref_slice %dma_wait3A_649[%dma_wait3A_650, %dma_wait3A_651] : memref<1280x32xi32, #tpu.memory_space<vmem>> -> memref<128x32xi32, #tpu.memory_space<vmem>>
      %dma_wait3A_653 = arith.constant 0 : i32
      %dma_wait3A_654 = tpu.memref_slice %arg5[%add3A_488, %dma_wait3A_653] : memref<60x128xi32, #tpu.memory_space<vmem>> -> memref<1x128xi32, #tpu.memory_space<vmem>>
      %dma_wait3A_655 = tpu.memref_squeeze %dma_wait3A_654 : memref<1x128xi32, #tpu.memory_space<vmem>> -> memref<128xi32, #tpu.memory_space<vmem>>
      %dma_wait3A_656 = arith.constant 0 : i32
      %dma_wait3A_657 = arith.constant 0 : i32
      %dma_wait3A_658 = tpu.memref_slice %arg2[%dma_wait3A_656, %dma_wait3A_657] : memref<100000x32xi32, #tpu.memory_space<hbm>> -> memref<100000x32xi32, #tpu.memory_space<hbm>>
      tpu.wait_indirect_dma semaphore(%arg7 : memref<!tpu.dma_semaphore, #tpu.memory_space<semaphore_mem>>) src(%dma_wait3A_658 : memref<100000x32xi32, #tpu.memory_space<hbm>>) dst(%dma_wait3A_652 : memref<128x32xi32, #tpu.memory_space<vmem>>)
      %dma_wait3A_659 = arith.constant 1 : i32
      %dma_wait3A_660 = arith.constant 0 : i32
      %dma_wait3A_661 = arith.constant 0 : i32
      %dma_wait3A_662 = tpu.memref_slice %arg6[%dma_wait3A_659, %dma_wait3A_660, %dma_wait3A_661] : memref<2x1280x32xi32, #tpu.memory_space<vmem>> -> memref<1x1280x32xi32, #tpu.memory_space<vmem>>
      %dma_wait3A_663 = tpu.memref_squeeze %dma_wait3A_662 : memref<1x1280x32xi32, #tpu.memory_space<vmem>> -> memref<1280x32xi32, #tpu.memory_space<vmem>>
      %dma_wait3A_664 = arith.constant 768 : i32
      %dma_wait3A_665 = arith.constant 0 : i32
      %dma_wait3A_666 = tpu.memref_slice %dma_wait3A_663[%dma_wait3A_664, %dma_wait3A_665] : memref<1280x32xi32, #tpu.memory_space<vmem>> -> memref<128x32xi32, #tpu.memory_space<vmem>>
      %dma_wait3A_667 = arith.constant 0 : i32
      %dma_wait3A_668 = tpu.memref_slice %arg5[%add3A_506, %dma_wait3A_667] : memref<60x128xi32, #tpu.memory_space<vmem>> -> memref<1x128xi32, #tpu.memory_space<vmem>>
      %dma_wait3A_669 = tpu.memref_squeeze %dma_wait3A_668 : memref<1x128xi32, #tpu.memory_space<vmem>> -> memref<128xi32, #tpu.memory_space<vmem>>
      %dma_wait3A_670 = arith.constant 0 : i32
      %dma_wait3A_671 = arith.constant 0 : i32
      %dma_wait3A_672 = tpu.memref_slice %arg2[%dma_wait3A_670, %dma_wait3A_671] : memref<100000x32xi32, #tpu.memory_space<hbm>> -> memref<100000x32xi32, #tpu.memory_space<hbm>>
      tpu.wait_indirect_dma semaphore(%arg7 : memref<!tpu.dma_semaphore, #tpu.memory_space<semaphore_mem>>) src(%dma_wait3A_672 : memref<100000x32xi32, #tpu.memory_space<hbm>>) dst(%dma_wait3A_666 : memref<128x32xi32, #tpu.memory_space<vmem>>)
      %dma_wait3A_673 = arith.constant 1 : i32
      %dma_wait3A_674 = arith.constant 0 : i32
      %dma_wait3A_675 = arith.constant 0 : i32
      %dma_wait3A_676 = tpu.memref_slice %arg6[%dma_wait3A_673, %dma_wait3A_674, %dma_wait3A_675] : memref<2x1280x32xi32, #tpu.memory_space<vmem>> -> memref<1x1280x32xi32, #tpu.memory_space<vmem>>
      %dma_wait3A_677 = tpu.memref_squeeze %dma_wait3A_676 : memref<1x1280x32xi32, #tpu.memory_space<vmem>> -> memref<1280x32xi32, #tpu.memory_space<vmem>>
      %dma_wait3A_678 = arith.constant 896 : i32
      %dma_wait3A_679 = arith.constant 0 : i32
      %dma_wait3A_680 = tpu.memref_slice %dma_wait3A_677[%dma_wait3A_678, %dma_wait3A_679] : memref<1280x32xi32, #tpu.memory_space<vmem>> -> memref<128x32xi32, #tpu.memory_space<vmem>>
      %dma_wait3A_681 = arith.constant 0 : i32
      %dma_wait3A_682 = tpu.memref_slice %arg5[%add3A_524, %dma_wait3A_681] : memref<60x128xi32, #tpu.memory_space<vmem>> -> memref<1x128xi32, #tpu.memory_space<vmem>>
      %dma_wait3A_683 = tpu.memref_squeeze %dma_wait3A_682 : memref<1x128xi32, #tpu.memory_space<vmem>> -> memref<128xi32, #tpu.memory_space<vmem>>
      %dma_wait3A_684 = arith.constant 0 : i32
      %dma_wait3A_685 = arith.constant 0 : i32
      %dma_wait3A_686 = tpu.memref_slice %arg2[%dma_wait3A_684, %dma_wait3A_685] : memref<100000x32xi32, #tpu.memory_space<hbm>> -> memref<100000x32xi32, #tpu.memory_space<hbm>>
      tpu.wait_indirect_dma semaphore(%arg7 : memref<!tpu.dma_semaphore, #tpu.memory_space<semaphore_mem>>) src(%dma_wait3A_686 : memref<100000x32xi32, #tpu.memory_space<hbm>>) dst(%dma_wait3A_680 : memref<128x32xi32, #tpu.memory_space<vmem>>)
      %dma_wait3A_687 = arith.constant 1 : i32
      %dma_wait3A_688 = arith.constant 0 : i32
      %dma_wait3A_689 = arith.constant 0 : i32
      %dma_wait3A_690 = tpu.memref_slice %arg6[%dma_wait3A_687, %dma_wait3A_688, %dma_wait3A_689] : memref<2x1280x32xi32, #tpu.memory_space<vmem>> -> memref<1x1280x32xi32, #tpu.memory_space<vmem>>
      %dma_wait3A_691 = tpu.memref_squeeze %dma_wait3A_690 : memref<1x1280x32xi32, #tpu.memory_space<vmem>> -> memref<1280x32xi32, #tpu.memory_space<vmem>>
      %dma_wait3A_692 = arith.constant 1024 : i32
      %dma_wait3A_693 = arith.constant 0 : i32
      %dma_wait3A_694 = tpu.memref_slice %dma_wait3A_691[%dma_wait3A_692, %dma_wait3A_693] : memref<1280x32xi32, #tpu.memory_space<vmem>> -> memref<128x32xi32, #tpu.memory_space<vmem>>
      %dma_wait3A_695 = arith.constant 0 : i32
      %dma_wait3A_696 = tpu.memref_slice %arg5[%add3A_542, %dma_wait3A_695] : memref<60x128xi32, #tpu.memory_space<vmem>> -> memref<1x128xi32, #tpu.memory_space<vmem>>
      %dma_wait3A_697 = tpu.memref_squeeze %dma_wait3A_696 : memref<1x128xi32, #tpu.memory_space<vmem>> -> memref<128xi32, #tpu.memory_space<vmem>>
      %dma_wait3A_698 = arith.constant 0 : i32
      %dma_wait3A_699 = arith.constant 0 : i32
      %dma_wait3A_700 = tpu.memref_slice %arg2[%dma_wait3A_698, %dma_wait3A_699] : memref<100000x32xi32, #tpu.memory_space<hbm>> -> memref<100000x32xi32, #tpu.memory_space<hbm>>
      tpu.wait_indirect_dma semaphore(%arg7 : memref<!tpu.dma_semaphore, #tpu.memory_space<semaphore_mem>>) src(%dma_wait3A_700 : memref<100000x32xi32, #tpu.memory_space<hbm>>) dst(%dma_wait3A_694 : memref<128x32xi32, #tpu.memory_space<vmem>>)
      %dma_wait3A_701 = arith.constant 1 : i32
      %dma_wait3A_702 = arith.constant 0 : i32
      %dma_wait3A_703 = arith.constant 0 : i32
      %dma_wait3A_704 = tpu.memref_slice %arg6[%dma_wait3A_701, %dma_wait3A_702, %dma_wait3A_703] : memref<2x1280x32xi32, #tpu.memory_space<vmem>> -> memref<1x1280x32xi32, #tpu.memory_space<vmem>>
      %dma_wait3A_705 = tpu.memref_squeeze %dma_wait3A_704 : memref<1x1280x32xi32, #tpu.memory_space<vmem>> -> memref<1280x32xi32, #tpu.memory_space<vmem>>
      %dma_wait3A_706 = arith.constant 1152 : i32
      %dma_wait3A_707 = arith.constant 0 : i32
      %dma_wait3A_708 = tpu.memref_slice %dma_wait3A_705[%dma_wait3A_706, %dma_wait3A_707] : memref<1280x32xi32, #tpu.memory_space<vmem>> -> memref<128x32xi32, #tpu.memory_space<vmem>>
      %dma_wait3A_709 = arith.constant 0 : i32
      %dma_wait3A_710 = tpu.memref_slice %arg5[%add3A_560, %dma_wait3A_709] : memref<60x128xi32, #tpu.memory_space<vmem>> -> memref<1x128xi32, #tpu.memory_space<vmem>>
      %dma_wait3A_711 = tpu.memref_squeeze %dma_wait3A_710 : memref<1x128xi32, #tpu.memory_space<vmem>> -> memref<128xi32, #tpu.memory_space<vmem>>
      %dma_wait3A_712 = arith.constant 0 : i32
      %dma_wait3A_713 = arith.constant 0 : i32
      %dma_wait3A_714 = tpu.memref_slice %arg2[%dma_wait3A_712, %dma_wait3A_713] : memref<100000x32xi32, #tpu.memory_space<hbm>> -> memref<100000x32xi32, #tpu.memory_space<hbm>>
      tpu.wait_indirect_dma semaphore(%arg7 : memref<!tpu.dma_semaphore, #tpu.memory_space<semaphore_mem>>) src(%dma_wait3A_714 : memref<100000x32xi32, #tpu.memory_space<hbm>>) dst(%dma_wait3A_708 : memref<128x32xi32, #tpu.memory_space<vmem>>)
      %dma_start3A_715 = arith.constant 1 : i32
      %dma_start3A_716 = arith.constant 0 : i32
      %dma_start3A_717 = arith.constant 0 : i32
      %dma_start3A_718 = tpu.memref_slice %arg6[%dma_start3A_715, %dma_start3A_716, %dma_start3A_717] : memref<2x1280x32xi32, #tpu.memory_space<vmem>> -> memref<1x1280x32xi32, #tpu.memory_space<vmem>>
      %dma_start3A_719 = tpu.memref_squeeze %dma_start3A_718 : memref<1x1280x32xi32, #tpu.memory_space<vmem>> -> memref<1280x32xi32, #tpu.memory_space<vmem>>
      %dma_start3A_720 = arith.constant 0 : i32
      %dma_start3A_721 = tpu.memref_slice %arg4[%add3A_388, %dma_start3A_720] : memref<245760x32xi32, #tpu.memory_space<hbm>> -> memref<1280x32xi32, #tpu.memory_space<hbm>>
      %dma_start3A_722 = arith.constant 0 : i32
      %dma_start3A_723 = tpu.memref_slice %arg4[%add3A_388, %dma_start3A_722] : memref<245760x32xi32, #tpu.memory_space<hbm>> -> memref<1280x32xi32, #tpu.memory_space<hbm>>
      %dma_start3A_724 = arith.constant 0 : i32
      %dma_start3A_725 = arith.constant 0 : i32
      %dma_start3A_726 = tpu.memref_slice %arg6[%dma_start3A_715, %dma_start3A_724, %dma_start3A_725] : memref<2x1280x32xi32, #tpu.memory_space<vmem>> -> memref<1x1280x32xi32, #tpu.memory_space<vmem>>
      %dma_start3A_727 = tpu.memref_squeeze %dma_start3A_726 : memref<1x1280x32xi32, #tpu.memory_space<vmem>> -> memref<1280x32xi32, #tpu.memory_space<vmem>>
      tpu.enqueue_dma source(%dma_start3A_727 : memref<1280x32xi32, #tpu.memory_space<vmem>>) target(%dma_start3A_723 : memref<1280x32xi32, #tpu.memory_space<hbm>>) target_semaphore(%arg9 : memref<!tpu.dma_semaphore, #tpu.memory_space<semaphore_mem>>)
    }
    %scan3A_9 = arith.constant 3 : i32
    %add3A_10 = arith.constant 5120 : i32
    %add3A_11 = arith.addi %mul3A_2, %add3A_10 : i32
    %dma_wait3A = arith.constant 0 : i32
    %dma_wait3A_12 = arith.constant 0 : i32
    %dma_wait3A_13 = arith.constant 0 : i32
    %dma_wait3A_14 = tpu.memref_slice %arg6[%dma_wait3A, %dma_wait3A_12, %dma_wait3A_13] : memref<2x1280x32xi32, #tpu.memory_space<vmem>> -> memref<1x1280x32xi32, #tpu.memory_space<vmem>>
    %dma_wait3A_15 = tpu.memref_squeeze %dma_wait3A_14 : memref<1x1280x32xi32, #tpu.memory_space<vmem>> -> memref<1280x32xi32, #tpu.memory_space<vmem>>
    %dma_wait3A_16 = arith.constant 0 : i32
    %dma_wait3A_17 = tpu.memref_slice %arg4[%add3A_11, %dma_wait3A_16] : memref<245760x32xi32, #tpu.memory_space<hbm>> -> memref<1280x32xi32, #tpu.memory_space<hbm>>
    %dma_wait3A_18 = arith.constant 0 : i32
    %dma_wait3A_19 = tpu.memref_slice %arg4[%add3A_11, %dma_wait3A_18] : memref<245760x32xi32, #tpu.memory_space<hbm>> -> memref<1280x32xi32, #tpu.memory_space<hbm>>
    %dma_wait3A_20 = arith.constant 0 : i32
    %dma_wait3A_21 = arith.constant 0 : i32
    %dma_wait3A_22 = tpu.memref_slice %arg6[%dma_wait3A, %dma_wait3A_20, %dma_wait3A_21] : memref<2x1280x32xi32, #tpu.memory_space<vmem>> -> memref<1x1280x32xi32, #tpu.memory_space<vmem>>
    %dma_wait3A_23 = tpu.memref_squeeze %dma_wait3A_22 : memref<1x1280x32xi32, #tpu.memory_space<vmem>> -> memref<1280x32xi32, #tpu.memory_space<vmem>>
    tpu.wait_dma2 semaphore(%arg8 : memref<!tpu.dma_semaphore, #tpu.memory_space<semaphore_mem>>) src(%dma_wait3A_23 : memref<1280x32xi32, #tpu.memory_space<vmem>>) dst(%dma_wait3A_19 : memref<1280x32xi32, #tpu.memory_space<hbm>>)
    %add3A_24 = arith.constant 6400 : i32
    %add3A_25 = arith.addi %mul3A_2, %add3A_24 : i32
    %dma_wait3A_26 = arith.constant 1 : i32
    %dma_wait3A_27 = arith.constant 0 : i32
    %dma_wait3A_28 = arith.constant 0 : i32
    %dma_wait3A_29 = tpu.memref_slice %arg6[%dma_wait3A_26, %dma_wait3A_27, %dma_wait3A_28] : memref<2x1280x32xi32, #tpu.memory_space<vmem>> -> memref<1x1280x32xi32, #tpu.memory_space<vmem>>
    %dma_wait3A_30 = tpu.memref_squeeze %dma_wait3A_29 : memref<1x1280x32xi32, #tpu.memory_space<vmem>> -> memref<1280x32xi32, #tpu.memory_space<vmem>>
    %dma_wait3A_31 = arith.constant 0 : i32
    %dma_wait3A_32 = tpu.memref_slice %arg4[%add3A_25, %dma_wait3A_31] : memref<245760x32xi32, #tpu.memory_space<hbm>> -> memref<1280x32xi32, #tpu.memory_space<hbm>>
    %dma_wait3A_33 = arith.constant 0 : i32
    %dma_wait3A_34 = tpu.memref_slice %arg4[%add3A_25, %dma_wait3A_33] : memref<245760x32xi32, #tpu.memory_space<hbm>> -> memref<1280x32xi32, #tpu.memory_space<hbm>>
    %dma_wait3A_35 = arith.constant 0 : i32
    %dma_wait3A_36 = arith.constant 0 : i32
    %dma_wait3A_37 = tpu.memref_slice %arg6[%dma_wait3A_26, %dma_wait3A_35, %dma_wait3A_36] : memref<2x1280x32xi32, #tpu.memory_space<vmem>> -> memref<1x1280x32xi32, #tpu.memory_space<vmem>>
    %dma_wait3A_38 = tpu.memref_squeeze %dma_wait3A_37 : memref<1x1280x32xi32, #tpu.memory_space<vmem>> -> memref<1280x32xi32, #tpu.memory_space<vmem>>
    tpu.wait_dma2 semaphore(%arg9 : memref<!tpu.dma_semaphore, #tpu.memory_space<semaphore_mem>>) src(%dma_wait3A_38 : memref<1280x32xi32, #tpu.memory_space<vmem>>) dst(%dma_wait3A_34 : memref<1280x32xi32, #tpu.memory_space<hbm>>)
    return
  }
}

module attributes {stable_mosaic.version = 14 : i64} {
  func.func @_proj_body(%arg0: i32, %arg1: memref<4000x768xf32, #tpu.memory_space<vmem>>, %arg2: memref<768x64xf32, #tpu.memory_space<vmem>>, %arg3: memref<1x64xf32, #tpu.memory_space<vmem>>, %arg4: memref<4000x32xi32, #tpu.memory_space<vmem>>) attributes {dimension_semantics = [#tpu.dimension_semantics<arbitrary>], iteration_bounds = array<i64: 25>, scalar_prefetch = 0 : i64, scratch_operands = 0 : i64, tpu.core_type = #tpu.core_type<tc>, window_params = [{transform_indices = @transform_0, window_bounds = array<i64: 4000, 768>}, {pipeline_mode = #tpu.pipeline_mode<synchronous>, transform_indices = @transform_1, window_bounds = array<i64: 768, 64>}, {pipeline_mode = #tpu.pipeline_mode<synchronous>, transform_indices = @transform_2, window_bounds = array<i64: 1, 64>}, {transform_indices = @transform_3, window_bounds = array<i64: 4000, 32>}]} {
    %get3A = arith.constant 0 : index
    %get3A_0 = arith.constant 0 : index
    %get3A_1 = vector.load %arg1[%get3A, %get3A_0] : memref<4000x768xf32, #tpu.memory_space<vmem>>, vector<4000x768xf32>
    %get3A_2 = arith.constant 0 : index
    %get3A_3 = arith.constant 0 : index
    %get3A_4 = vector.load %arg2[%get3A_2, %get3A_3] : memref<768x64xf32, #tpu.memory_space<vmem>>, vector<768x64xf32>
    %dot_general3A = arith.constant dense<0.000000e+00> : vector<4000x64xf32>
    %dot_general3A_5 = tpu.matmul %get3A_1, %get3A_4, %dot_general3A {dimension_numbers = #tpu.dot_dimension_numbers<[1], [0], [0], [1], [0, 0, 1, 1], [], []>, transpose_lhs_hint = false} : vector<4000x768xf32>, vector<768x64xf32>, vector<4000x64xf32> -> vector<4000x64xf32>
    %get3A_6 = arith.constant 0 : index
    %get3A_7 = arith.constant 0 : index
    %get3A_8 = vector.load %arg3[%get3A_6, %get3A_7] : memref<1x64xf32, #tpu.memory_space<vmem>>, vector<1x64xf32>
    %add3A = vector.broadcast %get3A_8 : vector<1x64xf32> to vector<4000x64xf32>
    %add3A_9 = arith.addf %dot_general3A_5, %add3A : vector<4000x64xf32>
    %convert_element_type3A = arith.truncf %add3A_9 : vector<4000x64xf32> to vector<4000x64xbf16>
    %slice3A = vector.extract_strided_slice %convert_element_type3A {offsets = [0, 0], sizes = [4000, 32], strides = [1, 1]} : vector<4000x64xbf16> to vector<4000x32xbf16>
    %bitcast_convert_type3A = tpu.bitcast %slice3A : vector<4000x32xbf16> -> vector<4000x32xi16>
    %convert_element_type3A_10 = arith.extui %bitcast_convert_type3A : vector<4000x32xi16> to vector<4000x32xi32>
    %slice3A_11 = vector.extract_strided_slice %convert_element_type3A {offsets = [0, 32], sizes = [4000, 32], strides = [1, 1]} : vector<4000x64xbf16> to vector<4000x32xbf16>
    %bitcast_convert_type3A_12 = tpu.bitcast %slice3A_11 : vector<4000x32xbf16> -> vector<4000x32xi16>
    %convert_element_type3A_13 = arith.extui %bitcast_convert_type3A_12 : vector<4000x32xi16> to vector<4000x32xi32>
    %shift_left3A = arith.constant 16 : i32
    %shift_left3A_14 = vector.broadcast %shift_left3A : i32 to vector<4000x32xi32>
    %shift_left3A_15 = arith.shli %convert_element_type3A_13, %shift_left3A_14 : vector<4000x32xi32>
    %or3A = arith.ori %convert_element_type3A_10, %shift_left3A_15 : vector<4000x32xi32>
    %swap3A = arith.constant 0 : index
    %swap3A_16 = arith.constant 0 : index
    %swap3A_17 = vector.load %arg4[%swap3A, %swap3A_16] : memref<4000x32xi32, #tpu.memory_space<vmem>>, vector<4000x32xi32>
    tpu.vector_store %arg4[%swap3A, %swap3A_16], %or3A {strides = array<i32>} : memref<4000x32xi32, #tpu.memory_space<vmem>>, vector<4000x32xi32>,
    return
  }
  func.func @transform_0(%arg0: i32) -> (i32, i32) {
    %c0_i32 = arith.constant 0 : i32
    %c0_i32_0 = arith.constant 0 : i32
    return %arg0, %c0_i32 : i32, i32
  }
  func.func @transform_1(%arg0: i32) -> (i32, i32) {
    %c0_i32 = arith.constant 0 : i32
    %c0_i32_0 = arith.constant 0 : i32
    %c0_i32_1 = arith.constant 0 : i32
    return %c0_i32, %c0_i32_0 : i32, i32
  }
  func.func @transform_2(%arg0: i32) -> (i32, i32) {
    %c0_i32 = arith.constant 0 : i32
    %c0_i32_0 = arith.constant 0 : i32
    %c0_i32_1 = arith.constant 0 : i32
    return %c0_i32, %c0_i32_0 : i32, i32
  }
  func.func @transform_3(%arg0: i32) -> (i32, i32) {
    %c0_i32 = arith.constant 0 : i32
    %c0_i32_0 = arith.constant 0 : i32
    return %arg0, %c0_i32 : i32, i32
  }
}

module attributes {stable_mosaic.version = 14 : i64} {
  func.func @_out_body(%arg0: i32, %arg1: memref<1024x960xi32, #tpu.memory_space<vmem>>, %arg2: memref<960x128xbf16, #tpu.memory_space<vmem>>, %arg3: memref<960x128xbf16, #tpu.memory_space<vmem>>, %arg4: memref<1x128xf32, #tpu.memory_space<vmem>>, %arg5: memref<1024x10xf32, #tpu.memory_space<vmem>>) attributes {dimension_semantics = [#tpu.dimension_semantics<arbitrary>], iteration_bounds = array<i64: 8>, scalar_prefetch = 0 : i64, scratch_operands = 0 : i64, tpu.core_type = #tpu.core_type<tc>, window_params = [{transform_indices = @transform_0, window_bounds = array<i64: 1024, 960>}, {pipeline_mode = #tpu.pipeline_mode<synchronous>, transform_indices = @transform_1, window_bounds = array<i64: 960, 128>}, {pipeline_mode = #tpu.pipeline_mode<synchronous>, transform_indices = @transform_2, window_bounds = array<i64: 960, 128>}, {pipeline_mode = #tpu.pipeline_mode<synchronous>, transform_indices = @transform_3, window_bounds = array<i64: 1, 128>}, {transform_indices = @transform_4, window_bounds = array<i64: 1024, 10>}]} {
    %get3A = arith.constant 0 : index
    %get3A_0 = arith.constant 0 : index
    %get3A_1 = vector.load %arg1[%get3A, %get3A_0] : memref<1024x960xi32, #tpu.memory_space<vmem>>, vector<1024x960xi32>
    %and3A = arith.constant 65535 : i32
    %and3A_2 = vector.broadcast %and3A : i32 to vector<1024x960xi32>
    %and3A_3 = arith.andi %get3A_1, %and3A_2 : vector<1024x960xi32>
    %convert_element_type3A = arith.trunci %and3A_3 : vector<1024x960xi32> to vector<1024x960xi16>
    %bitcast_convert_type3A = tpu.bitcast %convert_element_type3A : vector<1024x960xi16> -> vector<1024x960xbf16>
    %shift_right_logical3A = arith.constant 16 : i32
    %shift_right_logical3A_4 = vector.broadcast %shift_right_logical3A : i32 to vector<1024x960xi32>
    %shift_right_logical3A_5 = arith.shrui %get3A_1, %shift_right_logical3A_4 : vector<1024x960xi32>
    %convert_element_type3A_6 = arith.trunci %shift_right_logical3A_5 : vector<1024x960xi32> to vector<1024x960xi16>
    %bitcast_convert_type3A_7 = tpu.bitcast %convert_element_type3A_6 : vector<1024x960xi16> -> vector<1024x960xbf16>
    %get3A_8 = arith.constant 0 : index
    %get3A_9 = arith.constant 0 : index
    %get3A_10 = vector.load %arg2[%get3A_8, %get3A_9] : memref<960x128xbf16, #tpu.memory_space<vmem>>, vector<960x128xbf16>
    %dot_general3A = arith.constant dense<0.000000e+00> : vector<1024x128xf32>
    %dot_general3A_11 = tpu.matmul %bitcast_convert_type3A, %get3A_10, %dot_general3A {dimension_numbers = #tpu.dot_dimension_numbers<[1], [0], [0], [1], [0, 0, 1, 1], [], []>, transpose_lhs_hint = false} : vector<1024x960xbf16>, vector<960x128xbf16>, vector<1024x128xf32> -> vector<1024x128xf32>
    %get3A_12 = arith.constant 0 : index
    %get3A_13 = arith.constant 0 : index
    %get3A_14 = vector.load %arg3[%get3A_12, %get3A_13] : memref<960x128xbf16, #tpu.memory_space<vmem>>, vector<960x128xbf16>
    %dot_general3A_15 = arith.constant dense<0.000000e+00> : vector<1024x128xf32>
    %dot_general3A_16 = tpu.matmul %bitcast_convert_type3A_7, %get3A_14, %dot_general3A_15 {dimension_numbers = #tpu.dot_dimension_numbers<[1], [0], [0], [1], [0, 0, 1, 1], [], []>, transpose_lhs_hint = false} : vector<1024x960xbf16>, vector<960x128xbf16>, vector<1024x128xf32> -> vector<1024x128xf32>
    %add3A = arith.addf %dot_general3A_11, %dot_general3A_16 : vector<1024x128xf32>
    %get3A_17 = arith.constant 0 : index
    %get3A_18 = arith.constant 0 : index
    %get3A_19 = vector.load %arg4[%get3A_17, %get3A_18] : memref<1x128xf32, #tpu.memory_space<vmem>>, vector<1x128xf32>
    %add3A_20 = vector.broadcast %get3A_19 : vector<1x128xf32> to vector<1024x128xf32>
    %add3A_21 = arith.addf %add3A, %add3A_20 : vector<1024x128xf32>
    %slice3A = vector.extract_strided_slice %add3A_21 {offsets = [0, 0], sizes = [1024, 10], strides = [1, 1]} : vector<1024x128xf32> to vector<1024x10xf32>
    %swap3A = arith.constant 0 : index
    %swap3A_22 = arith.constant 0 : index
    %swap3A_23 = vector.load %arg5[%swap3A, %swap3A_22] : memref<1024x10xf32, #tpu.memory_space<vmem>>, vector<1024x10xf32>
    tpu.vector_store %arg5[%swap3A, %swap3A_22], %slice3A {strides = array<i32>} : memref<1024x10xf32, #tpu.memory_space<vmem>>, vector<1024x10xf32>,
    return
  }
  func.func @transform_0(%arg0: i32) -> (i32, i32) {
    %c0_i32 = arith.constant 0 : i32
    %c0_i32_0 = arith.constant 0 : i32
    return %arg0, %c0_i32 : i32, i32
  }
  func.func @transform_1(%arg0: i32) -> (i32, i32) {
    %c0_i32 = arith.constant 0 : i32
    %c0_i32_0 = arith.constant 0 : i32
    %c0_i32_1 = arith.constant 0 : i32
    return %c0_i32, %c0_i32_0 : i32, i32
  }
  func.func @transform_2(%arg0: i32) -> (i32, i32) {
    %c0_i32 = arith.constant 0 : i32
    %c0_i32_0 = arith.constant 0 : i32
    %c0_i32_1 = arith.constant 0 : i32
    return %c0_i32, %c0_i32_0 : i32, i32
  }
  func.func @transform_3(%arg0: i32) -> (i32, i32) {
    %c0_i32 = arith.constant 0 : i32
    %c0_i32_0 = arith.constant 0 : i32
    %c0_i32_1 = arith.constant 0 : i32
    return %c0_i32, %c0_i32_0 : i32, i32
  }
  func.func @transform_4(%arg0: i32) -> (i32, i32) {
    %c0_i32 = arith.constant 0 : i32
    %c0_i32_0 = arith.constant 0 : i32
    return %arg0, %c0_i32 : i32, i32
  }
}

</mosaic_0001>

<sc_bundles>
// kernel: kernel.10.cloned.1.call-start
scs
__scs_entry_jumppad:
0x0: {  	(pc) =	sbr.rel $0x88, $3  }
0x1: {  	(tag) =	ssettag $0x0;
	lr =	simm.s32 $0x1  }
0x2: {  	[smem:$0x3F9B] =	sst lr;
	_ =	strace $0xD0000000  }
0x3: {  	_ = 	snop  }
0x4: {  	_ = 	snop  }
0x5: {  	_ = 	snop  }
0x6: {  	_ = 	snop  }
0x7: {  	_ = 	snop  }
__scs_overlays_trampoline_lowered:
0x8: {  	[smem:$0x3FAA] =	sst s0  }
0x9: {  	[smem:$0x3FAB] =	sst s1  }
0xa: {  	[smem:$0x3FAC] =	sst s2  }
0xb: {  	[smem:$0x3FAD] =	sst s3  }
0xc: {  	[smem:$0x3FAE] =	sst s4  }
0xd: {  	[smem:$0x3FAF] =	sst s5  }
0xe: {  	[smem:$0x3FB0] =	sst s6  }
0xf: {  	[smem:$0x3FB1] =	sst s7  }
0x10: {  	[smem:$0x3FB2] =	sst s8  }
0x11: {  	[smem:$0x3FB3] =	sst s9;
	s0 =	simm.s32 @!p0 $0x0  }
0x12: {  	s1 =	sld [smem:$0x3F99];
	s0 =	simm.s32 @p0 $0x1  }
0x13: {  	[smem:$0x3FB4] =	sst s0;
	s0 =	simm.s32 @!p1 $0x0  }
0x14: {  	s2 =	sld [smem:$0x3F98];
	s0 =	simm.s32 @p1 $0x1  }
0x15: {  	[smem:$0x3FB5] =	sst s0;
	s0 =	simm.s32 @!p2 $0x0  }
0x16: {  	s3 =	sld [smem:$0x3FDB];
	s0 =	simm.s32 @p2 $0x1  }
0x17: {  	s4 =	simm.s32 $0x1BF5;
	[smem:$0x3FB7] =	sst s0  }
0x18: {  	s0 =	sld [smem:$0x3F9A];
	_ =	swait.ge [sflag:s4], $0x0  }
0x19: {  	s7 =	sld [smem:$0x3F9B]  }
0x1a: {  	s8 =	sadd.s32 $0xFFFFE003, lr  }
0x1b: {  	s9 =	sadd.s32 $0xFFFFFEF7, lr;
	s5 =	simm.s32 $0xFFFFFFFF;
	p2 =	slt.u32 s8, $0xFFFFF086  }
0x1c: {  	p1 =	slt.u32 s9, $0xF7A;
	s5 =	simm.s32 @!p2 $0x0  }
0x1d: {  	s5 =	simm.s32 @p1 $0x1;
	p0 =	seq.s32 s7, s2  }
0x1e: {  	s7 =	smul.u32 @!p0 $0xF7A, s2;
	p2 =	seq.s32 @!p0 s5, $0x0  }
0x1f: {  	s9 =	smul.u32 $0xF7A, s1;
	s8 =	simm.s32 @!p0 $0x1BF5;
	p2 =	por !p2, p0  }
0x20: {  	[sflag:s8] =	ssyncset.s32 @!p0 $0xFFFFF086;
	s6 =	sadd.s32 @!p0 s3, s7;
	s7 =	simm.s32 @!p0 $0x108  }
0x21: {  	s3 =	sadd.s32 s3, s9;
	s6 =	sadd.s32 @!p0 $0x88, s6;
	s7 =	simm.s32 @p2 $0x1082  }
0x22: {  	[simem:s7], [sflag:s8] =	dma.local @!p0 [hbm:s6], $0xF7A  }
0x23: {  	s9 =	sor.u32 $0xD0000000, s2;
	s6 =	simm.s32 $0x108;
	_ =	swait.ge @!p0 [sflag:s8], $0x0  }
0x24: {  	s3 =	sadd.s32 $0x88, s3;
	s6 =	simm.s32 @!p1 $0x1082;
	[sflag:s4] =	ssyncset.s32 $0xFFFFF086  }
0x25: {  	[simem:s6], [sflag:s4] =	dma.local [hbm:s3], $0xF7A  }
0x26: {  	[smem:$0x3F9B] =	sst s1;
	(tag) =	ssettag s2;
	_ =	strace s9  }
0x27: {  	s1 =	sld [smem:$0x3FAB]  }
0x28: {  	s2 =	sld [smem:$0x3FAC]  }
0x29: {  	s4 =	sld [smem:$0x3FAE]  }
0x2a: {  	p0 =	seq.s32 s5, $0x0;
	s5 =	sld [smem:$0x3FAF]  }
0x2b: {  	s6 =	sld [smem:$0x3FB0]  }
0x2c: {  	s7 =	sld [smem:$0x3FB1]  }
0x2d: {  	s3 =	simm.s32 $0x108;
	s8 =	sld [smem:$0x3FB2]  }
0x2e: {  	s3 =	simm.s32 @!p0 $0x1082;
	s9 =	sld [smem:$0x3FB3]  }
0x2f: {  	lr =	sadd.s32 s0, s3;
	s0 =	sld [smem:$0x3FAA]  }
0x30: {  	s3 =	sld [smem:$0x3FAD]  }
0x31: {  	[smem:$0x3FB6] =	sst s10  }
0x32: {  	s10 =	sld [smem:$0x3FB4];
	_ =	sdelay $0x3  }
0x33: {  	p0 =	seq.s32 s10, $0x1;
	s10 =	sld [smem:$0x3FB6];
	_ =	sdelay $0x3  }
0x34: {  	[smem:$0x3FB6] =	sst s10  }
0x35: {  	s10 =	sld [smem:$0x3FB5];
	_ =	sdelay $0x3  }
0x36: {  	p1 =	seq.s32 s10, $0x1;
	s10 =	sld [smem:$0x3FB6];
	_ =	sdelay $0x3  }
0x37: {  	[smem:$0x3FB6] =	sst s10  }
0x38: {  	s10 =	sld [smem:$0x3FB7]  }
0x39: {  	_ = 	snop;
	(pc) =	sbr.ind lr, $3  }
0x3a: {  	_ = 	snop  }
0x3b: {  	_ = 	snop  }
0x3c: {  	p2 =	seq.s32 s10, $0x1;
	s10 =	sld [smem:$0x3FB6]  }
0x3d: {  	_ =	shalt  }
0x3e: {  	_ =	shalt  }
0x3f: {  	_ =	shalt  }
0x40: {  	_ =	shalt  }
0x41: {  	_ =	shalt  }
0x42: {  	_ =	shalt  }
0x43: {  	_ =	shalt  }
0x44: {  	_ =	shalt  }
0x45: {  	_ =	shalt  }
0x46: {  	_ =	shalt  }
0x47: {  	_ =	shalt  }
0x48: {  	_ =	shalt  }
0x49: {  	_ =	shalt  }
0x4a: {  	_ =	shalt  }
0x4b: {  	_ =	shalt  }
0x4c: {  	_ =	shalt  }
0x4d: {  	_ =	shalt  }
0x4e: {  	_ =	shalt  }
0x4f: {  	_ =	shalt  }
0x50: {  	_ =	shalt  }
0x51: {  	_ =	shalt  }
0x52: {  	_ =	shalt  }
0x53: {  	_ =	shalt  }
0x54: {  	_ =	shalt  }
0x55: {  	_ =	shalt  }
0x56: {  	_ =	shalt  }
0x57: {  	_ =	shalt  }
0x58: {  	_ =	shalt  }
0x59: {  	_ =	shalt  }
0x5a: {  	_ =	shalt  }
0x5b: {  	_ =	shalt  }
0x5c: {  	_ =	shalt  }
0x5d: {  	_ =	shalt  }
0x5e: {  	_ =	shalt  }
0x5f: {  	_ =	shalt  }
0x60: {  	_ =	shalt  }
0x61: {  	_ =	shalt  }
0x62: {  	_ =	shalt  }
0x63: {  	_ =	shalt  }
0x64: {  	_ =	shalt  }
0x65: {  	_ =	shalt  }
0x66: {  	_ =	shalt  }
0x67: {  	_ =	shalt  }
0x68: {  	_ =	shalt  }
0x69: {  	_ =	shalt  }
0x6a: {  	_ =	shalt  }
0x6b: {  	_ =	shalt  }
0x6c: {  	_ =	shalt  }
0x6d: {  	_ =	shalt  }
0x6e: {  	_ =	shalt  }
0x6f: {  	_ =	shalt  }
0x70: {  	_ =	shalt  }
0x71: {  	_ =	shalt  }
0x72: {  	_ =	shalt  }
0x73: {  	_ =	shalt  }
0x74: {  	_ =	shalt  }
0x75: {  	_ =	shalt  }
0x76: {  	_ =	shalt  }
0x77: {  	_ =	shalt  }
0x78: {  	_ =	shalt  }
0x79: {  	_ =	shalt  }
0x7a: {  	_ =	shalt  }
0x7b: {  	_ =	shalt  }
0x7c: {  	_ =	shalt  }
0x7d: {  	_ =	shalt  }
0x7e: {  	_ =	shalt  }
0x7f: {  	_ =	shalt  }
0x80: {  	_ =	shalt  }
0x81: {  	_ =	shalt  }
0x82: {  	_ =	shalt  }
0x83: {  	_ =	shalt  }
0x84: {  	_ =	shalt  }
0x85: {  	_ =	shalt  }
0x86: {  	_ =	shalt  }
0x87: {  	_ =	shalt  }
.Lfunc_end0:
.L_simem_size_0:
called_computation.1_lowered:
.L_overlay_start_0:
0x88: {  	s2 =	sld [smem:$0x3FD9]  }
0x89: {  	s3 =	sld [smem:$0x3FFE];
	_ =	sdelay $0x1  }
0x8a: {  	s1 =	srdreg.scid  }
0x8b: {  	s0 =	sand.u32 $0x1, s1  }
0x8c: {  	s17 =	sshll.u32 s0, $0xA;
	s2 =	sadd.s32 s3, s2  }
0x8d: {  	s2 =	sadd.s32 s2, s17  }
0x8e: {  	[smem:$0x3FC2] =	sst s2  }
0x8f: {  	_ = 	snop  }
0x90: {  	s2 =	sld [smem:$0x3FD0];
	(tm) =	ssettm $0x1  }
0x91: {  	s18 =	sld [smem:$0x3FFB];
	_ =	sdelay $0x3  }
0x92: {  	_ =	strace s18  }
0x93: {  	s3 =	sld [smem:$0x3FFC];
	_ =	sdelay $0x3  }
0x94: {  	_ =	strace s3  }
0x95: {  	s3 =	sld [smem:$0x3FFD];
	_ =	sdelay $0x3  }
0x96: {  	_ =	strace s3  }
0x97: {  	_ =	strace $0x8FFFFFFF  }
0x98: {  	s19 =	sld [smem:$0x3FDB];
	_ =	sdelay $0x1  }
0x99: {  	s4 =	simm.s32 $_scs_section_size  }
0x9a: {  	s5 =	simm.s32 $_size__tile_overlayer_lowered;
	s6 =	simm.s32 $_tile_overlayer_lowered  }
0x9b: {  	s22 =	simm.s32 $0x1BFF;
	s21 =	sshll.u32 s6, $0x1;
	s3 =	sadd.s32 s4, s19  }
0x9c: {  	s7 =	simm.s32 $0x0;
	s20 =	sshll.u32 s5, $0x1;
	s5 =	sadd.s32 s21, s3  }
0x9d: {  	[timem:s7], [sflag:s22] =	dma.local [hbm:s5], s20  }
0x9e: {  	_ =	swait.ge [sflag:s22], s20  }
0x9f: {  	s4 =	ssub.s32 $0x0, s20;
	[sflag:s22] =	ssyncset.done $0x0  }
0xa0: {  	[sflag:s22] =	ssyncadd.s32 s4;
	_ =	sdelay $0x1  }
0xa1: {  	s23 =	simm.s32 $0x1B8B  }
0xa2: {  	_ =	swait.ge [sflag:s23], $0x1  }
0xa3: {  	[sflag:s23] =	ssyncset.done $0x0  }
0xa4: {  	s25 =	simm.s32 $0x1B8E;
	s24 =	sld [smem:$0x3FFE];
	[sflag:s23] =	ssyncadd.s32 $0xFFFFFFFF  }
0xa5: {  	s26 =	simm.s32 $execute0_lowered;
	[smem:$0x3FD2] =	sst s25  }
0xa6: {  	s5 =	sshll.u32 s26, $0x1;
	_ =	strace $0x80000046;
	[dreg:$0x1] =	wrdreg $0xFFFFFFFF  }
0xa7: {  	s28 =	simm.s32 $_size_execute0_lowered;
	s3 =	sadd.s32 s3, s5;
	[dreg:$0x0] =	wrdreg $0x0  }
0xa8: {  	s5 =	sshll.u32 s28, $0x1;
	[dreg:$0x2] =	wrdreg s3  }
0xa9: {  	[dreg:$0x3] =	wrdreg s5  }
0xaa: {  	[dreg:$0x4] =	wrdreg $0xC0  }
0xab: {  	_ =	task [dreg:s7], $0x5FFFF  }
0xac: {  	[dreg:$0x1] =	wrdreg $0xFFFFFFFF  }
0xad: {  	[dreg:$0x0] =	wrdreg $0x60  }
0xae: {  	[dreg:$0x2] =	wrdreg s24  }
0xaf: {  	[dreg:$0x3] =	wrdreg s2  }
0xb0: {  	[dreg:$0x4] =	wrdreg $0xA  }
0xb1: {  	_ =	task.clear_ibuf [dreg:s7], $0x5FFFF;
	_ =	strace $0x90000046  }
0xb2: {  	s29 =	simm.s32 $0xA;
	_ =	strace $0x80000048  }
0xb3: {  	_ =	swait.ge [sflag:s29], $0x1  }
0xb4: {  	[sflag:s29] =	ssyncadd.s32 $0xFFFFFFFF  }
0xb5: {  	_ =	strace $0x90000048  }
0xb6: {  	_ =	sfence  }
0xb7: {  	s30 =	sld [smem:$0x0];
	_ =	sdelay $0x2  }
0xb8: {  	s31 =	sshll.u32 s1, $0xD;
	s1 =	sshrl.u32 s1, $0x2  }
0xb9: {  	s3 =	sand.u32 $0x4000, s31;
	s1 =	sadd.s32 s1, s30  }
0xba: {  	s0 =	sor.u32 s3, s0;
	s1 =	sshll.u32 s1, $0x11  }
0xbb: {  	s0 =	sor.u32 s1, s0  }
0xbc: {  	s0 =	sadd.s32 $0x8F2B, s0  }
0xbd: {  	[sflag:s0] =	ssyncadd.remote.s32 $0x1  }
0xbe: {  	_ =	sfence.sel $0xFFFF  }
0xbf: {  	[dreg:$0x0] =	wrdreg $0xFFFFFFFF;
	(pc) =	sbr.abs _section_cstart, $3  }
0xc0: {  	[dreg:$0x1] =	wrdreg $0xFFFFFFFF  }
0xc1: {  	_ =	task.clear_ibuf [dreg:s7], $0x2FFFF;
	_ =	strace $0x9FFFFFFF  }
0xc2: {  	(tm) =	ssettm $0x7FFFFFFF  }
0xc3: {  	_ =	shalt  }
tec
execute0_lowered:
.L_overlay_start_1:
0x0: {  	(tag) =	ssettag $0x1  }
0x1: {  	s5 =	rddreg [dreg:$0x0]  }
0x2: {  	s1 =	srdreg.scid;
	s7 =	rddreg [dreg:$0x1]  }
0x3: {  	s2 =	simm.s32 $0x0;
	s4 =	sand.u32 $0x1, s1;
	s1 =	rddreg [dreg:$0x2]  }
0x4: {  	s14 =	simm.s32 $0x2E00;
	[smem:$0x7FF] =	sst s2  }
0x5: {  	s15 =	simm.s32 $0x3E00;
	_ =	strace $0x80000047;
	[dreg:$0x5] =	wrdreg s14  }
0x6: {  	s16 =	simm.s32 $0x4E00;
	[dreg:$0x6] =	wrdreg s15  }
0x7: {  	s17 =	simm.s32 $0x5E00;
	[dreg:$0x7] =	wrdreg s16  }
0x8: {  	s19 =	simm.s32 $0x6E00;
	[dreg:$0x8] =	wrdreg s17  }
0x9: {  	s21 =	simm.s32 $0x7E00;
	[dreg:$0x9] =	wrdreg s19  }
0xa: {  	s23 =	simm.s32 $0x8E00;
	[dreg:$0xa] =	wrdreg s21  }
0xb: {  	s0 =	stileid.u32;
	s24 =	simm.s32 $0x9E00;
	[dreg:$0xb] =	wrdreg s23  }
0xc: {  	s25 =	simm.s32 $0xAE00;
	s26 =	simm.s32 $0xCE00;
	[dreg:$0xc] =	wrdreg s24  }
0xd: {  	s28 =	simm.s32 $0xDE00;
	s29 =	simm.s32 $0xEE00;
	[dreg:$0xd] =	wrdreg s25  }
0xe: {  	s30 =	simm.s32 $0xFE00;
	s31 =	simm.s32 $0x10E00;
	[dreg:$0xe] =	wrdreg s26  }
0xf: {  	s11 =	simm.s32 $0x11E00;
	s3 =	smul.u32 $0x3C00, s0;
	[dreg:$0xf] =	wrdreg s28  }
0x10: {  	s10 =	simm.s32 $0xBE00;
	s8 =	smul.u32 $0xF000, s0;
	[dreg:$0x10] =	wrdreg s29  }
0x11: {  	s12 =	sadd.s32 $0xA00, s5;
	s6 =	smul.u32 $0x1E00, s4;
	[dreg:$0x11] =	wrdreg s30  }
0x12: {  	s22 =	sshll.u32 s0, $0x1;
	s9 =	smul.u32 $0x7800, s4;
	[dreg:$0x12] =	wrdreg s31  }
0x13: {  	s18 =	ssub.s32 $0x2, s4;
	s4 =	sor.u32 s4, s22;
	[dreg:$0x13] =	wrdreg s11  }
0x14: {  	s11 =	simm.s32 $0x12E00;
	s14 =	simm.s32 $0x2;
	s15 =	simm.s32 $0x3  }
0x15: {  	s16 =	simm.s32 $0x0;
	s20 =	sshrl.u32 s18, $0x1;
	s4 =	smul.u32 $0x3C0, s4  }
0x16: {  	s3 =	sadd.s32 s6, s3;
	s6 =	sadd.s32 s8, s12;
	s8 =	simm.s32 $0x1E00  }
0x17: {  	s3 =	sshll.u32 s3, $0x2;
	s13 =	sadd.s32 s9, s6;
	s6 =	ssub.s32 s18, s20  }
0x18: {  	s4 =	sadd.s32 s7, s4;
	s7 =	simm.s32 $0x80;
	s3 =	sadd.s32 s12, s3  }
0x19: {  	s9 =	simm.s32 $0x1;
	[dreg:$0x4] =	wrdreg s13;
	s3 =	sadd.s32 $0x1400, s3  }
0x1a: {  	s12 =	simm.s32 $0x13E00;
	s13 =	simm.s32 $0x14E00;
	[dreg:$0x3] =	wrdreg s3  }
0x1b: {  	s3 =	sadd.s32 $0x187400, s5;
	s5 =	smax.u32 s6, $0x1;
	s6 =	simm.s32 $0x4  }
.LBB2_1:
0x1c: {  	[tilespmem:s2], [sflag:$0x4] =	stream.linear.gather [hbm4b:s4+s2], $0x1E00, $0x38;
	[tilespmem:$0x15E00] =	vst v63  }
0x1d: {  	_ =	swait.ge [sflag:s6], $0x1E00  }
0x1e: {  	p0 =	por $0x1, $0x1;
	[sflag:s6] =	ssyncset.done $0x0  }
0x1f: {  	s17 =	simm.s32 @!p0 $0x2;
	[sflag:s6] =	ssyncadd.s32 $0xFFFFE200  }
0x20: {  	_ =	swait.ge @!p0 [sflag:s17], $0xA000  }
0x21: {  	[sflag:s17] =	ssyncset.done @!p0 $0x0  }
0x22: {  	s21 =	simm.s32 $0x0;
	[sflag:s17] =	ssyncadd.s32 @!p0 $0xFFFF6000  }
0x23: {  	[tilespmem:s8], [sflag:$0x1] =	stream.indirect.gather [hbm4b:s3+s7], $0x20, s21, s7, $0xb8;
	[tilespmem:$0x15E00] =	vst v63  }
0x24: {  	s22 =	simm.s32 $0x80;
	s18 =	rddreg [dreg:$0x5]  }
0x25: {  	[tilespmem:s18], [sflag:$0x1] =	stream.indirect.gather [hbm4b:s3+s7], $0x20, s22, s7, $0xb8;
	[tilespmem:$0x15E00] =	vst v63  }
0x26: {  	s23 =	simm.s32 $0x100;
	s19 =	rddreg [dreg:$0x6]  }
0x27: {  	[tilespmem:s19], [sflag:$0x1] =	stream.indirect.gather [hbm4b:s3+s7], $0x20, s23, s7, $0xb8;
	[tilespmem:$0x15E00] =	vst v63  }
0x28: {  	s25 =	simm.s32 $0x180;
	s24 =	rddreg [dreg:$0x7]  }
0x29: {  	[tilespmem:s24], [sflag:$0x1] =	stream.indirect.gather [hbm4b:s3+s7], $0x20, s25, s7, $0xb8;
	[tilespmem:$0x15E00] =	vst v63  }
0x2a: {  	s28 =	simm.s32 $0x200;
	s26 =	rddreg [dreg:$0x8]  }
0x2b: {  	[tilespmem:s26], [sflag:$0x1] =	stream.indirect.gather [hbm4b:s3+s7], $0x20, s28, s7, $0xb8;
	[tilespmem:$0x15E00] =	vst v63  }
0x2c: {  	s30 =	simm.s32 $0x280;
	s29 =	rddreg [dreg:$0x9]  }
0x2d: {  	[tilespmem:s29], [sflag:$0x1] =	stream.indirect.gather [hbm4b:s3+s7], $0x20, s30, s7, $0xb8;
	[tilespmem:$0x15E00] =	vst v63  }
0x2e: {  	s31 =	rddreg [dreg:$0xa];
	s18 =	simm.s32 $0x300  }
0x2f: {  	[tilespmem:s31], [sflag:$0x1] =	stream.indirect.gather [hbm4b:s3+s7], $0x20, s18, s7, $0xb8;
	[tilespmem:$0x15E00] =	vst v63  }
0x30: {  	s20 =	rddreg [dreg:$0xb];
	s21 =	simm.s32 $0x380  }
0x31: {  	[tilespmem:s20], [sflag:$0x1] =	stream.indirect.gather [hbm4b:s3+s7], $0x20, s21, s7, $0xb8;
	[tilespmem:$0x15E00] =	vst v63  }
0x32: {  	s22 =	rddreg [dreg:$0xc];
	s23 =	simm.s32 $0x400  }
0x33: {  	[tilespmem:s22], [sflag:$0x1] =	stream.indirect.gather [hbm4b:s3+s7], $0x20, s23, s7, $0xb8;
	[tilespmem:$0x15E00] =	vst v63  }
0x34: {  	s24 =	rddreg [dreg:$0xd];
	s25 =	simm.s32 $0x480  }
0x35: {  	[tilespmem:s24], [sflag:$0x1] =	stream.indirect.gather [hbm4b:s3+s7], $0x20, s25, s7, $0xb8;
	[tilespmem:$0x15E00] =	vst v63  }
0x36: {  	_ =	swait.ge [sflag:s9], $0x1000  }
0x37: {  	[sflag:s9] =	ssyncset.done $0x0  }
0x38: {  	[sflag:s9] =	ssyncadd.s32 $0xFFFFF000  }
0x39: {  	_ =	swait.ge [sflag:s9], $0x1000  }
0x3a: {  	[sflag:s9] =	ssyncset.done $0x0  }
0x3b: {  	[sflag:s9] =	ssyncadd.s32 $0xFFFFF000  }
0x3c: {  	_ =	swait.ge [sflag:s9], $0x1000  }
0x3d: {  	[sflag:s9] =	ssyncset.done $0x0  }
0x3e: {  	[sflag:s9] =	ssyncadd.s32 $0xFFFFF000  }
0x3f: {  	_ =	swait.ge [sflag:s9], $0x1000  }
0x40: {  	[sflag:s9] =	ssyncset.done $0x0  }
0x41: {  	[sflag:s9] =	ssyncadd.s32 $0xFFFFF000  }
0x42: {  	_ =	swait.ge [sflag:s9], $0x1000  }
0x43: {  	[sflag:s9] =	ssyncset.done $0x0  }
0x44: {  	[sflag:s9] =	ssyncadd.s32 $0xFFFFF000  }
0x45: {  	_ =	swait.ge [sflag:s9], $0x1000  }
0x46: {  	[sflag:s9] =	ssyncset.done $0x0  }
0x47: {  	[sflag:s9] =	ssyncadd.s32 $0xFFFFF000  }
0x48: {  	_ =	swait.ge [sflag:s9], $0x1000  }
0x49: {  	[sflag:s9] =	ssyncset.done $0x0  }
0x4a: {  	[sflag:s9] =	ssyncadd.s32 $0xFFFFF000  }
0x4b: {  	_ =	swait.ge [sflag:s9], $0x1000  }
0x4c: {  	[sflag:s9] =	ssyncset.done $0x0  }
0x4d: {  	[sflag:s9] =	ssyncadd.s32 $0xFFFFF000  }
0x4e: {  	_ =	swait.ge [sflag:s9], $0x1000  }
0x4f: {  	[sflag:s9] =	ssyncset.done $0x0  }
0x50: {  	[sflag:s9] =	ssyncadd.s32 $0xFFFFF000  }
0x51: {  	_ =	swait.ge [sflag:s9], $0x1000  }
0x52: {  	s26 =	rddreg [dreg:$0x4];
	[sflag:s9] =	ssyncset.done $0x0  }
0x53: {  	s18 =	simm.s32 @!p0 $0x3;
	[sflag:s9] =	ssyncadd.s32 $0xFFFFF000;
	s17 =	sadd.s32 $0x0, s26  }
0x54: {  	[hbm4b:s17+s2] =	stream.linear.scatter [tilespmem:s8], [sflag:$0x2], $0xA000, $0x38;
	[tilespmem:$0x15E00] =	vst v63  }
0x55: {  	_ =	swait.ge @!p0 [sflag:s18], $0xA000  }
0x56: {  	[sflag:s18] =	ssyncset.done @!p0 $0x0  }
0x57: {  	s28 =	simm.s32 $0x500;
	[sflag:s18] =	ssyncadd.s32 @!p0 $0xFFFF6000  }
0x58: {  	[tilespmem:s10], [sflag:$0x1] =	stream.indirect.gather [hbm4b:s3+s7], $0x20, s28, s7, $0xb8;
	[tilespmem:$0x15E00] =	vst v63  }
0x59: {  	s30 =	simm.s32 $0x580;
	s29 =	rddreg [dreg:$0xe]  }
0x5a: {  	[tilespmem:s29], [sflag:$0x1] =	stream.indirect.gather [hbm4b:s3+s7], $0x20, s30, s7, $0xb8;
	[tilespmem:$0x15E00] =	vst v63  }
0x5b: {  	s31 =	rddreg [dreg:$0xf];
	s18 =	simm.s32 $0x600  }
0x5c: {  	[tilespmem:s31], [sflag:$0x1] =	stream.indirect.gather [hbm4b:s3+s7], $0x20, s18, s7, $0xb8;
	[tilespmem:$0x15E00] =	vst v63  }
0x5d: {  	s21 =	simm.s32 $0x680;
	s20 =	rddreg [dreg:$0x10]  }
0x5e: {  	[tilespmem:s20], [sflag:$0x1] =	stream.indirect.gather [hbm4b:s3+s7], $0x20, s21, s7, $0xb8;
	[tilespmem:$0x15E00] =	vst v63  }
0x5f: {  	s23 =	simm.s32 $0x700;
	s22 =	rddreg [dreg:$0x11]  }
0x60: {  	[tilespmem:s22], [sflag:$0x1] =	stream.indirect.gather [hbm4b:s3+s7], $0x20, s23, s7, $0xb8;
	[tilespmem:$0x15E00] =	vst v63  }
0x61: {  	s25 =	simm.s32 $0x780;
	s24 =	rddreg [dreg:$0x12]  }
0x62: {  	[tilespmem:s24], [sflag:$0x1] =	stream.indirect.gather [hbm4b:s3+s7], $0x20, s25, s7, $0xb8;
	[tilespmem:$0x15E00] =	vst v63  }
0x63: {  	s26 =	rddreg [dreg:$0x13];
	s28 =	simm.s32 $0x800  }
0x64: {  	[tilespmem:s26], [sflag:$0x1] =	stream.indirect.gather [hbm4b:s3+s7], $0x20, s28, s7, $0xb8;
	[tilespmem:$0x15E00] =	vst v63  }
0x65: {  	s29 =	simm.s32 $0x880  }
0x66: {  	[tilespmem:s11], [sflag:$0x1] =	stream.indirect.gather [hbm4b:s3+s7], $0x20, s29, s7, $0xb8;
	[tilespmem:$0x15E00] =	vst v63  }
0x67: {  	s30 =	simm.s32 $0x900  }
0x68: {  	[tilespmem:s12], [sflag:$0x1] =	stream.indirect.gather [hbm4b:s3+s7], $0x20, s30, s7, $0xb8;
	[tilespmem:$0x15E00] =	vst v63  }
0x69: {  	s31 =	simm.s32 $0x980  }
0x6a: {  	[tilespmem:s13], [sflag:$0x1] =	stream.indirect.gather [hbm4b:s3+s7], $0x20, s31, s7, $0xb8;
	[tilespmem:$0x15E00] =	vst v63  }
0x6b: {  	_ =	swait.ge [sflag:s9], $0x1000  }
0x6c: {  	[sflag:s9] =	ssyncset.done $0x0  }
0x6d: {  	[sflag:s9] =	ssyncadd.s32 $0xFFFFF000  }
0x6e: {  	_ =	swait.ge [sflag:s9], $0x1000  }
0x6f: {  	[sflag:s9] =	ssyncset.done $0x0  }
0x70: {  	[sflag:s9] =	ssyncadd.s32 $0xFFFFF000  }
0x71: {  	_ =	swait.ge [sflag:s9], $0x1000  }
0x72: {  	[sflag:s9] =	ssyncset.done $0x0  }
0x73: {  	[sflag:s9] =	ssyncadd.s32 $0xFFFFF000  }
0x74: {  	_ =	swait.ge [sflag:s9], $0x1000  }
0x75: {  	[sflag:s9] =	ssyncset.done $0x0  }
0x76: {  	[sflag:s9] =	ssyncadd.s32 $0xFFFFF000  }
0x77: {  	_ =	swait.ge [sflag:s9], $0x1000  }
0x78: {  	[sflag:s9] =	ssyncset.done $0x0  }
0x79: {  	[sflag:s9] =	ssyncadd.s32 $0xFFFFF000  }
0x7a: {  	_ =	swait.ge [sflag:s9], $0x1000  }
0x7b: {  	[sflag:s9] =	ssyncset.done $0x0  }
0x7c: {  	[sflag:s9] =	ssyncadd.s32 $0xFFFFF000  }
0x7d: {  	_ =	swait.ge [sflag:s9], $0x1000  }
0x7e: {  	[sflag:s9] =	ssyncset.done $0x0  }
0x7f: {  	[sflag:s9] =	ssyncadd.s32 $0xFFFFF000  }
0x80: {  	_ =	swait.ge [sflag:s9], $0x1000  }
0x81: {  	[sflag:s9] =	ssyncset.done $0x0  }
0x82: {  	[sflag:s9] =	ssyncadd.s32 $0xFFFFF000  }
0x83: {  	_ =	swait.ge [sflag:s9], $0x1000  }
0x84: {  	[sflag:s9] =	ssyncset.done $0x0  }
0x85: {  	[sflag:s9] =	ssyncadd.s32 $0xFFFFF000  }
0x86: {  	p1 =	por $0x0, $0x0;
	_ =	swait.ge [sflag:s9], $0x1000  }
0x87: {  	s19 =	simm.s32 $0x0;
	s17 =	simm.s32 $0x2800;
	[sflag:s9] =	ssyncset.done $0x0  }
0x88: {  	s18 =	simm.s32 $0x5000;
	s20 =	rddreg [dreg:$0x3];
	[sflag:s9] =	ssyncadd.s32 $0xFFFFF000  }
.LBB2_2:
0x89: {  	s21 =	simm.s32 @!p1 $0x2;
	s20 =	sadd.s32 s19, s20  }
0x8a: {  	[hbm4b:s20+s2] =	stream.linear.scatter [tilespmem:s10], [sflag:$0x3], $0xA000, $0x38;
	[tilespmem:$0x15E00] =	vst v63  }
0x8b: {  	_ =	swait.ge @!p1 [sflag:s21], $0xA000  }
0x8c: {  	s19 =	smov.u32 s17;
	[sflag:s21] =	ssyncset.done @!p1 $0x0  }
0x8d: {  	s20 =	sshra.s32 s19, $0x2;
	[sflag:s21] =	ssyncadd.s32 @!p1 $0xFFFF6000  }
0x8e: {  	[tilespmem:s8], [sflag:$0x1] =	stream.indirect.gather [hbm4b:s3+s7], $0x20, s20, s7, $0xb8;
	[tilespmem:$0x15E00] =	vst v63  }
0x8f: {  	s22 =	sadd.s32 $0x80, s20;
	s31 =	rddreg [dreg:$0x5]  }
0x90: {  	[tilespmem:s31], [sflag:$0x1] =	stream.indirect.gather [hbm4b:s3+s7], $0x20, s22, s7, $0xb8;
	[tilespmem:$0x15E00] =	vst v63  }
0x91: {  	s23 =	rddreg [dreg:$0x6];
	s22 =	sadd.s32 $0x100, s20  }
0x92: {  	[tilespmem:s23], [sflag:$0x1] =	stream.indirect.gather [hbm4b:s3+s7], $0x20, s22, s7, $0xb8;
	[tilespmem:$0x15E00] =	vst v63  }
0x93: {  	s25 =	sadd.s32 $0x180, s20;
	s24 =	rddreg [dreg:$0x7]  }
0x94: {  	[tilespmem:s24], [sflag:$0x1] =	stream.indirect.gather [hbm4b:s3+s7], $0x20, s25, s7, $0xb8;
	[tilespmem:$0x15E00] =	vst v63  }
0x95: {  	s28 =	sadd.s32 $0x200, s20;
	s26 =	rddreg [dreg:$0x8]  }
0x96: {  	[tilespmem:s26], [sflag:$0x1] =	stream.indirect.gather [hbm4b:s3+s7], $0x20, s28, s7, $0xb8;
	[tilespmem:$0x15E00] =	vst v63  }
0x97: {  	s30 =	sadd.s32 $0x280, s20;
	s29 =	rddreg [dreg:$0x9]  }
0x98: {  	[tilespmem:s29], [sflag:$0x1] =	stream.indirect.gather [hbm4b:s3+s7], $0x20, s30, s7, $0xb8;
	[tilespmem:$0x15E00] =	vst v63  }
0x99: {  	s31 =	rddreg [dreg:$0xa];
	s24 =	sadd.s32 $0x300, s20  }
0x9a: {  	[tilespmem:s31], [sflag:$0x1] =	stream.indirect.gather [hbm4b:s3+s7], $0x20, s24, s7, $0xb8;
	[tilespmem:$0x15E00] =	vst v63  }
0x9b: {  	s25 =	rddreg [dreg:$0xb];
	s26 =	sadd.s32 $0x380, s20  }
0x9c: {  	[tilespmem:s25], [sflag:$0x1] =	stream.indirect.gather [hbm4b:s3+s7], $0x20, s26, s7, $0xb8;
	[tilespmem:$0x15E00] =	vst v63  }
0x9d: {  	s28 =	rddreg [dreg:$0xc];
	s29 =	sadd.s32 $0x400, s20  }
0x9e: {  	[tilespmem:s28], [sflag:$0x1] =	stream.indirect.gather [hbm4b:s3+s7], $0x20, s29, s7, $0xb8;
	[tilespmem:$0x15E00] =	vst v63  }
0x9f: {  	s30 =	rddreg [dreg:$0xd];
	s31 =	sadd.s32 $0x480, s20  }
0xa0: {  	[tilespmem:s30], [sflag:$0x1] =	stream.indirect.gather [hbm4b:s3+s7], $0x20, s31, s7, $0xb8;
	[tilespmem:$0x15E00] =	vst v63  }
0xa1: {  	_ =	swait.ge [sflag:s9], $0x1000  }
0xa2: {  	[sflag:s9] =	ssyncset.done $0x0  }
0xa3: {  	[sflag:s9] =	ssyncadd.s32 $0xFFFFF000  }
0xa4: {  	_ =	swait.ge [sflag:s9], $0x1000  }
0xa5: {  	[sflag:s9] =	ssyncset.done $0x0  }
0xa6: {  	[sflag:s9] =	ssyncadd.s32 $0xFFFFF000  }
0xa7: {  	_ =	swait.ge [sflag:s9], $0x1000  }
0xa8: {  	[sflag:s9] =	ssyncset.done $0x0  }
0xa9: {  	[sflag:s9] =	ssyncadd.s32 $0xFFFFF000  }
0xaa: {  	_ =	swait.ge [sflag:s9], $0x1000  }
0xab: {  	[sflag:s9] =	ssyncset.done $0x0  }
0xac: {  	[sflag:s9] =	ssyncadd.s32 $0xFFFFF000  }
0xad: {  	_ =	swait.ge [sflag:s9], $0x1000  }
0xae: {  	[sflag:s9] =	ssyncset.done $0x0  }
0xaf: {  	[sflag:s9] =	ssyncadd.s32 $0xFFFFF000  }
0xb0: {  	_ =	swait.ge [sflag:s9], $0x1000  }
0xb1: {  	[sflag:s9] =	ssyncset.done $0x0  }
0xb2: {  	[sflag:s9] =	ssyncadd.s32 $0xFFFFF000  }
0xb3: {  	_ =	swait.ge [sflag:s9], $0x1000  }
0xb4: {  	[sflag:s9] =	ssyncset.done $0x0  }
0xb5: {  	[sflag:s9] =	ssyncadd.s32 $0xFFFFF000  }
0xb6: {  	_ =	swait.ge [sflag:s9], $0x1000  }
0xb7: {  	[sflag:s9] =	ssyncset.done $0x0  }
0xb8: {  	[sflag:s9] =	ssyncadd.s32 $0xFFFFF000  }
0xb9: {  	_ =	swait.ge [sflag:s9], $0x1000  }
0xba: {  	[sflag:s9] =	ssyncset.done $0x0  }
0xbb: {  	[sflag:s9] =	ssyncadd.s32 $0xFFFFF000  }
0xbc: {  	_ =	swait.ge [sflag:s9], $0x1000  }
0xbd: {  	s22 =	rddreg [dreg:$0x4];
	[sflag:s9] =	ssyncset.done $0x0  }
0xbe: {  	[sflag:s9] =	ssyncadd.s32 $0xFFFFF000;
	s21 =	sadd.s32 s19, s22;
	s22 =	simm.s32 @!p1 $0x3  }
0xbf: {  	[hbm4b:s21+s2] =	stream.linear.scatter [tilespmem:s8], [sflag:$0x2], $0xA000, $0x38;
	[tilespmem:$0x15E00] =	vst v63  }
0xc0: {  	_ =	swait.ge @!p1 [sflag:s22], $0xA000  }
0xc1: {  	[sflag:s22] =	ssyncset.done @!p1 $0x0  }
0xc2: {  	s23 =	sadd.s32 $0x500, s20;
	[sflag:s22] =	ssyncadd.s32 @!p1 $0xFFFF6000  }
0xc3: {  	[tilespmem:s10], [sflag:$0x1] =	stream.indirect.gather [hbm4b:s3+s7], $0x20, s23, s7, $0xb8;
	[tilespmem:$0x15E00] =	vst v63  }
0xc4: {  	s25 =	sadd.s32 $0x580, s20;
	s24 =	rddreg [dreg:$0xe]  }
0xc5: {  	[tilespmem:s24], [sflag:$0x1] =	stream.indirect.gather [hbm4b:s3+s7], $0x20, s25, s7, $0xb8;
	[tilespmem:$0x15E00] =	vst v63  }
0xc6: {  	s28 =	sadd.s32 $0x600, s20;
	s26 =	rddreg [dreg:$0xf]  }
0xc7: {  	[tilespmem:s26], [sflag:$0x1] =	stream.indirect.gather [hbm4b:s3+s7], $0x20, s28, s7, $0xb8;
	[tilespmem:$0x15E00] =	vst v63  }
0xc8: {  	s30 =	sadd.s32 $0x680, s20;
	s29 =	rddreg [dreg:$0x10]  }
0xc9: {  	[tilespmem:s29], [sflag:$0x1] =	stream.indirect.gather [hbm4b:s3+s7], $0x20, s30, s7, $0xb8;
	[tilespmem:$0x15E00] =	vst v63  }
0xca: {  	s31 =	rddreg [dreg:$0x11];
	s24 =	sadd.s32 $0x700, s20  }
0xcb: {  	[tilespmem:s31], [sflag:$0x1] =	stream.indirect.gather [hbm4b:s3+s7], $0x20, s24, s7, $0xb8;
	[tilespmem:$0x15E00] =	vst v63  }
0xcc: {  	s25 =	rddreg [dreg:$0x12];
	s26 =	sadd.s32 $0x780, s20  }
0xcd: {  	[tilespmem:s25], [sflag:$0x1] =	stream.indirect.gather [hbm4b:s3+s7], $0x20, s26, s7, $0xb8;
	[tilespmem:$0x15E00] =	vst v63  }
0xce: {  	s28 =	rddreg [dreg:$0x13];
	s29 =	sadd.s32 $0x800, s20  }
0xcf: {  	[tilespmem:s28], [sflag:$0x1] =	stream.indirect.gather [hbm4b:s3+s7], $0x20, s29, s7, $0xb8;
	[tilespmem:$0x15E00] =	vst v63  }
0xd0: {  	s30 =	sadd.s32 $0x880, s20  }
0xd1: {  	[tilespmem:s11], [sflag:$0x1] =	stream.indirect.gather [hbm4b:s3+s7], $0x20, s30, s7, $0xb8;
	[tilespmem:$0x15E00] =	vst v63  }
0xd2: {  	s31 =	sadd.s32 $0x900, s20  }
0xd3: {  	[tilespmem:s12], [sflag:$0x1] =	stream.indirect.gather [hbm4b:s3+s7], $0x20, s31, s7, $0xb8;
	[tilespmem:$0x15E00] =	vst v63  }
0xd4: {  	s20 =	sadd.s32 $0x980, s20  }
0xd5: {  	[tilespmem:s13], [sflag:$0x1] =	stream.indirect.gather [hbm4b:s3+s7], $0x20, s20, s7, $0xb8;
	[tilespmem:$0x15E00] =	vst v63  }
0xd6: {  	_ =	swait.ge [sflag:s9], $0x1000  }
0xd7: {  	[sflag:s9] =	ssyncset.done $0x0  }
0xd8: {  	[sflag:s9] =	ssyncadd.s32 $0xFFFFF000  }
0xd9: {  	_ =	swait.ge [sflag:s9], $0x1000  }
0xda: {  	[sflag:s9] =	ssyncset.done $0x0  }
0xdb: {  	[sflag:s9] =	ssyncadd.s32 $0xFFFFF000  }
0xdc: {  	_ =	swait.ge [sflag:s9], $0x1000  }
0xdd: {  	[sflag:s9] =	ssyncset.done $0x0  }
0xde: {  	[sflag:s9] =	ssyncadd.s32 $0xFFFFF000  }
0xdf: {  	_ =	swait.ge [sflag:s9], $0x1000  }
0xe0: {  	[sflag:s9] =	ssyncset.done $0x0  }
0xe1: {  	[sflag:s9] =	ssyncadd.s32 $0xFFFFF000  }
0xe2: {  	_ =	swait.ge [sflag:s9], $0x1000  }
0xe3: {  	[sflag:s9] =	ssyncset.done $0x0  }
0xe4: {  	[sflag:s9] =	ssyncadd.s32 $0xFFFFF000  }
0xe5: {  	_ =	swait.ge [sflag:s9], $0x1000  }
0xe6: {  	[sflag:s9] =	ssyncset.done $0x0  }
0xe7: {  	[sflag:s9] =	ssyncadd.s32 $0xFFFFF000  }
0xe8: {  	_ =	swait.ge [sflag:s9], $0x1000  }
0xe9: {  	[sflag:s9] =	ssyncset.done $0x0  }
0xea: {  	[sflag:s9] =	ssyncadd.s32 $0xFFFFF000  }
0xeb: {  	_ =	swait.ge [sflag:s9], $0x1000  }
0xec: {  	[sflag:s9] =	ssyncset.done $0x0  }
0xed: {  	s17 =	smov.u32 s18;
	s18 =	sadd.s32 $0x2800, s18;
	[sflag:s9] =	ssyncadd.s32 $0xFFFFF000  }
0xee: {  	p0 =	sne.s32 s18, $0x7800;
	_ =	swait.ge [sflag:s9], $0x1000  }
.Ltmp0:
0xef: {  	[sflag:s9] =	ssyncset.done $0x0;
	(pc) =	sbr.rel @p0 .LBB2_2-.Ltmp0, $4  }
0xf0: {  	[sflag:s9] =	ssyncadd.s32 $0xFFFFF000  }
0xf1: {  	_ =	swait.ge [sflag:s9], $0x1000  }
0xf2: {  	[sflag:s9] =	ssyncset.done $0x0  }
0xf3: {  	p1 =	seq.s32 s17, $0x0;
	s20 =	rddreg [dreg:$0x3];
	[sflag:s9] =	ssyncadd.s32 $0xFFFFF000  }
0xf4: {  	s18 =	simm.s32 @!p1 $0x2;
	s19 =	sadd.s32 s19, s20  }
0xf5: {  	[hbm4b:s19+s2] =	stream.linear.scatter [tilespmem:s10], [sflag:$0x3], $0xA000, $0x38;
	[tilespmem:$0x15E00] =	vst v63  }
0xf6: {  	_ =	swait.ge @!p1 [sflag:s18], $0xA000  }
0xf7: {  	[sflag:s18] =	ssyncset.done @!p1 $0x0  }
0xf8: {  	[sflag:s18] =	ssyncadd.s32 @!p1 $0xFFFF6000;
	s18 =	sshra.s32 s17, $0x2  }
0xf9: {  	[tilespmem:s8], [sflag:$0x1] =	stream.indirect.gather [hbm4b:s3+s7], $0x20, s18, s7, $0xb8;
	[tilespmem:$0x15E00] =	vst v63  }
0xfa: {  	s25 =	rddreg [dreg:$0x5];
	s26 =	sadd.s32 $0x80, s18  }
0xfb: {  	[tilespmem:s25], [sflag:$0x1] =	stream.indirect.gather [hbm4b:s3+s7], $0x20, s26, s7, $0xb8;
	[tilespmem:$0x15E00] =	vst v63  }
0xfc: {  	s21 =	rddreg [dreg:$0x6];
	s28 =	sadd.s32 $0x100, s18  }
0xfd: {  	[tilespmem:s21], [sflag:$0x1] =	stream.indirect.gather [hbm4b:s3+s7], $0x20, s28, s7, $0xb8;
	[tilespmem:$0x15E00] =	vst v63  }
0xfe: {  	s29 =	rddreg [dreg:$0x7];
	s30 =	sadd.s32 $0x180, s18  }
0xff: {  	[tilespmem:s29], [sflag:$0x1] =	stream.indirect.gather [hbm4b:s3+s7], $0x20, s30, s7, $0xb8;
	[tilespmem:$0x15E00] =	vst v63  }
0x100: {  	s31 =	rddreg [dreg:$0x8];
	s20 =	sadd.s32 $0x200, s18  }
0x101: {  	[tilespmem:s31], [sflag:$0x1] =	stream.indirect.gather [hbm4b:s3+s7], $0x20, s20, s7, $0xb8;
	[tilespmem:$0x15E00] =	vst v63  }
0x102: {  	s22 =	rddreg [dreg:$0x9];
	s23 =	sadd.s32 $0x280, s18  }
0x103: {  	[tilespmem:s22], [sflag:$0x1] =	stream.indirect.gather [hbm4b:s3+s7], $0x20, s23, s7, $0xb8;
	[tilespmem:$0x15E00] =	vst v63  }
0x104: {  	s24 =	rddreg [dreg:$0xa];
	s25 =	sadd.s32 $0x300, s18  }
0x105: {  	[tilespmem:s24], [sflag:$0x1] =	stream.indirect.gather [hbm4b:s3+s7], $0x20, s25, s7, $0xb8;
	[tilespmem:$0x15E00] =	vst v63  }
0x106: {  	s26 =	rddreg [dreg:$0xb];
	s28 =	sadd.s32 $0x380, s18  }
0x107: {  	[tilespmem:s26], [sflag:$0x1] =	stream.indirect.gather [hbm4b:s3+s7], $0x20, s28, s7, $0xb8;
	[tilespmem:$0x15E00] =	vst v63  }
0x108: {  	s29 =	rddreg [dreg:$0xc];
	s30 =	sadd.s32 $0x400, s18  }
0x109: {  	[tilespmem:s29], [sflag:$0x1] =	stream.indirect.gather [hbm4b:s3+s7], $0x20, s30, s7, $0xb8;
	[tilespmem:$0x15E00] =	vst v63  }
0x10a: {  	s21 =	sadd.s32 $0x480, s18;
	s31 =	rddreg [dreg:$0xd]  }
0x10b: {  	[tilespmem:s31], [sflag:$0x1] =	stream.indirect.gather [hbm4b:s3+s7], $0x20, s21, s7, $0xb8;
	[tilespmem:$0x15E00] =	vst v63  }
0x10c: {  	_ =	swait.ge [sflag:s9], $0x1000  }
0x10d: {  	[sflag:s9] =	ssyncset.done $0x0  }
0x10e: {  	[sflag:s9] =	ssyncadd.s32 $0xFFFFF000  }
0x10f: {  	_ =	swait.ge [sflag:s9], $0x1000  }
0x110: {  	[sflag:s9] =	ssyncset.done $0x0  }
0x111: {  	[sflag:s9] =	ssyncadd.s32 $0xFFFFF000  }
0x112: {  	_ =	swait.ge [sflag:s9], $0x1000  }
0x113: {  	[sflag:s9] =	ssyncset.done $0x0  }
0x114: {  	[sflag:s9] =	ssyncadd.s32 $0xFFFFF000  }
0x115: {  	_ =	swait.ge [sflag:s9], $0x1000  }
0x116: {  	[sflag:s9] =	ssyncset.done $0x0  }
0x117: {  	[sflag:s9] =	ssyncadd.s32 $0xFFFFF000  }
0x118: {  	_ =	swait.ge [sflag:s9], $0x1000  }
0x119: {  	[sflag:s9] =	ssyncset.done $0x0  }
0x11a: {  	[sflag:s9] =	ssyncadd.s32 $0xFFFFF000  }
0x11b: {  	_ =	swait.ge [sflag:s9], $0x1000  }
0x11c: {  	[sflag:s9] =	ssyncset.done $0x0  }
0x11d: {  	[sflag:s9] =	ssyncadd.s32 $0xFFFFF000  }
0x11e: {  	_ =	swait.ge [sflag:s9], $0x1000  }
0x11f: {  	[sflag:s9] =	ssyncset.done $0x0  }
0x120: {  	[sflag:s9] =	ssyncadd.s32 $0xFFFFF000  }
0x121: {  	_ =	swait.ge [sflag:s9], $0x1000  }
0x122: {  	[sflag:s9] =	ssyncset.done $0x0  }
0x123: {  	[sflag:s9] =	ssyncadd.s32 $0xFFFFF000  }
0x124: {  	_ =	swait.ge [sflag:s9], $0x1000  }
0x125: {  	[sflag:s9] =	ssyncset.done $0x0  }
0x126: {  	[sflag:s9] =	ssyncadd.s32 $0xFFFFF000  }
0x127: {  	_ =	swait.ge [sflag:s9], $0x1000  }
0x128: {  	s22 =	rddreg [dreg:$0x4];
	[sflag:s9] =	ssyncset.done $0x0  }
0x129: {  	s20 =	simm.s32 @!p1 $0x3;
	[sflag:s9] =	ssyncadd.s32 $0xFFFFF000;
	s19 =	sadd.s32 s17, s22  }
0x12a: {  	[hbm4b:s19+s2] =	stream.linear.scatter [tilespmem:s8], [sflag:$0x2], $0xA000, $0x38;
	[tilespmem:$0x15E00] =	vst v63  }
0x12b: {  	_ =	swait.ge @!p1 [sflag:s20], $0xA000  }
0x12c: {  	[sflag:s20] =	ssyncset.done @!p1 $0x0  }
0x12d: {  	s23 =	sadd.s32 $0x500, s18;
	[sflag:s20] =	ssyncadd.s32 @!p1 $0xFFFF6000  }
0x12e: {  	[tilespmem:s10], [sflag:$0x1] =	stream.indirect.gather [hbm4b:s3+s7], $0x20, s23, s7, $0xb8;
	[tilespmem:$0x15E00] =	vst v63  }
0x12f: {  	s25 =	sadd.s32 $0x580, s18;
	s24 =	rddreg [dreg:$0xe]  }
0x130: {  	[tilespmem:s24], [sflag:$0x1] =	stream.indirect.gather [hbm4b:s3+s7], $0x20, s25, s7, $0xb8;
	[tilespmem:$0x15E00] =	vst v63  }
0x131: {  	s28 =	sadd.s32 $0x600, s18;
	s26 =	rddreg [dreg:$0xf]  }
0x132: {  	[tilespmem:s26], [sflag:$0x1] =	stream.indirect.gather [hbm4b:s3+s7], $0x20, s28, s7, $0xb8;
	[tilespmem:$0x15E00] =	vst v63  }
0x133: {  	s30 =	sadd.s32 $0x680, s18;
	s29 =	rddreg [dreg:$0x10]  }
0x134: {  	[tilespmem:s29], [sflag:$0x1] =	stream.indirect.gather [hbm4b:s3+s7], $0x20, s30, s7, $0xb8;
	[tilespmem:$0x15E00] =	vst v63  }
0x135: {  	s22 =	sadd.s32 $0x700, s18;
	s31 =	rddreg [dreg:$0x11]  }
0x136: {  	[tilespmem:s31], [sflag:$0x1] =	stream.indirect.gather [hbm4b:s3+s7], $0x20, s22, s7, $0xb8;
	[tilespmem:$0x15E00] =	vst v63  }
0x137: {  	s23 =	rddreg [dreg:$0x12];
	s24 =	sadd.s32 $0x780, s18  }
0x138: {  	[tilespmem:s23], [sflag:$0x1] =	stream.indirect.gather [hbm4b:s3+s7], $0x20, s24, s7, $0xb8;
	[tilespmem:$0x15E00] =	vst v63  }
0x139: {  	s25 =	rddreg [dreg:$0x13];
	s26 =	sadd.s32 $0x800, s18  }
0x13a: {  	[tilespmem:s25], [sflag:$0x1] =	stream.indirect.gather [hbm4b:s3+s7], $0x20, s26, s7, $0xb8;
	[tilespmem:$0x15E00] =	vst v63  }
0x13b: {  	s28 =	sadd.s32 $0x880, s18  }
0x13c: {  	[tilespmem:s11], [sflag:$0x1] =	stream.indirect.gather [hbm4b:s3+s7], $0x20, s28, s7, $0xb8;
	[tilespmem:$0x15E00] =	vst v63  }
0x13d: {  	s29 =	sadd.s32 $0x900, s18  }
0x13e: {  	[tilespmem:s12], [sflag:$0x1] =	stream.indirect.gather [hbm4b:s3+s7], $0x20, s29, s7, $0xb8;
	[tilespmem:$0x15E00] =	vst v63  }
0x13f: {  	s18 =	sadd.s32 $0x980, s18  }
0x140: {  	[tilespmem:s13], [sflag:$0x1] =	stream.indirect.gather [hbm4b:s3+s7], $0x20, s18, s7, $0xb8;
	[tilespmem:$0x15E00] =	vst v63  }
0x141: {  	_ =	swait.ge [sflag:s9], $0x1000  }
0x142: {  	[sflag:s9] =	ssyncset.done $0x0  }
0x143: {  	[sflag:s9] =	ssyncadd.s32 $0xFFFFF000  }
0x144: {  	_ =	swait.ge [sflag:s9], $0x1000  }
0x145: {  	[sflag:s9] =	ssyncset.done $0x0  }
0x146: {  	[sflag:s9] =	ssyncadd.s32 $0xFFFFF000  }
0x147: {  	_ =	swait.ge [sflag:s9], $0x1000  }
0x148: {  	[sflag:s9] =	ssyncset.done $0x0  }
0x149: {  	[sflag:s9] =	ssyncadd.s32 $0xFFFFF000  }
0x14a: {  	_ =	swait.ge [sflag:s9], $0x1000  }
0x14b: {  	[sflag:s9] =	ssyncset.done $0x0  }
0x14c: {  	[sflag:s9] =	ssyncadd.s32 $0xFFFFF000  }
0x14d: {  	_ =	swait.ge [sflag:s9], $0x1000  }
0x14e: {  	[sflag:s9] =	ssyncset.done $0x0  }
0x14f: {  	[sflag:s9] =	ssyncadd.s32 $0xFFFFF000  }
0x150: {  	_ =	swait.ge [sflag:s9], $0x1000  }
0x151: {  	[sflag:s9] =	ssyncset.done $0x0  }
0x152: {  	[sflag:s9] =	ssyncadd.s32 $0xFFFFF000  }
0x153: {  	_ =	swait.ge [sflag:s9], $0x1000  }
0x154: {  	[sflag:s9] =	ssyncset.done $0x0  }
0x155: {  	[sflag:s9] =	ssyncadd.s32 $0xFFFFF000  }
0x156: {  	_ =	swait.ge [sflag:s9], $0x1000  }
0x157: {  	[sflag:s9] =	ssyncset.done $0x0  }
0x158: {  	[sflag:s9] =	ssyncadd.s32 $0xFFFFF000  }
0x159: {  	_ =	swait.ge [sflag:s9], $0x1000  }
0x15a: {  	[sflag:s9] =	ssyncset.done $0x0  }
0x15b: {  	[sflag:s9] =	ssyncadd.s32 $0xFFFFF000  }
0x15c: {  	_ =	swait.ge [sflag:s9], $0x1000  }
0x15d: {  	s30 =	rddreg [dreg:$0x3];
	[sflag:s9] =	ssyncset.done $0x0  }
0x15e: {  	s16 =	sadd.s32 $0x1, s16;
	[sflag:s9] =	ssyncadd.s32 $0xFFFFF000;
	s31 =	sadd.s32 s17, s30  }
0x15f: {  	[hbm4b:s31+s2] =	stream.linear.scatter [tilespmem:s10], [sflag:$0x3], $0xA000, $0x38;
	[tilespmem:$0x15E00] =	vst v63  }
0x160: {  	p0 =	sne.s32 s16, s5;
	_ =	swait.ge [sflag:s14], $0xA000  }
.Ltmp1:
0x161: {  	[sflag:s14] =	ssyncset.done $0x0;
	(pc) =	sbr.rel @p0 .LBB2_1-.Ltmp1, $4  }
0x162: {  	[sflag:s14] =	ssyncadd.s32 $0xFFFF6000  }
0x163: {  	_ =	swait.ge [sflag:s15], $0xA000  }
0x164: {  	[sflag:s15] =	ssyncset.done $0x0  }
0x165: {  	[sflag:s15] =	ssyncadd.s32 $0xFFFF6000  }
0x166: {  	_ =	sfence.sel $0x180000  }
0x167: {  	[bflag:$0x0] =	sbarrier.arrive $0xFFFF  }
0x168: {  	p0 =	sne.s32 s0, $0x0;
	_ =	strace $0x90000047  }
0x169: {  	s0 =	sadd.s32 @!p0 $0x100000, s1;
	[bflag:$0x2] =	sbarrier.arrive $0xFFFF  }
0x16a: {  	[sflag:s0] =	ssyncadd.tile.s32 @!p0 $0x1;
	_ =	shalt  }
.Lfunc_end2:
_tile_overlayer_lowered:
.L_overlay_start_2:
0x16b: {  	(tag) =	ssettag $0x2  }
0x16c: {  	s0 =	rddreg [dreg:$0x0];
	s2 =	stileid.u32  }
0x16d: {  	s1 =	rddreg [dreg:$0x1];
	p0 =	sne.s32 s2, $0x0  }
0x16e: {  	s3 =	rddreg [dreg:$0x2];
	[bflag:$0x3] =	sbarrier.arrive $0xFFFF;
	s2 =	simm.s32 @!p0 $0x1C04  }
0x16f: {  	[timem:s3], [sflag:s2] =	dma.local @!p0 [hbm:s0], s1  }
0x170: {  	s0 =	simm.s32 @!p0 $0x4  }
0x171: {  	_ =	swait.ge @!p0 [sflag:s0], s1  }
0x172: {  	s1 =	ssub.s32 @!p0 $0x0, s1;
	[sflag:s0] =	ssyncset.done @!p0 $0x0  }
0x173: {  	[sflag:s0] =	ssyncadd.s32 @!p0 s1  }
0x174: {  	[bflag:$0x3] =	sbarrier.arrive $0xFFFF  }
0x175: {  	_ =	shalt  }

// kernel: kernel.7.cloned.1.call-start
scs
__scs_entry_jumppad:
0x0: {  	(pc) =	sbr.rel $0x88, $3  }
0x1: {  	(tag) =	ssettag $0x0;
	lr =	simm.s32 $0x1  }
0x2: {  	[smem:$0x3F9B] =	sst lr;
	_ =	strace $0xD0000000  }
0x3: {  	_ = 	snop  }
0x4: {  	_ = 	snop  }
0x5: {  	_ = 	snop  }
0x6: {  	_ = 	snop  }
0x7: {  	_ = 	snop  }
__scs_overlays_trampoline_lowered:
0x8: {  	[smem:$0x3FAA] =	sst s0  }
0x9: {  	[smem:$0x3FAB] =	sst s1  }
0xa: {  	[smem:$0x3FAC] =	sst s2  }
0xb: {  	[smem:$0x3FAD] =	sst s3  }
0xc: {  	[smem:$0x3FAE] =	sst s4  }
0xd: {  	[smem:$0x3FAF] =	sst s5  }
0xe: {  	[smem:$0x3FB0] =	sst s6  }
0xf: {  	[smem:$0x3FB1] =	sst s7  }
0x10: {  	[smem:$0x3FB2] =	sst s8  }
0x11: {  	[smem:$0x3FB3] =	sst s9;
	s0 =	simm.s32 @!p0 $0x0  }
0x12: {  	s1 =	sld [smem:$0x3F99];
	s0 =	simm.s32 @p0 $0x1  }
0x13: {  	[smem:$0x3FB4] =	sst s0;
	s0 =	simm.s32 @!p1 $0x0  }
0x14: {  	s2 =	sld [smem:$0x3F98];
	s0 =	simm.s32 @p1 $0x1  }
0x15: {  	[smem:$0x3FB5] =	sst s0;
	s0 =	simm.s32 @!p2 $0x0  }
0x16: {  	s3 =	sld [smem:$0x3FDB];
	s0 =	simm.s32 @p2 $0x1  }
0x17: {  	s4 =	simm.s32 $0x1BF5;
	[smem:$0x3FB7] =	sst s0  }
0x18: {  	s0 =	sld [smem:$0x3F9A];
	_ =	swait.ge [sflag:s4], $0x0  }
0x19: {  	s7 =	sld [smem:$0x3F9B]  }
0x1a: {  	s8 =	sadd.s32 $0xFFFFE003, lr  }
0x1b: {  	s9 =	sadd.s32 $0xFFFFFEF7, lr;
	s5 =	simm.s32 $0xFFFFFFFF;
	p2 =	slt.u32 s8, $0xFFFFF086  }
0x1c: {  	p1 =	slt.u32 s9, $0xF7A;
	s5 =	simm.s32 @!p2 $0x0  }
0x1d: {  	s5 =	simm.s32 @p1 $0x1;
	p0 =	seq.s32 s7, s2  }
0x1e: {  	s7 =	smul.u32 @!p0 $0xF7A, s2;
	p2 =	seq.s32 @!p0 s5, $0x0  }
0x1f: {  	s9 =	smul.u32 $0xF7A, s1;
	s8 =	simm.s32 @!p0 $0x1BF5;
	p2 =	por !p2, p0  }
0x20: {  	[sflag:s8] =	ssyncset.s32 @!p0 $0xFFFFF086;
	s6 =	sadd.s32 @!p0 s3, s7;
	s7 =	simm.s32 @!p0 $0x108  }
0x21: {  	s3 =	sadd.s32 s3, s9;
	s6 =	sadd.s32 @!p0 $0x88, s6;
	s7 =	simm.s32 @p2 $0x1082  }
0x22: {  	[simem:s7], [sflag:s8] =	dma.local @!p0 [hbm:s6], $0xF7A  }
0x23: {  	s9 =	sor.u32 $0xD0000000, s2;
	s6 =	simm.s32 $0x108;
	_ =	swait.ge @!p0 [sflag:s8], $0x0  }
0x24: {  	s3 =	sadd.s32 $0x88, s3;
	s6 =	simm.s32 @!p1 $0x1082;
	[sflag:s4] =	ssyncset.s32 $0xFFFFF086  }
0x25: {  	[simem:s6], [sflag:s4] =	dma.local [hbm:s3], $0xF7A  }
0x26: {  	[smem:$0x3F9B] =	sst s1;
	(tag) =	ssettag s2;
	_ =	strace s9  }
0x27: {  	s1 =	sld [smem:$0x3FAB]  }
0x28: {  	s2 =	sld [smem:$0x3FAC]  }
0x29: {  	s4 =	sld [smem:$0x3FAE]  }
0x2a: {  	p0 =	seq.s32 s5, $0x0;
	s5 =	sld [smem:$0x3FAF]  }
0x2b: {  	s6 =	sld [smem:$0x3FB0]  }
0x2c: {  	s7 =	sld [smem:$0x3FB1]  }
0x2d: {  	s3 =	simm.s32 $0x108;
	s8 =	sld [smem:$0x3FB2]  }
0x2e: {  	s3 =	simm.s32 @!p0 $0x1082;
	s9 =	sld [smem:$0x3FB3]  }
0x2f: {  	lr =	sadd.s32 s0, s3;
	s0 =	sld [smem:$0x3FAA]  }
0x30: {  	s3 =	sld [smem:$0x3FAD]  }
0x31: {  	[smem:$0x3FB6] =	sst s10  }
0x32: {  	s10 =	sld [smem:$0x3FB4];
	_ =	sdelay $0x3  }
0x33: {  	p0 =	seq.s32 s10, $0x1;
	s10 =	sld [smem:$0x3FB6];
	_ =	sdelay $0x3  }
0x34: {  	[smem:$0x3FB6] =	sst s10  }
0x35: {  	s10 =	sld [smem:$0x3FB5];
	_ =	sdelay $0x3  }
0x36: {  	p1 =	seq.s32 s10, $0x1;
	s10 =	sld [smem:$0x3FB6];
	_ =	sdelay $0x3  }
0x37: {  	[smem:$0x3FB6] =	sst s10  }
0x38: {  	s10 =	sld [smem:$0x3FB7]  }
0x39: {  	_ = 	snop;
	(pc) =	sbr.ind lr, $3  }
0x3a: {  	_ = 	snop  }
0x3b: {  	_ = 	snop  }
0x3c: {  	p2 =	seq.s32 s10, $0x1;
	s10 =	sld [smem:$0x3FB6]  }
0x3d: {  	_ =	shalt  }
0x3e: {  	_ =	shalt  }
0x3f: {  	_ =	shalt  }
0x40: {  	_ =	shalt  }
0x41: {  	_ =	shalt  }
0x42: {  	_ =	shalt  }
0x43: {  	_ =	shalt  }
0x44: {  	_ =	shalt  }
0x45: {  	_ =	shalt  }
0x46: {  	_ =	shalt  }
0x47: {  	_ =	shalt  }
0x48: {  	_ =	shalt  }
0x49: {  	_ =	shalt  }
0x4a: {  	_ =	shalt  }
0x4b: {  	_ =	shalt  }
0x4c: {  	_ =	shalt  }
0x4d: {  	_ =	shalt  }
0x4e: {  	_ =	shalt  }
0x4f: {  	_ =	shalt  }
0x50: {  	_ =	shalt  }
0x51: {  	_ =	shalt  }
0x52: {  	_ =	shalt  }
0x53: {  	_ =	shalt  }
0x54: {  	_ =	shalt  }
0x55: {  	_ =	shalt  }
0x56: {  	_ =	shalt  }
0x57: {  	_ =	shalt  }
0x58: {  	_ =	shalt  }
0x59: {  	_ =	shalt  }
0x5a: {  	_ =	shalt  }
0x5b: {  	_ =	shalt  }
0x5c: {  	_ =	shalt  }
0x5d: {  	_ =	shalt  }
0x5e: {  	_ =	shalt  }
0x5f: {  	_ =	shalt  }
0x60: {  	_ =	shalt  }
0x61: {  	_ =	shalt  }
0x62: {  	_ =	shalt  }
0x63: {  	_ =	shalt  }
0x64: {  	_ =	shalt  }
0x65: {  	_ =	shalt  }
0x66: {  	_ =	shalt  }
0x67: {  	_ =	shalt  }
0x68: {  	_ =	shalt  }
0x69: {  	_ =	shalt  }
0x6a: {  	_ =	shalt  }
0x6b: {  	_ =	shalt  }
0x6c: {  	_ =	shalt  }
0x6d: {  	_ =	shalt  }
0x6e: {  	_ =	shalt  }
0x6f: {  	_ =	shalt  }
0x70: {  	_ =	shalt  }
0x71: {  	_ =	shalt  }
0x72: {  	_ =	shalt  }
0x73: {  	_ =	shalt  }
0x74: {  	_ =	shalt  }
0x75: {  	_ =	shalt  }
0x76: {  	_ =	shalt  }
0x77: {  	_ =	shalt  }
0x78: {  	_ =	shalt  }
0x79: {  	_ =	shalt  }
0x7a: {  	_ =	shalt  }
0x7b: {  	_ =	shalt  }
0x7c: {  	_ =	shalt  }
0x7d: {  	_ =	shalt  }
0x7e: {  	_ =	shalt  }
0x7f: {  	_ =	shalt  }
0x80: {  	_ =	shalt  }
0x81: {  	_ =	shalt  }
0x82: {  	_ =	shalt  }
0x83: {  	_ =	shalt  }
0x84: {  	_ =	shalt  }
0x85: {  	_ =	shalt  }
0x86: {  	_ =	shalt  }
0x87: {  	_ =	shalt  }
.Lfunc_end0:
.L_simem_size_0:
called_computation_lowered:
.L_overlay_start_0:
0x88: {  	s2 =	sld [smem:$0x3FD9]  }
0x89: {  	s3 =	sld [smem:$0x3FFE];
	_ =	sdelay $0x1  }
0x8a: {  	s1 =	srdreg.scid  }
0x8b: {  	s0 =	sand.u32 $0x1, s1  }
0x8c: {  	s17 =	sshll.u32 s0, $0xA;
	s2 =	sadd.s32 s3, s2  }
0x8d: {  	s2 =	sadd.s32 s2, s17  }
0x8e: {  	[smem:$0x3FC2] =	sst s2  }
0x8f: {  	_ = 	snop  }
0x90: {  	(tm) =	ssettm $0x1  }
0x91: {  	s18 =	sld [smem:$0x3FFB];
	_ =	sdelay $0x3  }
0x92: {  	_ =	strace s18  }
0x93: {  	s2 =	sld [smem:$0x3FFC];
	_ =	sdelay $0x3  }
0x94: {  	_ =	strace s2  }
0x95: {  	s2 =	sld [smem:$0x3FFD];
	_ =	sdelay $0x3  }
0x96: {  	_ =	strace s2  }
0x97: {  	_ =	strace $0x8FFFFFFF  }
0x98: {  	s19 =	sld [smem:$0x3FDB];
	_ =	sdelay $0x1  }
0x99: {  	s20 =	simm.s32 $_scs_section_size  }
0x9a: {  	s4 =	simm.s32 $_size__tile_overlayer_lowered;
	s5 =	simm.s32 $_tile_overlayer_lowered  }
0x9b: {  	s6 =	simm.s32 $0x1BFF;
	s21 =	sshll.u32 s5, $0x1;
	s3 =	sadd.s32 s20, s19  }
0x9c: {  	s22 =	simm.s32 $0x0;
	s4 =	sshll.u32 s4, $0x1;
	s5 =	sadd.s32 s21, s3  }
0x9d: {  	[timem:s22], [sflag:s6] =	dma.local [hbm:s5], s4  }
0x9e: {  	_ =	swait.ge [sflag:s6], s4  }
0x9f: {  	s4 =	ssub.s32 $0x0, s4;
	[sflag:s6] =	ssyncset.done $0x0  }
0xa0: {  	[sflag:s6] =	ssyncadd.s32 s4;
	_ =	sdelay $0x1  }
0xa1: {  	s23 =	simm.s32 $0x1B8B  }
0xa2: {  	_ =	swait.ge [sflag:s23], $0x1  }
0xa3: {  	[sflag:s23] =	ssyncset.done $0x0  }
0xa4: {  	[sflag:s23] =	ssyncadd.s32 $0xFFFFFFFF  }
0xa5: {  	s4 =	sld [smem:$0x0]  }
0xa6: {  	s5 =	sand.u32 $0xFFFFFFFE, s1  }
0xa7: {  	p0 =	sne.s32 s1, s5  }
0xa8: {  	s5 =	sshll.u32 @p0 s5, $0xE  }
0xa9: {  	s5 =	sadd.s32 @p0 $0x11B8D, s5;
	s6 =	sshll.u32 @p0 s4, $0x11  }
0xaa: {  	s5 =	sor.u32 @p0 s6, s5  }
0xab: {  	[sflag:s5] =	ssyncadd.remote.s32 @p0 $0x1;
	_ =	sdelay $0x1  }
0xac: {  	s5 =	simm.s32 @p0 $0x1B8D  }
0xad: {  	_ =	swait.eq @p0 [sflag:s5], $0x1  }
0xae: {  	[sflag:s5] =	ssyncadd.s32 @p0 $0xFFFFFFFF  }
0xaf: {  	s6 =	sshll.u32 @!p0 s1, $0xE  }
0xb0: {  	s6 =	sor.u32 @!p0 $0x4000, s6;
	s5 =	simm.s32 @!p0 $0x1B8D  }
0xb1: {  	s4 =	sshll.u32 @!p0 s4, $0x11;
	s6 =	sadd.s32 @!p0 $0x11B8D, s6;
	_ =	swait.eq @!p0 [sflag:s5], $0x1  }
0xb2: {  	s4 =	sor.u32 @!p0 s4, s6;
	[sflag:s5] =	ssyncadd.s32 @!p0 $0xFFFFFFFF  }
0xb3: {  	s25 =	simm.s32 $0x1B8E;
	s24 =	sld [smem:$0x3FFE];
	[sflag:s4] =	ssyncadd.remote.s32 @!p0 $0x1  }
0xb4: {  	s26 =	simm.s32 $execute0_lowered;
	[smem:$0x3FD2] =	sst s25  }
0xb5: {  	s5 =	sshll.u32 s26, $0x1;
	_ =	strace $0x80000049;
	[dreg:$0x1] =	wrdreg $0xFFFFFFFF  }
0xb6: {  	s28 =	simm.s32 $_size_execute0_lowered;
	s3 =	sadd.s32 s3, s5;
	[dreg:$0x0] =	wrdreg $0x0  }
0xb7: {  	s5 =	sshll.u32 s28, $0x1;
	[dreg:$0x2] =	wrdreg s3  }
0xb8: {  	[dreg:$0x3] =	wrdreg s5  }
0xb9: {  	[dreg:$0x4] =	wrdreg $0xC0  }
0xba: {  	_ =	task [dreg:s22], $0x5FFFF  }
0xbb: {  	[dreg:$0x1] =	wrdreg $0xFFFFFFFF  }
0xbc: {  	[dreg:$0x0] =	wrdreg $0x60  }
0xbd: {  	[dreg:$0x2] =	wrdreg s24  }
0xbe: {  	[dreg:$0x3] =	wrdreg $0x9  }
0xbf: {  	_ =	task.clear_ibuf [dreg:s22], $0x4FFFF;
	_ =	strace $0x90000049  }
0xc0: {  	s29 =	simm.s32 $0x9;
	_ =	strace $0x8000004B  }
0xc1: {  	_ =	swait.ge [sflag:s29], $0x1  }
0xc2: {  	[sflag:s29] =	ssyncadd.s32 $0xFFFFFFFF  }
0xc3: {  	_ =	strace $0x9000004B  }
0xc4: {  	_ =	sfence  }
0xc5: {  	s30 =	sld [smem:$0x0];
	_ =	sdelay $0x2  }
0xc6: {  	s31 =	sshll.u32 s1, $0xD;
	s1 =	sshrl.u32 s1, $0x2  }
0xc7: {  	s4 =	sand.u32 $0x4000, s31;
	s1 =	sadd.s32 s1, s30  }
0xc8: {  	s0 =	sor.u32 s4, s0;
	s1 =	sshll.u32 s1, $0x11  }
0xc9: {  	s0 =	sor.u32 s1, s0  }
0xca: {  	s0 =	sadd.s32 $0x8F2B, s0  }
0xcb: {  	[sflag:s0] =	ssyncadd.remote.s32 $0x1  }
0xcc: {  	_ =	sfence.sel $0xFFFF  }
0xcd: {  	[dreg:$0x0] =	wrdreg $0xFFFFFFFF;
	(pc) =	sbr.abs _section_cstart, $3  }
0xce: {  	[dreg:$0x1] =	wrdreg $0xFFFFFFFF  }
0xcf: {  	_ =	task.clear_ibuf [dreg:s22], $0x2FFFF;
	_ =	strace $0x9FFFFFFF  }
0xd0: {  	(tm) =	ssettm $0x7FFFFFFF  }
0xd1: {  	_ =	shalt  }
tec
execute0_lowered:
.L_overlay_start_1:
0x0: {  	(tag) =	ssettag $0x1  }
0x1: {  	s1 =	srdreg.scid;
	s6 =	rddreg [dreg:$0x0]  }
0x2: {  	s2 =	simm.s32 $0x0;
	s4 =	sand.u32 $0x1, s1;
	s1 =	rddreg [dreg:$0x1]  }
0x3: {  	s16 =	simm.s32 $0x2E00;
	[smem:$0x7FF] =	sst s2  }
0x4: {  	s17 =	simm.s32 $0x3E00;
	_ =	strace $0x8000004A;
	[dreg:$0x4] =	wrdreg s16  }
0x5: {  	s19 =	simm.s32 $0x4E00;
	[dreg:$0x5] =	wrdreg s17  }
0x6: {  	s20 =	simm.s32 $0x5E00;
	[dreg:$0x6] =	wrdreg s19  }
0x7: {  	s21 =	simm.s32 $0x6E00;
	[dreg:$0x7] =	wrdreg s20  }
0x8: {  	s22 =	simm.s32 $0x7E00;
	[dreg:$0x8] =	wrdreg s21  }
0x9: {  	s0 =	stileid.u32;
	s23 =	simm.s32 $0x8E00;
	[dreg:$0x9] =	wrdreg s22  }
0xa: {  	s24 =	simm.s32 $0x9E00;
	s26 =	simm.s32 $0xAE00;
	[dreg:$0xa] =	wrdreg s23  }
0xb: {  	s28 =	simm.s32 $0xCE00;
	s29 =	simm.s32 $0xDE00;
	[dreg:$0xb] =	wrdreg s24  }
0xc: {  	s30 =	simm.s32 $0xEE00;
	s31 =	simm.s32 $0xFE00;
	[dreg:$0xc] =	wrdreg s26  }
0xd: {  	s9 =	simm.s32 $0x10E00;
	s11 =	simm.s32 $0x11E00;
	[dreg:$0xd] =	wrdreg s28  }
0xe: {  	s10 =	simm.s32 $0xBE00;
	s12 =	simm.s32 $0x13E00;
	[dreg:$0xe] =	wrdreg s29  }
0xf: {  	s13 =	simm.s32 $0x14E00;
	s3 =	smul.u32 $0x3C00, s0;
	[dreg:$0xf] =	wrdreg s30  }
0x10: {  	s14 =	sadd.s32 $0x1E9000, s6;
	s7 =	smul.u32 $0xF000, s0;
	[dreg:$0x10] =	wrdreg s31  }
0x11: {  	s18 =	sshll.u32 s0, $0x1;
	s5 =	smul.u32 $0x1E00, s4;
	[dreg:$0x11] =	wrdreg s9  }
0x12: {  	s8 =	smul.u32 $0x7800, s4;
	s9 =	simm.s32 $0x1;
	[dreg:$0x12] =	wrdreg s11  }
0x13: {  	s11 =	simm.s32 $0x12E00;
	s3 =	sadd.s32 s5, s3;
	s5 =	sadd.s32 s7, s14  }
0x14: {  	s16 =	simm.s32 $0x0;
	s3 =	sshll.u32 s3, $0x2;
	s15 =	sadd.s32 s8, s5  }
0x15: {  	s5 =	sor.u32 s4, s18;
	s4 =	ssub.s32 $0x2, s4;
	s8 =	simm.s32 $0x1E00  }
0x16: {  	s3 =	sadd.s32 s14, s3;
	[dreg:$0x3] =	wrdreg s15;
	s5 =	smul.u32 $0x3C0, s5  }
0x17: {  	s25 =	sshrl.u32 s4, $0x1;
	s14 =	simm.s32 $0x2;
	s3 =	sadd.s32 $0x1400, s3  }
0x18: {  	s15 =	simm.s32 $0x3;
	s7 =	ssub.s32 s4, s25;
	[dreg:$0x2] =	wrdreg s3  }
0x19: {  	s3 =	sadd.s32 $0x187400, s6;
	s5 =	sadd.s32 s5, s6;
	s6 =	simm.s32 $0x4  }
0x1a: {  	s4 =	sadd.s32 $0xF0A00, s5;
	s5 =	smax.u32 s7, $0x1;
	s7 =	simm.s32 $0x80  }
.LBB2_1:
0x1b: {  	[tilespmem:s2], [sflag:$0x4] =	stream.linear.gather [hbm4b:s4+s2], $0x1E00, $0x38;
	[tilespmem:$0x15E00] =	vst v63  }
0x1c: {  	_ =	swait.ge [sflag:s6], $0x1E00  }
0x1d: {  	p0 =	por $0x1, $0x1;
	[sflag:s6] =	ssyncset.done $0x0  }
0x1e: {  	s17 =	simm.s32 @!p0 $0x2;
	[sflag:s6] =	ssyncadd.s32 $0xFFFFE200  }
0x1f: {  	_ =	swait.ge @!p0 [sflag:s17], $0xA000  }
0x20: {  	[sflag:s17] =	ssyncset.done @!p0 $0x0  }
0x21: {  	s21 =	simm.s32 $0x0;
	[sflag:s17] =	ssyncadd.s32 @!p0 $0xFFFF6000  }
0x22: {  	[tilespmem:s8], [sflag:$0x1] =	stream.indirect.gather [hbm4b:s3+s7], $0x20, s21, s7, $0xb8;
	[tilespmem:$0x15E00] =	vst v63  }
0x23: {  	s22 =	simm.s32 $0x80;
	s18 =	rddreg [dreg:$0x4]  }
0x24: {  	[tilespmem:s18], [sflag:$0x1] =	stream.indirect.gather [hbm4b:s3+s7], $0x20, s22, s7, $0xb8;
	[tilespmem:$0x15E00] =	vst v63  }
0x25: {  	s23 =	simm.s32 $0x100;
	s19 =	rddreg [dreg:$0x5]  }
0x26: {  	[tilespmem:s19], [sflag:$0x1] =	stream.indirect.gather [hbm4b:s3+s7], $0x20, s23, s7, $0xb8;
	[tilespmem:$0x15E00] =	vst v63  }
0x27: {  	s25 =	simm.s32 $0x180;
	s24 =	rddreg [dreg:$0x6]  }
0x28: {  	[tilespmem:s24], [sflag:$0x1] =	stream.indirect.gather [hbm4b:s3+s7], $0x20, s25, s7, $0xb8;
	[tilespmem:$0x15E00] =	vst v63  }
0x29: {  	s28 =	simm.s32 $0x200;
	s26 =	rddreg [dreg:$0x7]  }
0x2a: {  	[tilespmem:s26], [sflag:$0x1] =	stream.indirect.gather [hbm4b:s3+s7], $0x20, s28, s7, $0xb8;
	[tilespmem:$0x15E00] =	vst v63  }
0x2b: {  	s30 =	simm.s32 $0x280;
	s29 =	rddreg [dreg:$0x8]  }
0x2c: {  	[tilespmem:s29], [sflag:$0x1] =	stream.indirect.gather [hbm4b:s3+s7], $0x20, s30, s7, $0xb8;
	[tilespmem:$0x15E00] =	vst v63  }
0x2d: {  	s31 =	rddreg [dreg:$0x9];
	s18 =	simm.s32 $0x300  }
0x2e: {  	[tilespmem:s31], [sflag:$0x1] =	stream.indirect.gather [hbm4b:s3+s7], $0x20, s18, s7, $0xb8;
	[tilespmem:$0x15E00] =	vst v63  }
0x2f: {  	s20 =	rddreg [dreg:$0xa];
	s21 =	simm.s32 $0x380  }
0x30: {  	[tilespmem:s20], [sflag:$0x1] =	stream.indirect.gather [hbm4b:s3+s7], $0x20, s21, s7, $0xb8;
	[tilespmem:$0x15E00] =	vst v63  }
0x31: {  	s22 =	rddreg [dreg:$0xb];
	s23 =	simm.s32 $0x400  }
0x32: {  	[tilespmem:s22], [sflag:$0x1] =	stream.indirect.gather [hbm4b:s3+s7], $0x20, s23, s7, $0xb8;
	[tilespmem:$0x15E00] =	vst v63  }
0x33: {  	s24 =	rddreg [dreg:$0xc];
	s25 =	simm.s32 $0x480  }
0x34: {  	[tilespmem:s24], [sflag:$0x1] =	stream.indirect.gather [hbm4b:s3+s7], $0x20, s25, s7, $0xb8;
	[tilespmem:$0x15E00] =	vst v63  }
0x35: {  	_ =	swait.ge [sflag:s9], $0x1000  }
0x36: {  	[sflag:s9] =	ssyncset.done $0x0  }
0x37: {  	[sflag:s9] =	ssyncadd.s32 $0xFFFFF000  }
0x38: {  	_ =	swait.ge [sflag:s9], $0x1000  }
0x39: {  	[sflag:s9] =	ssyncset.done $0x0  }
0x3a: {  	[sflag:s9] =	ssyncadd.s32 $0xFFFFF000  }
0x3b: {  	_ =	swait.ge [sflag:s9], $0x1000  }
0x3c: {  	[sflag:s9] =	ssyncset.done $0x0  }
0x3d: {  	[sflag:s9] =	ssyncadd.s32 $0xFFFFF000  }
0x3e: {  	_ =	swait.ge [sflag:s9], $0x1000  }
0x3f: {  	[sflag:s9] =	ssyncset.done $0x0  }
0x40: {  	[sflag:s9] =	ssyncadd.s32 $0xFFFFF000  }
0x41: {  	_ =	swait.ge [sflag:s9], $0x1000  }
0x42: {  	[sflag:s9] =	ssyncset.done $0x0  }
0x43: {  	[sflag:s9] =	ssyncadd.s32 $0xFFFFF000  }
0x44: {  	_ =	swait.ge [sflag:s9], $0x1000  }
0x45: {  	[sflag:s9] =	ssyncset.done $0x0  }
0x46: {  	[sflag:s9] =	ssyncadd.s32 $0xFFFFF000  }
0x47: {  	_ =	swait.ge [sflag:s9], $0x1000  }
0x48: {  	[sflag:s9] =	ssyncset.done $0x0  }
0x49: {  	[sflag:s9] =	ssyncadd.s32 $0xFFFFF000  }
0x4a: {  	_ =	swait.ge [sflag:s9], $0x1000  }
0x4b: {  	[sflag:s9] =	ssyncset.done $0x0  }
0x4c: {  	[sflag:s9] =	ssyncadd.s32 $0xFFFFF000  }
0x4d: {  	_ =	swait.ge [sflag:s9], $0x1000  }
0x4e: {  	[sflag:s9] =	ssyncset.done $0x0  }
0x4f: {  	[sflag:s9] =	ssyncadd.s32 $0xFFFFF000  }
0x50: {  	_ =	swait.ge [sflag:s9], $0x1000  }
0x51: {  	s26 =	rddreg [dreg:$0x3];
	[sflag:s9] =	ssyncset.done $0x0  }
0x52: {  	s18 =	simm.s32 @!p0 $0x3;
	[sflag:s9] =	ssyncadd.s32 $0xFFFFF000;
	s17 =	sadd.s32 $0x0, s26  }
0x53: {  	[hbm4b:s17+s2] =	stream.linear.scatter [tilespmem:s8], [sflag:$0x2], $0xA000, $0x38;
	[tilespmem:$0x15E00] =	vst v63  }
0x54: {  	_ =	swait.ge @!p0 [sflag:s18], $0xA000  }
0x55: {  	[sflag:s18] =	ssyncset.done @!p0 $0x0  }
0x56: {  	s28 =	simm.s32 $0x500;
	[sflag:s18] =	ssyncadd.s32 @!p0 $0xFFFF6000  }
0x57: {  	[tilespmem:s10], [sflag:$0x1] =	stream.indirect.gather [hbm4b:s3+s7], $0x20, s28, s7, $0xb8;
	[tilespmem:$0x15E00] =	vst v63  }
0x58: {  	s30 =	simm.s32 $0x580;
	s29 =	rddreg [dreg:$0xd]  }
0x59: {  	[tilespmem:s29], [sflag:$0x1] =	stream.indirect.gather [hbm4b:s3+s7], $0x20, s30, s7, $0xb8;
	[tilespmem:$0x15E00] =	vst v63  }
0x5a: {  	s31 =	rddreg [dreg:$0xe];
	s18 =	simm.s32 $0x600  }
0x5b: {  	[tilespmem:s31], [sflag:$0x1] =	stream.indirect.gather [hbm4b:s3+s7], $0x20, s18, s7, $0xb8;
	[tilespmem:$0x15E00] =	vst v63  }
0x5c: {  	s21 =	simm.s32 $0x680;
	s20 =	rddreg [dreg:$0xf]  }
0x5d: {  	[tilespmem:s20], [sflag:$0x1] =	stream.indirect.gather [hbm4b:s3+s7], $0x20, s21, s7, $0xb8;
	[tilespmem:$0x15E00] =	vst v63  }
0x5e: {  	s23 =	simm.s32 $0x700;
	s22 =	rddreg [dreg:$0x10]  }
0x5f: {  	[tilespmem:s22], [sflag:$0x1] =	stream.indirect.gather [hbm4b:s3+s7], $0x20, s23, s7, $0xb8;
	[tilespmem:$0x15E00] =	vst v63  }
0x60: {  	s25 =	simm.s32 $0x780;
	s24 =	rddreg [dreg:$0x11]  }
0x61: {  	[tilespmem:s24], [sflag:$0x1] =	stream.indirect.gather [hbm4b:s3+s7], $0x20, s25, s7, $0xb8;
	[tilespmem:$0x15E00] =	vst v63  }
0x62: {  	s26 =	rddreg [dreg:$0x12];
	s28 =	simm.s32 $0x800  }
0x63: {  	[tilespmem:s26], [sflag:$0x1] =	stream.indirect.gather [hbm4b:s3+s7], $0x20, s28, s7, $0xb8;
	[tilespmem:$0x15E00] =	vst v63  }
0x64: {  	s29 =	simm.s32 $0x880  }
0x65: {  	[tilespmem:s11], [sflag:$0x1] =	stream.indirect.gather [hbm4b:s3+s7], $0x20, s29, s7, $0xb8;
	[tilespmem:$0x15E00] =	vst v63  }
0x66: {  	s30 =	simm.s32 $0x900  }
0x67: {  	[tilespmem:s12], [sflag:$0x1] =	stream.indirect.gather [hbm4b:s3+s7], $0x20, s30, s7, $0xb8;
	[tilespmem:$0x15E00] =	vst v63  }
0x68: {  	s31 =	simm.s32 $0x980  }
0x69: {  	[tilespmem:s13], [sflag:$0x1] =	stream.indirect.gather [hbm4b:s3+s7], $0x20, s31, s7, $0xb8;
	[tilespmem:$0x15E00] =	vst v63  }
0x6a: {  	_ =	swait.ge [sflag:s9], $0x1000  }
0x6b: {  	[sflag:s9] =	ssyncset.done $0x0  }
0x6c: {  	[sflag:s9] =	ssyncadd.s32 $0xFFFFF000  }
0x6d: {  	_ =	swait.ge [sflag:s9], $0x1000  }
0x6e: {  	[sflag:s9] =	ssyncset.done $0x0  }
0x6f: {  	[sflag:s9] =	ssyncadd.s32 $0xFFFFF000  }
0x70: {  	_ =	swait.ge [sflag:s9], $0x1000  }
0x71: {  	[sflag:s9] =	ssyncset.done $0x0  }
0x72: {  	[sflag:s9] =	ssyncadd.s32 $0xFFFFF000  }
0x73: {  	_ =	swait.ge [sflag:s9], $0x1000  }
0x74: {  	[sflag:s9] =	ssyncset.done $0x0  }
0x75: {  	[sflag:s9] =	ssyncadd.s32 $0xFFFFF000  }
0x76: {  	_ =	swait.ge [sflag:s9], $0x1000  }
0x77: {  	[sflag:s9] =	ssyncset.done $0x0  }
0x78: {  	[sflag:s9] =	ssyncadd.s32 $0xFFFFF000  }
0x79: {  	_ =	swait.ge [sflag:s9], $0x1000  }
0x7a: {  	[sflag:s9] =	ssyncset.done $0x0  }
0x7b: {  	[sflag:s9] =	ssyncadd.s32 $0xFFFFF000  }
0x7c: {  	_ =	swait.ge [sflag:s9], $0x1000  }
0x7d: {  	[sflag:s9] =	ssyncset.done $0x0  }
0x7e: {  	[sflag:s9] =	ssyncadd.s32 $0xFFFFF000  }
0x7f: {  	_ =	swait.ge [sflag:s9], $0x1000  }
0x80: {  	[sflag:s9] =	ssyncset.done $0x0  }
0x81: {  	[sflag:s9] =	ssyncadd.s32 $0xFFFFF000  }
0x82: {  	_ =	swait.ge [sflag:s9], $0x1000  }
0x83: {  	[sflag:s9] =	ssyncset.done $0x0  }
0x84: {  	[sflag:s9] =	ssyncadd.s32 $0xFFFFF000  }
0x85: {  	p1 =	por $0x0, $0x0;
	_ =	swait.ge [sflag:s9], $0x1000  }
0x86: {  	s19 =	simm.s32 $0x0;
	s17 =	simm.s32 $0x2800;
	[sflag:s9] =	ssyncset.done $0x0  }
0x87: {  	s18 =	simm.s32 $0x5000;
	s20 =	rddreg [dreg:$0x2];
	[sflag:s9] =	ssyncadd.s32 $0xFFFFF000  }
.LBB2_2:
0x88: {  	s21 =	simm.s32 @!p1 $0x2;
	s20 =	sadd.s32 s19, s20  }
0x89: {  	[hbm4b:s20+s2] =	stream.linear.scatter [tilespmem:s10], [sflag:$0x3], $0xA000, $0x38;
	[tilespmem:$0x15E00] =	vst v63  }
0x8a: {  	_ =	swait.ge @!p1 [sflag:s21], $0xA000  }
0x8b: {  	s19 =	smov.u32 s17;
	[sflag:s21] =	ssyncset.done @!p1 $0x0  }
0x8c: {  	s20 =	sshra.s32 s19, $0x2;
	[sflag:s21] =	ssyncadd.s32 @!p1 $0xFFFF6000  }
0x8d: {  	[tilespmem:s8], [sflag:$0x1] =	stream.indirect.gather [hbm4b:s3+s7], $0x20, s20, s7, $0xb8;
	[tilespmem:$0x15E00] =	vst v63  }
0x8e: {  	s22 =	sadd.s32 $0x80, s20;
	s31 =	rddreg [dreg:$0x4]  }
0x8f: {  	[tilespmem:s31], [sflag:$0x1] =	stream.indirect.gather [hbm4b:s3+s7], $0x20, s22, s7, $0xb8;
	[tilespmem:$0x15E00] =	vst v63  }
0x90: {  	s23 =	rddreg [dreg:$0x5];
	s22 =	sadd.s32 $0x100, s20  }
0x91: {  	[tilespmem:s23], [sflag:$0x1] =	stream.indirect.gather [hbm4b:s3+s7], $0x20, s22, s7, $0xb8;
	[tilespmem:$0x15E00] =	vst v63  }
0x92: {  	s25 =	sadd.s32 $0x180, s20;
	s24 =	rddreg [dreg:$0x6]  }
0x93: {  	[tilespmem:s24], [sflag:$0x1] =	stream.indirect.gather [hbm4b:s3+s7], $0x20, s25, s7, $0xb8;
	[tilespmem:$0x15E00] =	vst v63  }
0x94: {  	s28 =	sadd.s32 $0x200, s20;
	s26 =	rddreg [dreg:$0x7]  }
0x95: {  	[tilespmem:s26], [sflag:$0x1] =	stream.indirect.gather [hbm4b:s3+s7], $0x20, s28, s7, $0xb8;
	[tilespmem:$0x15E00] =	vst v63  }
0x96: {  	s30 =	sadd.s32 $0x280, s20;
	s29 =	rddreg [dreg:$0x8]  }
0x97: {  	[tilespmem:s29], [sflag:$0x1] =	stream.indirect.gather [hbm4b:s3+s7], $0x20, s30, s7, $0xb8;
	[tilespmem:$0x15E00] =	vst v63  }
0x98: {  	s31 =	rddreg [dreg:$0x9];
	s24 =	sadd.s32 $0x300, s20  }
0x99: {  	[tilespmem:s31], [sflag:$0x1] =	stream.indirect.gather [hbm4b:s3+s7], $0x20, s24, s7, $0xb8;
	[tilespmem:$0x15E00] =	vst v63  }
0x9a: {  	s25 =	rddreg [dreg:$0xa];
	s26 =	sadd.s32 $0x380, s20  }
0x9b: {  	[tilespmem:s25], [sflag:$0x1] =	stream.indirect.gather [hbm4b:s3+s7], $0x20, s26, s7, $0xb8;
	[tilespmem:$0x15E00] =	vst v63  }
0x9c: {  	s28 =	rddreg [dreg:$0xb];
	s29 =	sadd.s32 $0x400, s20  }
0x9d: {  	[tilespmem:s28], [sflag:$0x1] =	stream.indirect.gather [hbm4b:s3+s7], $0x20, s29, s7, $0xb8;
	[tilespmem:$0x15E00] =	vst v63  }
0x9e: {  	s30 =	rddreg [dreg:$0xc];
	s31 =	sadd.s32 $0x480, s20  }
0x9f: {  	[tilespmem:s30], [sflag:$0x1] =	stream.indirect.gather [hbm4b:s3+s7], $0x20, s31, s7, $0xb8;
	[tilespmem:$0x15E00] =	vst v63  }
0xa0: {  	_ =	swait.ge [sflag:s9], $0x1000  }
0xa1: {  	[sflag:s9] =	ssyncset.done $0x0  }
0xa2: {  	[sflag:s9] =	ssyncadd.s32 $0xFFFFF000  }
0xa3: {  	_ =	swait.ge [sflag:s9], $0x1000  }
0xa4: {  	[sflag:s9] =	ssyncset.done $0x0  }
0xa5: {  	[sflag:s9] =	ssyncadd.s32 $0xFFFFF000  }
0xa6: {  	_ =	swait.ge [sflag:s9], $0x1000  }
0xa7: {  	[sflag:s9] =	ssyncset.done $0x0  }
0xa8: {  	[sflag:s9] =	ssyncadd.s32 $0xFFFFF000  }
0xa9: {  	_ =	swait.ge [sflag:s9], $0x1000  }
0xaa: {  	[sflag:s9] =	ssyncset.done $0x0  }
0xab: {  	[sflag:s9] =	ssyncadd.s32 $0xFFFFF000  }
0xac: {  	_ =	swait.ge [sflag:s9], $0x1000  }
0xad: {  	[sflag:s9] =	ssyncset.done $0x0  }
0xae: {  	[sflag:s9] =	ssyncadd.s32 $0xFFFFF000  }
0xaf: {  	_ =	swait.ge [sflag:s9], $0x1000  }
0xb0: {  	[sflag:s9] =	ssyncset.done $0x0  }
0xb1: {  	[sflag:s9] =	ssyncadd.s32 $0xFFFFF000  }
0xb2: {  	_ =	swait.ge [sflag:s9], $0x1000  }
0xb3: {  	[sflag:s9] =	ssyncset.done $0x0  }
0xb4: {  	[sflag:s9] =	ssyncadd.s32 $0xFFFFF000  }
0xb5: {  	_ =	swait.ge [sflag:s9], $0x1000  }
0xb6: {  	[sflag:s9] =	ssyncset.done $0x0  }
0xb7: {  	[sflag:s9] =	ssyncadd.s32 $0xFFFFF000  }
0xb8: {  	_ =	swait.ge [sflag:s9], $0x1000  }
0xb9: {  	[sflag:s9] =	ssyncset.done $0x0  }
0xba: {  	[sflag:s9] =	ssyncadd.s32 $0xFFFFF000  }
0xbb: {  	_ =	swait.ge [sflag:s9], $0x1000  }
0xbc: {  	s22 =	rddreg [dreg:$0x3];
	[sflag:s9] =	ssyncset.done $0x0  }
0xbd: {  	[sflag:s9] =	ssyncadd.s32 $0xFFFFF000;
	s21 =	sadd.s32 s19, s22;
	s22 =	simm.s32 @!p1 $0x3  }
0xbe: {  	[hbm4b:s21+s2] =	stream.linear.scatter [tilespmem:s8], [sflag:$0x2], $0xA000, $0x38;
	[tilespmem:$0x15E00] =	vst v63  }
0xbf: {  	_ =	swait.ge @!p1 [sflag:s22], $0xA000  }
0xc0: {  	[sflag:s22] =	ssyncset.done @!p1 $0x0  }
0xc1: {  	s23 =	sadd.s32 $0x500, s20;
	[sflag:s22] =	ssyncadd.s32 @!p1 $0xFFFF6000  }
0xc2: {  	[tilespmem:s10], [sflag:$0x1] =	stream.indirect.gather [hbm4b:s3+s7], $0x20, s23, s7, $0xb8;
	[tilespmem:$0x15E00] =	vst v63  }
0xc3: {  	s25 =	sadd.s32 $0x580, s20;
	s24 =	rddreg [dreg:$0xd]  }
0xc4: {  	[tilespmem:s24], [sflag:$0x1] =	stream.indirect.gather [hbm4b:s3+s7], $0x20, s25, s7, $0xb8;
	[tilespmem:$0x15E00] =	vst v63  }
0xc5: {  	s28 =	sadd.s32 $0x600, s20;
	s26 =	rddreg [dreg:$0xe]  }
0xc6: {  	[tilespmem:s26], [sflag:$0x1] =	stream.indirect.gather [hbm4b:s3+s7], $0x20, s28, s7, $0xb8;
	[tilespmem:$0x15E00] =	vst v63  }
0xc7: {  	s30 =	sadd.s32 $0x680, s20;
	s29 =	rddreg [dreg:$0xf]  }
0xc8: {  	[tilespmem:s29], [sflag:$0x1] =	stream.indirect.gather [hbm4b:s3+s7], $0x20, s30, s7, $0xb8;
	[tilespmem:$0x15E00] =	vst v63  }
0xc9: {  	s31 =	rddreg [dreg:$0x10];
	s24 =	sadd.s32 $0x700, s20  }
0xca: {  	[tilespmem:s31], [sflag:$0x1] =	stream.indirect.gather [hbm4b:s3+s7], $0x20, s24, s7, $0xb8;
	[tilespmem:$0x15E00] =	vst v63  }
0xcb: {  	s25 =	rddreg [dreg:$0x11];
	s26 =	sadd.s32 $0x780, s20  }
0xcc: {  	[tilespmem:s25], [sflag:$0x1] =	stream.indirect.gather [hbm4b:s3+s7], $0x20, s26, s7, $0xb8;
	[tilespmem:$0x15E00] =	vst v63  }
0xcd: {  	s28 =	rddreg [dreg:$0x12];
	s29 =	sadd.s32 $0x800, s20  }
0xce: {  	[tilespmem:s28], [sflag:$0x1] =	stream.indirect.gather [hbm4b:s3+s7], $0x20, s29, s7, $0xb8;
	[tilespmem:$0x15E00] =	vst v63  }
0xcf: {  	s30 =	sadd.s32 $0x880, s20  }
0xd0: {  	[tilespmem:s11], [sflag:$0x1] =	stream.indirect.gather [hbm4b:s3+s7], $0x20, s30, s7, $0xb8;
	[tilespmem:$0x15E00] =	vst v63  }
0xd1: {  	s31 =	sadd.s32 $0x900, s20  }
0xd2: {  	[tilespmem:s12], [sflag:$0x1] =	stream.indirect.gather [hbm4b:s3+s7], $0x20, s31, s7, $0xb8;
	[tilespmem:$0x15E00] =	vst v63  }
0xd3: {  	s20 =	sadd.s32 $0x980, s20  }
0xd4: {  	[tilespmem:s13], [sflag:$0x1] =	stream.indirect.gather [hbm4b:s3+s7], $0x20, s20, s7, $0xb8;
	[tilespmem:$0x15E00] =	vst v63  }
0xd5: {  	_ =	swait.ge [sflag:s9], $0x1000  }
0xd6: {  	[sflag:s9] =	ssyncset.done $0x0  }
0xd7: {  	[sflag:s9] =	ssyncadd.s32 $0xFFFFF000  }
0xd8: {  	_ =	swait.ge [sflag:s9], $0x1000  }
0xd9: {  	[sflag:s9] =	ssyncset.done $0x0  }
0xda: {  	[sflag:s9] =	ssyncadd.s32 $0xFFFFF000  }
0xdb: {  	_ =	swait.ge [sflag:s9], $0x1000  }
0xdc: {  	[sflag:s9] =	ssyncset.done $0x0  }
0xdd: {  	[sflag:s9] =	ssyncadd.s32 $0xFFFFF000  }
0xde: {  	_ =	swait.ge [sflag:s9], $0x1000  }
0xdf: {  	[sflag:s9] =	ssyncset.done $0x0  }
0xe0: {  	[sflag:s9] =	ssyncadd.s32 $0xFFFFF000  }
0xe1: {  	_ =	swait.ge [sflag:s9], $0x1000  }
0xe2: {  	[sflag:s9] =	ssyncset.done $0x0  }
0xe3: {  	[sflag:s9] =	ssyncadd.s32 $0xFFFFF000  }
0xe4: {  	_ =	swait.ge [sflag:s9], $0x1000  }
0xe5: {  	[sflag:s9] =	ssyncset.done $0x0  }
0xe6: {  	[sflag:s9] =	ssyncadd.s32 $0xFFFFF000  }
0xe7: {  	_ =	swait.ge [sflag:s9], $0x1000  }
0xe8: {  	[sflag:s9] =	ssyncset.done $0x0  }
0xe9: {  	[sflag:s9] =	ssyncadd.s32 $0xFFFFF000  }
0xea: {  	_ =	swait.ge [sflag:s9], $0x1000  }
0xeb: {  	[sflag:s9] =	ssyncset.done $0x0  }
0xec: {  	s17 =	smov.u32 s18;
	s18 =	sadd.s32 $0x2800, s18;
	[sflag:s9] =	ssyncadd.s32 $0xFFFFF000  }
0xed: {  	p0 =	sne.s32 s18, $0x7800;
	_ =	swait.ge [sflag:s9], $0x1000  }
.Ltmp0:
0xee: {  	[sflag:s9] =	ssyncset.done $0x0;
	(pc) =	sbr.rel @p0 .LBB2_2-.Ltmp0, $4  }
0xef: {  	[sflag:s9] =	ssyncadd.s32 $0xFFFFF000  }
0xf0: {  	_ =	swait.ge [sflag:s9], $0x1000  }
0xf1: {  	[sflag:s9] =	ssyncset.done $0x0  }
0xf2: {  	p1 =	seq.s32 s17, $0x0;
	s20 =	rddreg [dreg:$0x2];
	[sflag:s9] =	ssyncadd.s32 $0xFFFFF000  }
0xf3: {  	s18 =	simm.s32 @!p1 $0x2;
	s19 =	sadd.s32 s19, s20  }
0xf4: {  	[hbm4b:s19+s2] =	stream.linear.scatter [tilespmem:s10], [sflag:$0x3], $0xA000, $0x38;
	[tilespmem:$0x15E00] =	vst v63  }
0xf5: {  	_ =	swait.ge @!p1 [sflag:s18], $0xA000  }
0xf6: {  	[sflag:s18] =	ssyncset.done @!p1 $0x0  }
0xf7: {  	[sflag:s18] =	ssyncadd.s32 @!p1 $0xFFFF6000;
	s18 =	sshra.s32 s17, $0x2  }
0xf8: {  	[tilespmem:s8], [sflag:$0x1] =	stream.indirect.gather [hbm4b:s3+s7], $0x20, s18, s7, $0xb8;
	[tilespmem:$0x15E00] =	vst v63  }
0xf9: {  	s25 =	rddreg [dreg:$0x4];
	s26 =	sadd.s32 $0x80, s18  }
0xfa: {  	[tilespmem:s25], [sflag:$0x1] =	stream.indirect.gather [hbm4b:s3+s7], $0x20, s26, s7, $0xb8;
	[tilespmem:$0x15E00] =	vst v63  }
0xfb: {  	s21 =	rddreg [dreg:$0x5];
	s28 =	sadd.s32 $0x100, s18  }
0xfc: {  	[tilespmem:s21], [sflag:$0x1] =	stream.indirect.gather [hbm4b:s3+s7], $0x20, s28, s7, $0xb8;
	[tilespmem:$0x15E00] =	vst v63  }
0xfd: {  	s29 =	rddreg [dreg:$0x6];
	s30 =	sadd.s32 $0x180, s18  }
0xfe: {  	[tilespmem:s29], [sflag:$0x1] =	stream.indirect.gather [hbm4b:s3+s7], $0x20, s30, s7, $0xb8;
	[tilespmem:$0x15E00] =	vst v63  }
0xff: {  	s31 =	rddreg [dreg:$0x7];
	s20 =	sadd.s32 $0x200, s18  }
0x100: {  	[tilespmem:s31], [sflag:$0x1] =	stream.indirect.gather [hbm4b:s3+s7], $0x20, s20, s7, $0xb8;
	[tilespmem:$0x15E00] =	vst v63  }
0x101: {  	s22 =	rddreg [dreg:$0x8];
	s23 =	sadd.s32 $0x280, s18  }
0x102: {  	[tilespmem:s22], [sflag:$0x1] =	stream.indirect.gather [hbm4b:s3+s7], $0x20, s23, s7, $0xb8;
	[tilespmem:$0x15E00] =	vst v63  }
0x103: {  	s24 =	rddreg [dreg:$0x9];
	s25 =	sadd.s32 $0x300, s18  }
0x104: {  	[tilespmem:s24], [sflag:$0x1] =	stream.indirect.gather [hbm4b:s3+s7], $0x20, s25, s7, $0xb8;
	[tilespmem:$0x15E00] =	vst v63  }
0x105: {  	s26 =	rddreg [dreg:$0xa];
	s28 =	sadd.s32 $0x380, s18  }
0x106: {  	[tilespmem:s26], [sflag:$0x1] =	stream.indirect.gather [hbm4b:s3+s7], $0x20, s28, s7, $0xb8;
	[tilespmem:$0x15E00] =	vst v63  }
0x107: {  	s29 =	rddreg [dreg:$0xb];
	s30 =	sadd.s32 $0x400, s18  }
0x108: {  	[tilespmem:s29], [sflag:$0x1] =	stream.indirect.gather [hbm4b:s3+s7], $0x20, s30, s7, $0xb8;
	[tilespmem:$0x15E00] =	vst v63  }
0x109: {  	s21 =	sadd.s32 $0x480, s18;
	s31 =	rddreg [dreg:$0xc]  }
0x10a: {  	[tilespmem:s31], [sflag:$0x1] =	stream.indirect.gather [hbm4b:s3+s7], $0x20, s21, s7, $0xb8;
	[tilespmem:$0x15E00] =	vst v63  }
0x10b: {  	_ =	swait.ge [sflag:s9], $0x1000  }
0x10c: {  	[sflag:s9] =	ssyncset.done $0x0  }
0x10d: {  	[sflag:s9] =	ssyncadd.s32 $0xFFFFF000  }
0x10e: {  	_ =	swait.ge [sflag:s9], $0x1000  }
0x10f: {  	[sflag:s9] =	ssyncset.done $0x0  }
0x110: {  	[sflag:s9] =	ssyncadd.s32 $0xFFFFF000  }
0x111: {  	_ =	swait.ge [sflag:s9], $0x1000  }
0x112: {  	[sflag:s9] =	ssyncset.done $0x0  }
0x113: {  	[sflag:s9] =	ssyncadd.s32 $0xFFFFF000  }
0x114: {  	_ =	swait.ge [sflag:s9], $0x1000  }
0x115: {  	[sflag:s9] =	ssyncset.done $0x0  }
0x116: {  	[sflag:s9] =	ssyncadd.s32 $0xFFFFF000  }
0x117: {  	_ =	swait.ge [sflag:s9], $0x1000  }
0x118: {  	[sflag:s9] =	ssyncset.done $0x0  }
0x119: {  	[sflag:s9] =	ssyncadd.s32 $0xFFFFF000  }
0x11a: {  	_ =	swait.ge [sflag:s9], $0x1000  }
0x11b: {  	[sflag:s9] =	ssyncset.done $0x0  }
0x11c: {  	[sflag:s9] =	ssyncadd.s32 $0xFFFFF000  }
0x11d: {  	_ =	swait.ge [sflag:s9], $0x1000  }
0x11e: {  	[sflag:s9] =	ssyncset.done $0x0  }
0x11f: {  	[sflag:s9] =	ssyncadd.s32 $0xFFFFF000  }
0x120: {  	_ =	swait.ge [sflag:s9], $0x1000  }
0x121: {  	[sflag:s9] =	ssyncset.done $0x0  }
0x122: {  	[sflag:s9] =	ssyncadd.s32 $0xFFFFF000  }
0x123: {  	_ =	swait.ge [sflag:s9], $0x1000  }
0x124: {  	[sflag:s9] =	ssyncset.done $0x0  }
0x125: {  	[sflag:s9] =	ssyncadd.s32 $0xFFFFF000  }
0x126: {  	_ =	swait.ge [sflag:s9], $0x1000  }
0x127: {  	s22 =	rddreg [dreg:$0x3];
	[sflag:s9] =	ssyncset.done $0x0  }
0x128: {  	s20 =	simm.s32 @!p1 $0x3;
	[sflag:s9] =	ssyncadd.s32 $0xFFFFF000;
	s19 =	sadd.s32 s17, s22  }
0x129: {  	[hbm4b:s19+s2] =	stream.linear.scatter [tilespmem:s8], [sflag:$0x2], $0xA000, $0x38;
	[tilespmem:$0x15E00] =	vst v63  }
0x12a: {  	_ =	swait.ge @!p1 [sflag:s20], $0xA000  }
0x12b: {  	[sflag:s20] =	ssyncset.done @!p1 $0x0  }
0x12c: {  	s23 =	sadd.s32 $0x500, s18;
	[sflag:s20] =	ssyncadd.s32 @!p1 $0xFFFF6000  }
0x12d: {  	[tilespmem:s10], [sflag:$0x1] =	stream.indirect.gather [hbm4b:s3+s7], $0x20, s23, s7, $0xb8;
	[tilespmem:$0x15E00] =	vst v63  }
0x12e: {  	s25 =	sadd.s32 $0x580, s18;
	s24 =	rddreg [dreg:$0xd]  }
0x12f: {  	[tilespmem:s24], [sflag:$0x1] =	stream.indirect.gather [hbm4b:s3+s7], $0x20, s25, s7, $0xb8;
	[tilespmem:$0x15E00] =	vst v63  }
0x130: {  	s28 =	sadd.s32 $0x600, s18;
	s26 =	rddreg [dreg:$0xe]  }
0x131: {  	[tilespmem:s26], [sflag:$0x1] =	stream.indirect.gather [hbm4b:s3+s7], $0x20, s28, s7, $0xb8;
	[tilespmem:$0x15E00] =	vst v63  }
0x132: {  	s30 =	sadd.s32 $0x680, s18;
	s29 =	rddreg [dreg:$0xf]  }
0x133: {  	[tilespmem:s29], [sflag:$0x1] =	stream.indirect.gather [hbm4b:s3+s7], $0x20, s30, s7, $0xb8;
	[tilespmem:$0x15E00] =	vst v63  }
0x134: {  	s22 =	sadd.s32 $0x700, s18;
	s31 =	rddreg [dreg:$0x10]  }
0x135: {  	[tilespmem:s31], [sflag:$0x1] =	stream.indirect.gather [hbm4b:s3+s7], $0x20, s22, s7, $0xb8;
	[tilespmem:$0x15E00] =	vst v63  }
0x136: {  	s23 =	rddreg [dreg:$0x11];
	s24 =	sadd.s32 $0x780, s18  }
0x137: {  	[tilespmem:s23], [sflag:$0x1] =	stream.indirect.gather [hbm4b:s3+s7], $0x20, s24, s7, $0xb8;
	[tilespmem:$0x15E00] =	vst v63  }
0x138: {  	s25 =	rddreg [dreg:$0x12];
	s26 =	sadd.s32 $0x800, s18  }
0x139: {  	[tilespmem:s25], [sflag:$0x1] =	stream.indirect.gather [hbm4b:s3+s7], $0x20, s26, s7, $0xb8;
	[tilespmem:$0x15E00] =	vst v63  }
0x13a: {  	s28 =	sadd.s32 $0x880, s18  }
0x13b: {  	[tilespmem:s11], [sflag:$0x1] =	stream.indirect.gather [hbm4b:s3+s7], $0x20, s28, s7, $0xb8;
	[tilespmem:$0x15E00] =	vst v63  }
0x13c: {  	s29 =	sadd.s32 $0x900, s18  }
0x13d: {  	[tilespmem:s12], [sflag:$0x1] =	stream.indirect.gather [hbm4b:s3+s7], $0x20, s29, s7, $0xb8;
	[tilespmem:$0x15E00] =	vst v63  }
0x13e: {  	s18 =	sadd.s32 $0x980, s18  }
0x13f: {  	[tilespmem:s13], [sflag:$0x1] =	stream.indirect.gather [hbm4b:s3+s7], $0x20, s18, s7, $0xb8;
	[tilespmem:$0x15E00] =	vst v63  }
0x140: {  	_ =	swait.ge [sflag:s9], $0x1000  }
0x141: {  	[sflag:s9] =	ssyncset.done $0x0  }
0x142: {  	[sflag:s9] =	ssyncadd.s32 $0xFFFFF000  }
0x143: {  	_ =	swait.ge [sflag:s9], $0x1000  }
0x144: {  	[sflag:s9] =	ssyncset.done $0x0  }
0x145: {  	[sflag:s9] =	ssyncadd.s32 $0xFFFFF000  }
0x146: {  	_ =	swait.ge [sflag:s9], $0x1000  }
0x147: {  	[sflag:s9] =	ssyncset.done $0x0  }
0x148: {  	[sflag:s9] =	ssyncadd.s32 $0xFFFFF000  }
0x149: {  	_ =	swait.ge [sflag:s9], $0x1000  }
0x14a: {  	[sflag:s9] =	ssyncset.done $0x0  }
0x14b: {  	[sflag:s9] =	ssyncadd.s32 $0xFFFFF000  }
0x14c: {  	_ =	swait.ge [sflag:s9], $0x1000  }
0x14d: {  	[sflag:s9] =	ssyncset.done $0x0  }
0x14e: {  	[sflag:s9] =	ssyncadd.s32 $0xFFFFF000  }
0x14f: {  	_ =	swait.ge [sflag:s9], $0x1000  }
0x150: {  	[sflag:s9] =	ssyncset.done $0x0  }
0x151: {  	[sflag:s9] =	ssyncadd.s32 $0xFFFFF000  }
0x152: {  	_ =	swait.ge [sflag:s9], $0x1000  }
0x153: {  	[sflag:s9] =	ssyncset.done $0x0  }
0x154: {  	[sflag:s9] =	ssyncadd.s32 $0xFFFFF000  }
0x155: {  	_ =	swait.ge [sflag:s9], $0x1000  }
0x156: {  	[sflag:s9] =	ssyncset.done $0x0  }
0x157: {  	[sflag:s9] =	ssyncadd.s32 $0xFFFFF000  }
0x158: {  	_ =	swait.ge [sflag:s9], $0x1000  }
0x159: {  	[sflag:s9] =	ssyncset.done $0x0  }
0x15a: {  	[sflag:s9] =	ssyncadd.s32 $0xFFFFF000  }
0x15b: {  	_ =	swait.ge [sflag:s9], $0x1000  }
0x15c: {  	s30 =	rddreg [dreg:$0x2];
	[sflag:s9] =	ssyncset.done $0x0  }
0x15d: {  	s16 =	sadd.s32 $0x1, s16;
	[sflag:s9] =	ssyncadd.s32 $0xFFFFF000;
	s31 =	sadd.s32 s17, s30  }
0x15e: {  	[hbm4b:s31+s2] =	stream.linear.scatter [tilespmem:s10], [sflag:$0x3], $0xA000, $0x38;
	[tilespmem:$0x15E00] =	vst v63  }
0x15f: {  	p0 =	sne.s32 s16, s5;
	_ =	swait.ge [sflag:s14], $0xA000  }
.Ltmp1:
0x160: {  	[sflag:s14] =	ssyncset.done $0x0;
	(pc) =	sbr.rel @p0 .LBB2_1-.Ltmp1, $4  }
0x161: {  	[sflag:s14] =	ssyncadd.s32 $0xFFFF6000  }
0x162: {  	_ =	swait.ge [sflag:s15], $0xA000  }
0x163: {  	[sflag:s15] =	ssyncset.done $0x0  }
0x164: {  	[sflag:s15] =	ssyncadd.s32 $0xFFFF6000  }
0x165: {  	_ =	sfence.sel $0x180000  }
0x166: {  	[bflag:$0x0] =	sbarrier.arrive $0xFFFF  }
0x167: {  	p0 =	sne.s32 s0, $0x0;
	_ =	strace $0x9000004A  }
0x168: {  	s0 =	sadd.s32 @!p0 $0x100000, s1;
	[bflag:$0x2] =	sbarrier.arrive $0xFFFF  }
0x169: {  	[sflag:s0] =	ssyncadd.tile.s32 @!p0 $0x1;
	_ =	shalt  }
.Lfunc_end2:
_tile_overlayer_lowered:
.L_overlay_start_2:
0x16a: {  	(tag) =	ssettag $0x2  }
0x16b: {  	s0 =	rddreg [dreg:$0x0];
	s2 =	stileid.u32  }
0x16c: {  	s1 =	rddreg [dreg:$0x1];
	p0 =	sne.s32 s2, $0x0  }
0x16d: {  	s3 =	rddreg [dreg:$0x2];
	[bflag:$0x3] =	sbarrier.arrive $0xFFFF;
	s2 =	simm.s32 @!p0 $0x1C04  }
0x16e: {  	[timem:s3], [sflag:s2] =	dma.local @!p0 [hbm:s0], s1  }
0x16f: {  	s0 =	simm.s32 @!p0 $0x4  }
0x170: {  	_ =	swait.ge @!p0 [sflag:s0], s1  }
0x171: {  	s1 =	ssub.s32 @!p0 $0x0, s1;
	[sflag:s0] =	ssyncset.done @!p0 $0x0  }
0x172: {  	[sflag:s0] =	ssyncadd.s32 @!p0 s1  }
0x173: {  	[bflag:$0x3] =	sbarrier.arrive $0xFFFF  }
0x174: {  	_ =	shalt  }

</sc_bundles>
